<compile_context>
chip_gen: v7x
topology: tpu7x:2x2x1
jax: 0.10.2.dev20260603
libtpu: 0.0.44.dev20260713+nightly
codegen_flags: <defaults>
</compile_context>

<pallas_src>
import jax
import jax.numpy as jnp
from jax import lax
from jax.experimental import pallas as pl
from jax.experimental.pallas import tpu as pltpu
from jax.experimental.pallas import tpu_sc as plsc


def _make_plan(n_ctx, dim, suf):
    pre_w = dim
    ctx_w = n_ctx * dim
    suf_w = suf * dim
    half = pre_w + ctx_w + suf_w
    plan = []
    for b in range(2):
        base = b * half
        s0 = 3 * b
        plan.append((s0, 0, base, pre_w))
        for j in range(3):
            n = ctx_w // 3
            plan.append((s0 + 1, j * n, base + pre_w + j * n, n))
        for j in range(12):
            n = suf_w // 12
            plan.append((s0 + 2, j * n, base + pre_w + ctx_w + j * n, n))
    return plan


def kernel(ctx_pos, ctx_neg, token_prefix_pos, token_suffix_pos,
           token_prefix_neg, token_suffix_neg,
           tokenized_prompts_pos, tokenized_prompts_neg, cls_id):
    n_ctx = ctx_pos.shape[2]
    dim = ctx_pos.shape[3]
    suf = token_suffix_pos.shape[2]
    ctx_len = 1 + n_ctx + suf
    total_w = 2 * ctx_len * dim

    plan = _make_plan(n_ctx, dim, suf)
    max_chunk = max(n for _, _, _, n in plan)

    pp = token_prefix_pos.reshape(dim)
    cp = ctx_pos.reshape(n_ctx * dim)
    sp = token_suffix_pos.reshape(suf * dim)
    pn = token_prefix_neg.reshape(dim)
    cn = ctx_neg.reshape(n_ctx * dim)
    sn = token_suffix_neg.reshape(suf * dim)
    tp = tokenized_prompts_pos.reshape(1, ctx_len)
    tn = tokenized_prompts_neg.reshape(1, ctx_len)

    mesh = plsc.VectorSubcoreMesh(core_axis_name="c", subcore_axis_name="s")

    def body(pp_h, cp_h, sp_h, pn_h, cn_h, sn_h, tp_h, tn_h,
             out_p, out_t, buf, tok_buf):
        srcs = (pp_h, cp_h, sp_h, pn_h, cn_h, sn_h)
        wid = lax.axis_index("s") * 2 + lax.axis_index("c")
        for w, (si, so, do, n) in enumerate(plan):
            @pl.when(wid == w)
            def _(si=si, so=so, do=do, n=n):
                pltpu.sync_copy(srcs[si].at[pl.ds(so, n)], buf.at[pl.ds(0, n)])
                pltpu.sync_copy(buf.at[pl.ds(0, n)], out_p.at[pl.ds(do, n)])

        @pl.when(wid == 0)
        def _():
            pltpu.sync_copy(tp_h, tok_buf)
            pltpu.sync_copy(tok_buf, out_t.at[pl.ds(0, 1)])

        @pl.when(wid == 16)
        def _():
            pltpu.sync_copy(tn_h, tok_buf)
            pltpu.sync_copy(tok_buf, out_t.at[pl.ds(1, 1)])

    out_p, out_t = pl.kernel(
        body,
        out_type=(
            jax.ShapeDtypeStruct((total_w,), jnp.float32),
            jax.ShapeDtypeStruct((2, ctx_len), jnp.int32),
        ),
        mesh=mesh,
        scratch_types=[
            pltpu.VMEM((max_chunk,), jnp.float32),
            pltpu.VMEM((1, ctx_len), jnp.int32),
        ],
    )(pp, cp, sp, pn, cn, sn, tp, tn)
    return out_p.reshape(2, ctx_len, dim), out_t

# --- scband reference (transcript-rebuilt; emitter-appended) ---
"""Pipeline reference for scband-few-vand-prompt-learner-20375324852671 (READ-ONLY COPY).

The authoritative reference and input builder live on the scoring server;
editing this copy changes nothing except your own understanding.
"""

import jax, jax.numpy as jnp
import numpy as np

N_CTX = 12
CTX_DIM = 768
CTX_LEN = 77
N_CLS = 1
VOCAB = 49408

def setup_inputs(seed: int = 0) -> dict:
    key = jax.random.key(seed)
    ks = jax.random.split(key, 8)
    suf = CTX_LEN - 1 - N_CTX
    return {
        "ctx_pos": 0.02 * jax.random.normal(ks[0], (1, 1, N_CTX, CTX_DIM), dtype=jnp.float32),
        "ctx_neg": 0.02 * jax.random.normal(ks[1], (1, 1, N_CTX, CTX_DIM), dtype=jnp.float32),
        "token_prefix_pos": jax.random.normal(ks[2], (N_CLS, 1, 1, CTX_DIM), dtype=jnp.float32),
        "token_suffix_pos": jax.random.normal(ks[3], (N_CLS, 1, suf, CTX_DIM), dtype=jnp.float32),
        "token_prefix_neg": jax.random.normal(ks[4], (N_CLS, 1, 1, CTX_DIM), dtype=jnp.float32),
        "token_suffix_neg": jax.random.normal(ks[5], (N_CLS, 1, suf, CTX_DIM), dtype=jnp.float32),
        "tokenized_prompts_pos": jax.random.randint(ks[6], (N_CLS, 1, CTX_LEN), 0, VOCAB, dtype=jnp.int32),
        "tokenized_prompts_neg": jax.random.randint(ks[7], (N_CLS, 1, CTX_LEN), 0, VOCAB, dtype=jnp.int32),
        "cls_id": 0,
    }

def reference(ctx_pos, ctx_neg, token_prefix_pos, token_suffix_pos,
              token_prefix_neg, token_suffix_neg,
              tokenized_prompts_pos, tokenized_prompts_neg, cls_id):
    n_cls = token_prefix_pos.shape[0]
    # ctx.expand(n_cls, -1, -1, -1)
    cp = jnp.broadcast_to(ctx_pos, (n_cls,) + ctx_pos.shape[1:])
    cn = jnp.broadcast_to(ctx_neg, (n_cls,) + ctx_neg.shape[1:])
    # prompts_pos = cat([prefix, ctx, suffix], dim=2)
    prompts_pos = jnp.concatenate([token_prefix_pos, cp, token_suffix_pos], axis=2)
    prompts_neg = jnp.concatenate([token_prefix_neg, cn, token_suffix_neg], axis=2)
    # prompts = cat([pos, neg], dim=1)
    prompts = jnp.concatenate([prompts_pos, prompts_neg], axis=1)
    tokenized = jnp.concatenate([tokenized_prompts_pos, tokenized_prompts_neg], axis=1)
    # prompt = prompts[cls_id, :]
    prompt = prompts[cls_id]
    tokenized_prompt = tokenized[cls_id]
    return (prompt, tokenized_prompt)

if __name__ == "__main__":
    import jax
    _d = setup_inputs()
    print(jax.jit(kernel)(*tuple(_d.values())))

</pallas_src>

<mosaic_0001>
#map = affine_map<(d0, d1) -> (0)>
#map1 = affine_map<(d0, d1) -> (0, 0)>
module attributes {stable_mosaic.version = 14 : i64} {
  func.func @body(%arg0: i32, %arg1: i32, %arg2: memref<768xf32, #tpu.memory_space<hbm>>, %arg3: memref<9216xf32, #tpu.memory_space<hbm>>, %arg4: memref<49152xf32, #tpu.memory_space<hbm>>, %arg5: memref<768xf32, #tpu.memory_space<hbm>>, %arg6: memref<9216xf32, #tpu.memory_space<hbm>>, %arg7: memref<49152xf32, #tpu.memory_space<hbm>>, %arg8: memref<1x77xi32, #tpu.memory_space<hbm>>, %arg9: memref<1x77xi32, #tpu.memory_space<hbm>>, %arg10: memref<118272xf32, #tpu.memory_space<hbm>>, %arg11: memref<2x77xi32, #tpu.memory_space<hbm>>, %arg12: memref<4096xf32, #tpu.memory_space<vmem>>, %arg13: memref<1x77xi32, #tpu.memory_space<vmem>>) attributes {dimension_semantics = [#tpu.dimension_semantics<core_parallel>, #tpu.dimension_semantics<subcore_parallel>], iteration_bounds = array<i64: 2, 16>, scalar_prefetch = 0 : i64, scratch_operands = 2 : i64, tpu.core_type = #tpu.core_type<sc_vector_subcore>, window_params = [{transform_indices = #map}, {transform_indices = #map}, {transform_indices = #map}, {transform_indices = #map}, {transform_indices = #map}, {transform_indices = #map}, {transform_indices = #map1}, {transform_indices = #map1}, {transform_indices = #map}, {transform_indices = #map1}]} {
    %mul3A = arith.constant 2 : i32
    %mul3A_0 = arith.muli %arg1, %mul3A : i32
    %add3A = arith.addi %mul3A_0, %arg0 : i32
    %eq3A = arith.constant 0 : i32
    %eq3A_1 = arith.cmpi eq, %add3A, %eq3A : i32
    %convert_element_type3A = arith.extui %eq3A_1 : i1 to i32
    %cond3A = arith.constant 0 : i32
    %cond3A_2 = arith.cmpi ne, %convert_element_type3A, %cond3A : i32
    scf.if %cond3A_2 {
      "tpu.region"() ({
        %run_scoped3A = tpu.sem_alloc : memref<!tpu.dma_semaphore, #tpu.memory_space<semaphore_mem>>
        %dma_start3A = arith.constant 0 : i32
        %dma_start3A_168 = tpu.memref_slice %arg12[%dma_start3A] : memref<4096xf32, #tpu.memory_space<vmem>> -> memref<768xf32, #tpu.memory_space<vmem>>
        %dma_start3A_169 = arith.constant 0 : i32
        %dma_start3A_170 = tpu.memref_slice %arg2[%dma_start3A_169] : memref<768xf32, #tpu.memory_space<hbm>> -> memref<768xf32, #tpu.memory_space<hbm>>
        %dma_start3A_171 = arith.constant 0 : i32
        %dma_start3A_172 = tpu.memref_slice %arg12[%dma_start3A_171] : memref<4096xf32, #tpu.memory_space<vmem>> -> memref<768xf32, #tpu.memory_space<vmem>>
        %dma_start3A_173 = arith.constant 0 : i32
        %dma_start3A_174 = tpu.memref_slice %arg2[%dma_start3A_173] : memref<768xf32, #tpu.memory_space<hbm>> -> memref<768xf32, #tpu.memory_space<hbm>>
        tpu.enqueue_dma source(%dma_start3A_174 : memref<768xf32, #tpu.memory_space<hbm>>) target(%dma_start3A_172 : memref<768xf32, #tpu.memory_space<vmem>>) target_semaphore(%run_scoped3A : memref<!tpu.dma_semaphore, #tpu.memory_space<semaphore_mem>>)
        %dma_wait3A = arith.constant 0 : i32
        %dma_wait3A_175 = tpu.memref_slice %arg12[%dma_wait3A] : memref<4096xf32, #tpu.memory_space<vmem>> -> memref<768xf32, #tpu.memory_space<vmem>>
        %dma_wait3A_176 = arith.constant 0 : i32
        %dma_wait3A_177 = tpu.memref_slice %arg2[%dma_wait3A_176] : memref<768xf32, #tpu.memory_space<hbm>> -> memref<768xf32, #tpu.memory_space<hbm>>
        %dma_wait3A_178 = arith.constant 0 : i32
        %dma_wait3A_179 = tpu.memref_slice %arg12[%dma_wait3A_178] : memref<4096xf32, #tpu.memory_space<vmem>> -> memref<768xf32, #tpu.memory_space<vmem>>
        %dma_wait3A_180 = arith.constant 0 : i32
        %dma_wait3A_181 = tpu.memref_slice %arg2[%dma_wait3A_180] : memref<768xf32, #tpu.memory_space<hbm>> -> memref<768xf32, #tpu.memory_space<hbm>>
        tpu.wait_dma2 semaphore(%run_scoped3A : memref<!tpu.dma_semaphore, #tpu.memory_space<semaphore_mem>>) src(%dma_wait3A_181 : memref<768xf32, #tpu.memory_space<hbm>>) dst(%dma_wait3A_179 : memref<768xf32, #tpu.memory_space<vmem>>)
        tpu.yield
      }) : () -> ()
      "tpu.region"() ({
        %run_scoped3A = tpu.sem_alloc : memref<!tpu.dma_semaphore, #tpu.memory_space<semaphore_mem>>
        %dma_start3A = arith.constant 0 : i32
        %dma_start3A_168 = tpu.memref_slice %arg12[%dma_start3A] : memref<4096xf32, #tpu.memory_space<vmem>> -> memref<768xf32, #tpu.memory_space<vmem>>
        %dma_start3A_169 = arith.constant 0 : i32
        %dma_start3A_170 = tpu.memref_slice %arg10[%dma_start3A_169] : memref<118272xf32, #tpu.memory_space<hbm>> -> memref<768xf32, #tpu.memory_space<hbm>>
        %dma_start3A_171 = arith.constant 0 : i32
        %dma_start3A_172 = tpu.memref_slice %arg10[%dma_start3A_171] : memref<118272xf32, #tpu.memory_space<hbm>> -> memref<768xf32, #tpu.memory_space<hbm>>
        %dma_start3A_173 = arith.constant 0 : i32
        %dma_start3A_174 = tpu.memref_slice %arg12[%dma_start3A_173] : memref<4096xf32, #tpu.memory_space<vmem>> -> memref<768xf32, #tpu.memory_space<vmem>>
        tpu.enqueue_dma source(%dma_start3A_174 : memref<768xf32, #tpu.memory_space<vmem>>) target(%dma_start3A_172 : memref<768xf32, #tpu.memory_space<hbm>>) target_semaphore(%run_scoped3A : memref<!tpu.dma_semaphore, #tpu.memory_space<semaphore_mem>>)
        %dma_wait3A = arith.constant 0 : i32
        %dma_wait3A_175 = tpu.memref_slice %arg12[%dma_wait3A] : memref<4096xf32, #tpu.memory_space<vmem>> -> memref<768xf32, #tpu.memory_space<vmem>>
        %dma_wait3A_176 = arith.constant 0 : i32
        %dma_wait3A_177 = tpu.memref_slice %arg10[%dma_wait3A_176] : memref<118272xf32, #tpu.memory_space<hbm>> -> memref<768xf32, #tpu.memory_space<hbm>>
        %dma_wait3A_178 = arith.constant 0 : i32
        %dma_wait3A_179 = tpu.memref_slice %arg10[%dma_wait3A_178] : memref<118272xf32, #tpu.memory_space<hbm>> -> memref<768xf32, #tpu.memory_space<hbm>>
        %dma_wait3A_180 = arith.constant 0 : i32
        %dma_wait3A_181 = tpu.memref_slice %arg12[%dma_wait3A_180] : memref<4096xf32, #tpu.memory_space<vmem>> -> memref<768xf32, #tpu.memory_space<vmem>>
        tpu.wait_dma2 semaphore(%run_scoped3A : memref<!tpu.dma_semaphore, #tpu.memory_space<semaphore_mem>>) src(%dma_wait3A_181 : memref<768xf32, #tpu.memory_space<vmem>>) dst(%dma_wait3A_179 : memref<768xf32, #tpu.memory_space<hbm>>)
        tpu.yield
      }) : () -> ()
    } else {
    }
    %eq3A_3 = arith.constant 1 : i32
    %eq3A_4 = arith.cmpi eq, %add3A, %eq3A_3 : i32
    %convert_element_type3A_5 = arith.extui %eq3A_4 : i1 to i32
    %cond3A_6 = arith.constant 0 : i32
    %cond3A_7 = arith.cmpi ne, %convert_element_type3A_5, %cond3A_6 : i32
    scf.if %cond3A_7 {
      "tpu.region"() ({
        %run_scoped3A = tpu.sem_alloc : memref<!tpu.dma_semaphore, #tpu.memory_space<semaphore_mem>>
        %dma_start3A = arith.constant 0 : i32
        %dma_start3A_168 = tpu.memref_slice %arg12[%dma_start3A] : memref<4096xf32, #tpu.memory_space<vmem>> -> memref<3072xf32, #tpu.memory_space<vmem>>
        %dma_start3A_169 = arith.constant 0 : i32
        %dma_start3A_170 = tpu.memref_slice %arg3[%dma_start3A_169] : memref<9216xf32, #tpu.memory_space<hbm>> -> memref<3072xf32, #tpu.memory_space<hbm>>
        %dma_start3A_171 = arith.constant 0 : i32
        %dma_start3A_172 = tpu.memref_slice %arg12[%dma_start3A_171] : memref<4096xf32, #tpu.memory_space<vmem>> -> memref<3072xf32, #tpu.memory_space<vmem>>
        %dma_start3A_173 = arith.constant 0 : i32
        %dma_start3A_174 = tpu.memref_slice %arg3[%dma_start3A_173] : memref<9216xf32, #tpu.memory_space<hbm>> -> memref<3072xf32, #tpu.memory_space<hbm>>
        tpu.enqueue_dma source(%dma_start3A_174 : memref<3072xf32, #tpu.memory_space<hbm>>) target(%dma_start3A_172 : memref<3072xf32, #tpu.memory_space<vmem>>) target_semaphore(%run_scoped3A : memref<!tpu.dma_semaphore, #tpu.memory_space<semaphore_mem>>)
        %dma_wait3A = arith.constant 0 : i32
        %dma_wait3A_175 = tpu.memref_slice %arg12[%dma_wait3A] : memref<4096xf32, #tpu.memory_space<vmem>> -> memref<3072xf32, #tpu.memory_space<vmem>>
        %dma_wait3A_176 = arith.constant 0 : i32
        %dma_wait3A_177 = tpu.memref_slice %arg3[%dma_wait3A_176] : memref<9216xf32, #tpu.memory_space<hbm>> -> memref<3072xf32, #tpu.memory_space<hbm>>
        %dma_wait3A_178 = arith.constant 0 : i32
        %dma_wait3A_179 = tpu.memref_slice %arg12[%dma_wait3A_178] : memref<4096xf32, #tpu.memory_space<vmem>> -> memref<3072xf32, #tpu.memory_space<vmem>>
        %dma_wait3A_180 = arith.constant 0 : i32
        %dma_wait3A_181 = tpu.memref_slice %arg3[%dma_wait3A_180] : memref<9216xf32, #tpu.memory_space<hbm>> -> memref<3072xf32, #tpu.memory_space<hbm>>
        tpu.wait_dma2 semaphore(%run_scoped3A : memref<!tpu.dma_semaphore, #tpu.memory_space<semaphore_mem>>) src(%dma_wait3A_181 : memref<3072xf32, #tpu.memory_space<hbm>>) dst(%dma_wait3A_179 : memref<3072xf32, #tpu.memory_space<vmem>>)
        tpu.yield
      }) : () -> ()
      "tpu.region"() ({
        %run_scoped3A = tpu.sem_alloc : memref<!tpu.dma_semaphore, #tpu.memory_space<semaphore_mem>>
        %dma_start3A = arith.constant 0 : i32
        %dma_start3A_168 = tpu.memref_slice %arg12[%dma_start3A] : memref<4096xf32, #tpu.memory_space<vmem>> -> memref<3072xf32, #tpu.memory_space<vmem>>
        %dma_start3A_169 = arith.constant 768 : i32
        %dma_start3A_170 = tpu.memref_slice %arg10[%dma_start3A_169] : memref<118272xf32, #tpu.memory_space<hbm>> -> memref<3072xf32, #tpu.memory_space<hbm>>
        %dma_start3A_171 = arith.constant 768 : i32
        %dma_start3A_172 = tpu.memref_slice %arg10[%dma_start3A_171] : memref<118272xf32, #tpu.memory_space<hbm>> -> memref<3072xf32, #tpu.memory_space<hbm>>
        %dma_start3A_173 = arith.constant 0 : i32
        %dma_start3A_174 = tpu.memref_slice %arg12[%dma_start3A_173] : memref<4096xf32, #tpu.memory_space<vmem>> -> memref<3072xf32, #tpu.memory_space<vmem>>
        tpu.enqueue_dma source(%dma_start3A_174 : memref<3072xf32, #tpu.memory_space<vmem>>) target(%dma_start3A_172 : memref<3072xf32, #tpu.memory_space<hbm>>) target_semaphore(%run_scoped3A : memref<!tpu.dma_semaphore, #tpu.memory_space<semaphore_mem>>)
        %dma_wait3A = arith.constant 0 : i32
        %dma_wait3A_175 = tpu.memref_slice %arg12[%dma_wait3A] : memref<4096xf32, #tpu.memory_space<vmem>> -> memref<3072xf32, #tpu.memory_space<vmem>>
        %dma_wait3A_176 = arith.constant 768 : i32
        %dma_wait3A_177 = tpu.memref_slice %arg10[%dma_wait3A_176] : memref<118272xf32, #tpu.memory_space<hbm>> -> memref<3072xf32, #tpu.memory_space<hbm>>
        %dma_wait3A_178 = arith.constant 768 : i32
        %dma_wait3A_179 = tpu.memref_slice %arg10[%dma_wait3A_178] : memref<118272xf32, #tpu.memory_space<hbm>> -> memref<3072xf32, #tpu.memory_space<hbm>>
        %dma_wait3A_180 = arith.constant 0 : i32
        %dma_wait3A_181 = tpu.memref_slice %arg12[%dma_wait3A_180] : memref<4096xf32, #tpu.memory_space<vmem>> -> memref<3072xf32, #tpu.memory_space<vmem>>
        tpu.wait_dma2 semaphore(%run_scoped3A : memref<!tpu.dma_semaphore, #tpu.memory_space<semaphore_mem>>) src(%dma_wait3A_181 : memref<3072xf32, #tpu.memory_space<vmem>>) dst(%dma_wait3A_179 : memref<3072xf32, #tpu.memory_space<hbm>>)
        tpu.yield
      }) : () -> ()
    } else {
    }
    %eq3A_8 = arith.constant 2 : i32
    %eq3A_9 = arith.cmpi eq, %add3A, %eq3A_8 : i32
    %convert_element_type3A_10 = arith.extui %eq3A_9 : i1 to i32
    %cond3A_11 = arith.constant 0 : i32
    %cond3A_12 = arith.cmpi ne, %convert_element_type3A_10, %cond3A_11 : i32
    scf.if %cond3A_12 {
      "tpu.region"() ({
        %run_scoped3A = tpu.sem_alloc : memref<!tpu.dma_semaphore, #tpu.memory_space<semaphore_mem>>
        %dma_start3A = arith.constant 0 : i32
        %dma_start3A_168 = tpu.memref_slice %arg12[%dma_start3A] : memref<4096xf32, #tpu.memory_space<vmem>> -> memref<3072xf32, #tpu.memory_space<vmem>>
        %dma_start3A_169 = arith.constant 3072 : i32
        %dma_start3A_170 = tpu.memref_slice %arg3[%dma_start3A_169] : memref<9216xf32, #tpu.memory_space<hbm>> -> memref<3072xf32, #tpu.memory_space<hbm>>
        %dma_start3A_171 = arith.constant 0 : i32
        %dma_start3A_172 = tpu.memref_slice %arg12[%dma_start3A_171] : memref<4096xf32, #tpu.memory_space<vmem>> -> memref<3072xf32, #tpu.memory_space<vmem>>
        %dma_start3A_173 = arith.constant 3072 : i32
        %dma_start3A_174 = tpu.memref_slice %arg3[%dma_start3A_173] : memref<9216xf32, #tpu.memory_space<hbm>> -> memref<3072xf32, #tpu.memory_space<hbm>>
        tpu.enqueue_dma source(%dma_start3A_174 : memref<3072xf32, #tpu.memory_space<hbm>>) target(%dma_start3A_172 : memref<3072xf32, #tpu.memory_space<vmem>>) target_semaphore(%run_scoped3A : memref<!tpu.dma_semaphore, #tpu.memory_space<semaphore_mem>>)
        %dma_wait3A = arith.constant 0 : i32
        %dma_wait3A_175 = tpu.memref_slice %arg12[%dma_wait3A] : memref<4096xf32, #tpu.memory_space<vmem>> -> memref<3072xf32, #tpu.memory_space<vmem>>
        %dma_wait3A_176 = arith.constant 3072 : i32
        %dma_wait3A_177 = tpu.memref_slice %arg3[%dma_wait3A_176] : memref<9216xf32, #tpu.memory_space<hbm>> -> memref<3072xf32, #tpu.memory_space<hbm>>
        %dma_wait3A_178 = arith.constant 0 : i32
        %dma_wait3A_179 = tpu.memref_slice %arg12[%dma_wait3A_178] : memref<4096xf32, #tpu.memory_space<vmem>> -> memref<3072xf32, #tpu.memory_space<vmem>>
        %dma_wait3A_180 = arith.constant 3072 : i32
        %dma_wait3A_181 = tpu.memref_slice %arg3[%dma_wait3A_180] : memref<9216xf32, #tpu.memory_space<hbm>> -> memref<3072xf32, #tpu.memory_space<hbm>>
        tpu.wait_dma2 semaphore(%run_scoped3A : memref<!tpu.dma_semaphore, #tpu.memory_space<semaphore_mem>>) src(%dma_wait3A_181 : memref<3072xf32, #tpu.memory_space<hbm>>) dst(%dma_wait3A_179 : memref<3072xf32, #tpu.memory_space<vmem>>)
        tpu.yield
      }) : () -> ()
      "tpu.region"() ({
        %run_scoped3A = tpu.sem_alloc : memref<!tpu.dma_semaphore, #tpu.memory_space<semaphore_mem>>
        %dma_start3A = arith.constant 0 : i32
        %dma_start3A_168 = tpu.memref_slice %arg12[%dma_start3A] : memref<4096xf32, #tpu.memory_space<vmem>> -> memref<3072xf32, #tpu.memory_space<vmem>>
        %dma_start3A_169 = arith.constant 3840 : i32
        %dma_start3A_170 = tpu.memref_slice %arg10[%dma_start3A_169] : memref<118272xf32, #tpu.memory_space<hbm>> -> memref<3072xf32, #tpu.memory_space<hbm>>
        %dma_start3A_171 = arith.constant 3840 : i32
        %dma_start3A_172 = tpu.memref_slice %arg10[%dma_start3A_171] : memref<118272xf32, #tpu.memory_space<hbm>> -> memref<3072xf32, #tpu.memory_space<hbm>>
        %dma_start3A_173 = arith.constant 0 : i32
        %dma_start3A_174 = tpu.memref_slice %arg12[%dma_start3A_173] : memref<4096xf32, #tpu.memory_space<vmem>> -> memref<3072xf32, #tpu.memory_space<vmem>>
        tpu.enqueue_dma source(%dma_start3A_174 : memref<3072xf32, #tpu.memory_space<vmem>>) target(%dma_start3A_172 : memref<3072xf32, #tpu.memory_space<hbm>>) target_semaphore(%run_scoped3A : memref<!tpu.dma_semaphore, #tpu.memory_space<semaphore_mem>>)
        %dma_wait3A = arith.constant 0 : i32
        %dma_wait3A_175 = tpu.memref_slice %arg12[%dma_wait3A] : memref<4096xf32, #tpu.memory_space<vmem>> -> memref<3072xf32, #tpu.memory_space<vmem>>
        %dma_wait3A_176 = arith.constant 3840 : i32
        %dma_wait3A_177 = tpu.memref_slice %arg10[%dma_wait3A_176] : memref<118272xf32, #tpu.memory_space<hbm>> -> memref<3072xf32, #tpu.memory_space<hbm>>
        %dma_wait3A_178 = arith.constant 3840 : i32
        %dma_wait3A_179 = tpu.memref_slice %arg10[%dma_wait3A_178] : memref<118272xf32, #tpu.memory_space<hbm>> -> memref<3072xf32, #tpu.memory_space<hbm>>
        %dma_wait3A_180 = arith.constant 0 : i32
        %dma_wait3A_181 = tpu.memref_slice %arg12[%dma_wait3A_180] : memref<4096xf32, #tpu.memory_space<vmem>> -> memref<3072xf32, #tpu.memory_space<vmem>>
        tpu.wait_dma2 semaphore(%run_scoped3A : memref<!tpu.dma_semaphore, #tpu.memory_space<semaphore_mem>>) src(%dma_wait3A_181 : memref<3072xf32, #tpu.memory_space<vmem>>) dst(%dma_wait3A_179 : memref<3072xf32, #tpu.memory_space<hbm>>)
        tpu.yield
      }) : () -> ()
    } else {
    }
    %eq3A_13 = arith.constant 3 : i32
    %eq3A_14 = arith.cmpi eq, %add3A, %eq3A_13 : i32
    %convert_element_type3A_15 = arith.extui %eq3A_14 : i1 to i32
    %cond3A_16 = arith.constant 0 : i32
    %cond3A_17 = arith.cmpi ne, %convert_element_type3A_15, %cond3A_16 : i32
    scf.if %cond3A_17 {
      "tpu.region"() ({
        %run_scoped3A = tpu.sem_alloc : memref<!tpu.dma_semaphore, #tpu.memory_space<semaphore_mem>>
        %dma_start3A = arith.constant 0 : i32
        %dma_start3A_168 = tpu.memref_slice %arg12[%dma_start3A] : memref<4096xf32, #tpu.memory_space<vmem>> -> memref<3072xf32, #tpu.memory_space<vmem>>
        %dma_start3A_169 = arith.constant 6144 : i32
        %dma_start3A_170 = tpu.memref_slice %arg3[%dma_start3A_169] : memref<9216xf32, #tpu.memory_space<hbm>> -> memref<3072xf32, #tpu.memory_space<hbm>>
        %dma_start3A_171 = arith.constant 0 : i32
        %dma_start3A_172 = tpu.memref_slice %arg12[%dma_start3A_171] : memref<4096xf32, #tpu.memory_space<vmem>> -> memref<3072xf32, #tpu.memory_space<vmem>>
        %dma_start3A_173 = arith.constant 6144 : i32
        %dma_start3A_174 = tpu.memref_slice %arg3[%dma_start3A_173] : memref<9216xf32, #tpu.memory_space<hbm>> -> memref<3072xf32, #tpu.memory_space<hbm>>
        tpu.enqueue_dma source(%dma_start3A_174 : memref<3072xf32, #tpu.memory_space<hbm>>) target(%dma_start3A_172 : memref<3072xf32, #tpu.memory_space<vmem>>) target_semaphore(%run_scoped3A : memref<!tpu.dma_semaphore, #tpu.memory_space<semaphore_mem>>)
        %dma_wait3A = arith.constant 0 : i32
        %dma_wait3A_175 = tpu.memref_slice %arg12[%dma_wait3A] : memref<4096xf32, #tpu.memory_space<vmem>> -> memref<3072xf32, #tpu.memory_space<vmem>>
        %dma_wait3A_176 = arith.constant 6144 : i32
        %dma_wait3A_177 = tpu.memref_slice %arg3[%dma_wait3A_176] : memref<9216xf32, #tpu.memory_space<hbm>> -> memref<3072xf32, #tpu.memory_space<hbm>>
        %dma_wait3A_178 = arith.constant 0 : i32
        %dma_wait3A_179 = tpu.memref_slice %arg12[%dma_wait3A_178] : memref<4096xf32, #tpu.memory_space<vmem>> -> memref<3072xf32, #tpu.memory_space<vmem>>
        %dma_wait3A_180 = arith.constant 6144 : i32
        %dma_wait3A_181 = tpu.memref_slice %arg3[%dma_wait3A_180] : memref<9216xf32, #tpu.memory_space<hbm>> -> memref<3072xf32, #tpu.memory_space<hbm>>
        tpu.wait_dma2 semaphore(%run_scoped3A : memref<!tpu.dma_semaphore, #tpu.memory_space<semaphore_mem>>) src(%dma_wait3A_181 : memref<3072xf32, #tpu.memory_space<hbm>>) dst(%dma_wait3A_179 : memref<3072xf32, #tpu.memory_space<vmem>>)
        tpu.yield
      }) : () -> ()
      "tpu.region"() ({
        %run_scoped3A = tpu.sem_alloc : memref<!tpu.dma_semaphore, #tpu.memory_space<semaphore_mem>>
        %dma_start3A = arith.constant 0 : i32
        %dma_start3A_168 = tpu.memref_slice %arg12[%dma_start3A] : memref<4096xf32, #tpu.memory_space<vmem>> -> memref<3072xf32, #tpu.memory_space<vmem>>
        %dma_start3A_169 = arith.constant 6912 : i32
        %dma_start3A_170 = tpu.memref_slice %arg10[%dma_start3A_169] : memref<118272xf32, #tpu.memory_space<hbm>> -> memref<3072xf32, #tpu.memory_space<hbm>>
        %dma_start3A_171 = arith.constant 6912 : i32
        %dma_start3A_172 = tpu.memref_slice %arg10[%dma_start3A_171] : memref<118272xf32, #tpu.memory_space<hbm>> -> memref<3072xf32, #tpu.memory_space<hbm>>
        %dma_start3A_173 = arith.constant 0 : i32
        %dma_start3A_174 = tpu.memref_slice %arg12[%dma_start3A_173] : memref<4096xf32, #tpu.memory_space<vmem>> -> memref<3072xf32, #tpu.memory_space<vmem>>
        tpu.enqueue_dma source(%dma_start3A_174 : memref<3072xf32, #tpu.memory_space<vmem>>) target(%dma_start3A_172 : memref<3072xf32, #tpu.memory_space<hbm>>) target_semaphore(%run_scoped3A : memref<!tpu.dma_semaphore, #tpu.memory_space<semaphore_mem>>)
        %dma_wait3A = arith.constant 0 : i32
        %dma_wait3A_175 = tpu.memref_slice %arg12[%dma_wait3A] : memref<4096xf32, #tpu.memory_space<vmem>> -> memref<3072xf32, #tpu.memory_space<vmem>>
        %dma_wait3A_176 = arith.constant 6912 : i32
        %dma_wait3A_177 = tpu.memref_slice %arg10[%dma_wait3A_176] : memref<118272xf32, #tpu.memory_space<hbm>> -> memref<3072xf32, #tpu.memory_space<hbm>>
        %dma_wait3A_178 = arith.constant 6912 : i32
        %dma_wait3A_179 = tpu.memref_slice %arg10[%dma_wait3A_178] : memref<118272xf32, #tpu.memory_space<hbm>> -> memref<3072xf32, #tpu.memory_space<hbm>>
        %dma_wait3A_180 = arith.constant 0 : i32
        %dma_wait3A_181 = tpu.memref_slice %arg12[%dma_wait3A_180] : memref<4096xf32, #tpu.memory_space<vmem>> -> memref<3072xf32, #tpu.memory_space<vmem>>
        tpu.wait_dma2 semaphore(%run_scoped3A : memref<!tpu.dma_semaphore, #tpu.memory_space<semaphore_mem>>) src(%dma_wait3A_181 : memref<3072xf32, #tpu.memory_space<vmem>>) dst(%dma_wait3A_179 : memref<3072xf32, #tpu.memory_space<hbm>>)
        tpu.yield
      }) : () -> ()
    } else {
    }
    %eq3A_18 = arith.constant 4 : i32
    %eq3A_19 = arith.cmpi eq, %add3A, %eq3A_18 : i32
    %convert_element_type3A_20 = arith.extui %eq3A_19 : i1 to i32
    %cond3A_21 = arith.constant 0 : i32
    %cond3A_22 = arith.cmpi ne, %convert_element_type3A_20, %cond3A_21 : i32
    scf.if %cond3A_22 {
      "tpu.region"() ({
        %run_scoped3A = tpu.sem_alloc : memref<!tpu.dma_semaphore, #tpu.memory_space<semaphore_mem>>
        %dma_start3A = arith.constant 0 : i32
        %dma_start3A_168 = tpu.memref_slice %arg12[%dma_start3A] : memref<4096xf32, #tpu.memory_space<vmem>> -> memref<4096xf32, #tpu.memory_space<vmem>>
        %dma_start3A_169 = arith.constant 0 : i32
        %dma_start3A_170 = tpu.memref_slice %arg4[%dma_start3A_169] : memref<49152xf32, #tpu.memory_space<hbm>> -> memref<4096xf32, #tpu.memory_space<hbm>>
        %dma_start3A_171 = arith.constant 0 : i32
        %dma_start3A_172 = tpu.memref_slice %arg12[%dma_start3A_171] : memref<4096xf32, #tpu.memory_space<vmem>> -> memref<4096xf32, #tpu.memory_space<vmem>>
        %dma_start3A_173 = arith.constant 0 : i32
        %dma_start3A_174 = tpu.memref_slice %arg4[%dma_start3A_173] : memref<49152xf32, #tpu.memory_space<hbm>> -> memref<4096xf32, #tpu.memory_space<hbm>>
        tpu.enqueue_dma source(%dma_start3A_174 : memref<4096xf32, #tpu.memory_space<hbm>>) target(%dma_start3A_172 : memref<4096xf32, #tpu.memory_space<vmem>>) target_semaphore(%run_scoped3A : memref<!tpu.dma_semaphore, #tpu.memory_space<semaphore_mem>>)
        %dma_wait3A = arith.constant 0 : i32
        %dma_wait3A_175 = tpu.memref_slice %arg12[%dma_wait3A] : memref<4096xf32, #tpu.memory_space<vmem>> -> memref<4096xf32, #tpu.memory_space<vmem>>
        %dma_wait3A_176 = arith.constant 0 : i32
        %dma_wait3A_177 = tpu.memref_slice %arg4[%dma_wait3A_176] : memref<49152xf32, #tpu.memory_space<hbm>> -> memref<4096xf32, #tpu.memory_space<hbm>>
        %dma_wait3A_178 = arith.constant 0 : i32
        %dma_wait3A_179 = tpu.memref_slice %arg12[%dma_wait3A_178] : memref<4096xf32, #tpu.memory_space<vmem>> -> memref<4096xf32, #tpu.memory_space<vmem>>
        %dma_wait3A_180 = arith.constant 0 : i32
        %dma_wait3A_181 = tpu.memref_slice %arg4[%dma_wait3A_180] : memref<49152xf32, #tpu.memory_space<hbm>> -> memref<4096xf32, #tpu.memory_space<hbm>>
        tpu.wait_dma2 semaphore(%run_scoped3A : memref<!tpu.dma_semaphore, #tpu.memory_space<semaphore_mem>>) src(%dma_wait3A_181 : memref<4096xf32, #tpu.memory_space<hbm>>) dst(%dma_wait3A_179 : memref<4096xf32, #tpu.memory_space<vmem>>)
        tpu.yield
      }) : () -> ()
      "tpu.region"() ({
        %run_scoped3A = tpu.sem_alloc : memref<!tpu.dma_semaphore, #tpu.memory_space<semaphore_mem>>
        %dma_start3A = arith.constant 0 : i32
        %dma_start3A_168 = tpu.memref_slice %arg12[%dma_start3A] : memref<4096xf32, #tpu.memory_space<vmem>> -> memref<4096xf32, #tpu.memory_space<vmem>>
        %dma_start3A_169 = arith.constant 9984 : i32
        %dma_start3A_170 = tpu.memref_slice %arg10[%dma_start3A_169] : memref<118272xf32, #tpu.memory_space<hbm>> -> memref<4096xf32, #tpu.memory_space<hbm>>
        %dma_start3A_171 = arith.constant 9984 : i32
        %dma_start3A_172 = tpu.memref_slice %arg10[%dma_start3A_171] : memref<118272xf32, #tpu.memory_space<hbm>> -> memref<4096xf32, #tpu.memory_space<hbm>>
        %dma_start3A_173 = arith.constant 0 : i32
        %dma_start3A_174 = tpu.memref_slice %arg12[%dma_start3A_173] : memref<4096xf32, #tpu.memory_space<vmem>> -> memref<4096xf32, #tpu.memory_space<vmem>>
        tpu.enqueue_dma source(%dma_start3A_174 : memref<4096xf32, #tpu.memory_space<vmem>>) target(%dma_start3A_172 : memref<4096xf32, #tpu.memory_space<hbm>>) target_semaphore(%run_scoped3A : memref<!tpu.dma_semaphore, #tpu.memory_space<semaphore_mem>>)
        %dma_wait3A = arith.constant 0 : i32
        %dma_wait3A_175 = tpu.memref_slice %arg12[%dma_wait3A] : memref<4096xf32, #tpu.memory_space<vmem>> -> memref<4096xf32, #tpu.memory_space<vmem>>
        %dma_wait3A_176 = arith.constant 9984 : i32
        %dma_wait3A_177 = tpu.memref_slice %arg10[%dma_wait3A_176] : memref<118272xf32, #tpu.memory_space<hbm>> -> memref<4096xf32, #tpu.memory_space<hbm>>
        %dma_wait3A_178 = arith.constant 9984 : i32
        %dma_wait3A_179 = tpu.memref_slice %arg10[%dma_wait3A_178] : memref<118272xf32, #tpu.memory_space<hbm>> -> memref<4096xf32, #tpu.memory_space<hbm>>
        %dma_wait3A_180 = arith.constant 0 : i32
        %dma_wait3A_181 = tpu.memref_slice %arg12[%dma_wait3A_180] : memref<4096xf32, #tpu.memory_space<vmem>> -> memref<4096xf32, #tpu.memory_space<vmem>>
        tpu.wait_dma2 semaphore(%run_scoped3A : memref<!tpu.dma_semaphore, #tpu.memory_space<semaphore_mem>>) src(%dma_wait3A_181 : memref<4096xf32, #tpu.memory_space<vmem>>) dst(%dma_wait3A_179 : memref<4096xf32, #tpu.memory_space<hbm>>)
        tpu.yield
      }) : () -> ()
    } else {
    }
    %eq3A_23 = arith.constant 5 : i32
    %eq3A_24 = arith.cmpi eq, %add3A, %eq3A_23 : i32
    %convert_element_type3A_25 = arith.extui %eq3A_24 : i1 to i32
    %cond3A_26 = arith.constant 0 : i32
    %cond3A_27 = arith.cmpi ne, %convert_element_type3A_25, %cond3A_26 : i32
    scf.if %cond3A_27 {
      "tpu.region"() ({
        %run_scoped3A = tpu.sem_alloc : memref<!tpu.dma_semaphore, #tpu.memory_space<semaphore_mem>>
        %dma_start3A = arith.constant 0 : i32
        %dma_start3A_168 = tpu.memref_slice %arg12[%dma_start3A] : memref<4096xf32, #tpu.memory_space<vmem>> -> memref<4096xf32, #tpu.memory_space<vmem>>
        %dma_start3A_169 = arith.constant 4096 : i32
        %dma_start3A_170 = tpu.memref_slice %arg4[%dma_start3A_169] : memref<49152xf32, #tpu.memory_space<hbm>> -> memref<4096xf32, #tpu.memory_space<hbm>>
        %dma_start3A_171 = arith.constant 0 : i32
        %dma_start3A_172 = tpu.memref_slice %arg12[%dma_start3A_171] : memref<4096xf32, #tpu.memory_space<vmem>> -> memref<4096xf32, #tpu.memory_space<vmem>>
        %dma_start3A_173 = arith.constant 4096 : i32
        %dma_start3A_174 = tpu.memref_slice %arg4[%dma_start3A_173] : memref<49152xf32, #tpu.memory_space<hbm>> -> memref<4096xf32, #tpu.memory_space<hbm>>
        tpu.enqueue_dma source(%dma_start3A_174 : memref<4096xf32, #tpu.memory_space<hbm>>) target(%dma_start3A_172 : memref<4096xf32, #tpu.memory_space<vmem>>) target_semaphore(%run_scoped3A : memref<!tpu.dma_semaphore, #tpu.memory_space<semaphore_mem>>)
        %dma_wait3A = arith.constant 0 : i32
        %dma_wait3A_175 = tpu.memref_slice %arg12[%dma_wait3A] : memref<4096xf32, #tpu.memory_space<vmem>> -> memref<4096xf32, #tpu.memory_space<vmem>>
        %dma_wait3A_176 = arith.constant 4096 : i32
        %dma_wait3A_177 = tpu.memref_slice %arg4[%dma_wait3A_176] : memref<49152xf32, #tpu.memory_space<hbm>> -> memref<4096xf32, #tpu.memory_space<hbm>>
        %dma_wait3A_178 = arith.constant 0 : i32
        %dma_wait3A_179 = tpu.memref_slice %arg12[%dma_wait3A_178] : memref<4096xf32, #tpu.memory_space<vmem>> -> memref<4096xf32, #tpu.memory_space<vmem>>
        %dma_wait3A_180 = arith.constant 4096 : i32
        %dma_wait3A_181 = tpu.memref_slice %arg4[%dma_wait3A_180] : memref<49152xf32, #tpu.memory_space<hbm>> -> memref<4096xf32, #tpu.memory_space<hbm>>
        tpu.wait_dma2 semaphore(%run_scoped3A : memref<!tpu.dma_semaphore, #tpu.memory_space<semaphore_mem>>) src(%dma_wait3A_181 : memref<4096xf32, #tpu.memory_space<hbm>>) dst(%dma_wait3A_179 : memref<4096xf32, #tpu.memory_space<vmem>>)
        tpu.yield
      }) : () -> ()
      "tpu.region"() ({
        %run_scoped3A = tpu.sem_alloc : memref<!tpu.dma_semaphore, #tpu.memory_space<semaphore_mem>>
        %dma_start3A = arith.constant 0 : i32
        %dma_start3A_168 = tpu.memref_slice %arg12[%dma_start3A] : memref<4096xf32, #tpu.memory_space<vmem>> -> memref<4096xf32, #tpu.memory_space<vmem>>
        %dma_start3A_169 = arith.constant 14080 : i32
        %dma_start3A_170 = tpu.memref_slice %arg10[%dma_start3A_169] : memref<118272xf32, #tpu.memory_space<hbm>> -> memref<4096xf32, #tpu.memory_space<hbm>>
        %dma_start3A_171 = arith.constant 14080 : i32
        %dma_start3A_172 = tpu.memref_slice %arg10[%dma_start3A_171] : memref<118272xf32, #tpu.memory_space<hbm>> -> memref<4096xf32, #tpu.memory_space<hbm>>
        %dma_start3A_173 = arith.constant 0 : i32
        %dma_start3A_174 = tpu.memref_slice %arg12[%dma_start3A_173] : memref<4096xf32, #tpu.memory_space<vmem>> -> memref<4096xf32, #tpu.memory_space<vmem>>
        tpu.enqueue_dma source(%dma_start3A_174 : memref<4096xf32, #tpu.memory_space<vmem>>) target(%dma_start3A_172 : memref<4096xf32, #tpu.memory_space<hbm>>) target_semaphore(%run_scoped3A : memref<!tpu.dma_semaphore, #tpu.memory_space<semaphore_mem>>)
        %dma_wait3A = arith.constant 0 : i32
        %dma_wait3A_175 = tpu.memref_slice %arg12[%dma_wait3A] : memref<4096xf32, #tpu.memory_space<vmem>> -> memref<4096xf32, #tpu.memory_space<vmem>>
        %dma_wait3A_176 = arith.constant 14080 : i32
        %dma_wait3A_177 = tpu.memref_slice %arg10[%dma_wait3A_176] : memref<118272xf32, #tpu.memory_space<hbm>> -> memref<4096xf32, #tpu.memory_space<hbm>>
        %dma_wait3A_178 = arith.constant 14080 : i32
        %dma_wait3A_179 = tpu.memref_slice %arg10[%dma_wait3A_178] : memref<118272xf32, #tpu.memory_space<hbm>> -> memref<4096xf32, #tpu.memory_space<hbm>>
        %dma_wait3A_180 = arith.constant 0 : i32
        %dma_wait3A_181 = tpu.memref_slice %arg12[%dma_wait3A_180] : memref<4096xf32, #tpu.memory_space<vmem>> -> memref<4096xf32, #tpu.memory_space<vmem>>
        tpu.wait_dma2 semaphore(%run_scoped3A : memref<!tpu.dma_semaphore, #tpu.memory_space<semaphore_mem>>) src(%dma_wait3A_181 : memref<4096xf32, #tpu.memory_space<vmem>>) dst(%dma_wait3A_179 : memref<4096xf32, #tpu.memory_space<hbm>>)
        tpu.yield
      }) : () -> ()
    } else {
    }
    %eq3A_28 = arith.constant 6 : i32
    %eq3A_29 = arith.cmpi eq, %add3A, %eq3A_28 : i32
    %convert_element_type3A_30 = arith.extui %eq3A_29 : i1 to i32
    %cond3A_31 = arith.constant 0 : i32
    %cond3A_32 = arith.cmpi ne, %convert_element_type3A_30, %cond3A_31 : i32
    scf.if %cond3A_32 {
      "tpu.region"() ({
        %run_scoped3A = tpu.sem_alloc : memref<!tpu.dma_semaphore, #tpu.memory_space<semaphore_mem>>
        %dma_start3A = arith.constant 0 : i32
        %dma_start3A_168 = tpu.memref_slice %arg12[%dma_start3A] : memref<4096xf32, #tpu.memory_space<vmem>> -> memref<4096xf32, #tpu.memory_space<vmem>>
        %dma_start3A_169 = arith.constant 8192 : i32
        %dma_start3A_170 = tpu.memref_slice %arg4[%dma_start3A_169] : memref<49152xf32, #tpu.memory_space<hbm>> -> memref<4096xf32, #tpu.memory_space<hbm>>
        %dma_start3A_171 = arith.constant 0 : i32
        %dma_start3A_172 = tpu.memref_slice %arg12[%dma_start3A_171] : memref<4096xf32, #tpu.memory_space<vmem>> -> memref<4096xf32, #tpu.memory_space<vmem>>
        %dma_start3A_173 = arith.constant 8192 : i32
        %dma_start3A_174 = tpu.memref_slice %arg4[%dma_start3A_173] : memref<49152xf32, #tpu.memory_space<hbm>> -> memref<4096xf32, #tpu.memory_space<hbm>>
        tpu.enqueue_dma source(%dma_start3A_174 : memref<4096xf32, #tpu.memory_space<hbm>>) target(%dma_start3A_172 : memref<4096xf32, #tpu.memory_space<vmem>>) target_semaphore(%run_scoped3A : memref<!tpu.dma_semaphore, #tpu.memory_space<semaphore_mem>>)
        %dma_wait3A = arith.constant 0 : i32
        %dma_wait3A_175 = tpu.memref_slice %arg12[%dma_wait3A] : memref<4096xf32, #tpu.memory_space<vmem>> -> memref<4096xf32, #tpu.memory_space<vmem>>
        %dma_wait3A_176 = arith.constant 8192 : i32
        %dma_wait3A_177 = tpu.memref_slice %arg4[%dma_wait3A_176] : memref<49152xf32, #tpu.memory_space<hbm>> -> memref<4096xf32, #tpu.memory_space<hbm>>
        %dma_wait3A_178 = arith.constant 0 : i32
        %dma_wait3A_179 = tpu.memref_slice %arg12[%dma_wait3A_178] : memref<4096xf32, #tpu.memory_space<vmem>> -> memref<4096xf32, #tpu.memory_space<vmem>>
        %dma_wait3A_180 = arith.constant 8192 : i32
        %dma_wait3A_181 = tpu.memref_slice %arg4[%dma_wait3A_180] : memref<49152xf32, #tpu.memory_space<hbm>> -> memref<4096xf32, #tpu.memory_space<hbm>>
        tpu.wait_dma2 semaphore(%run_scoped3A : memref<!tpu.dma_semaphore, #tpu.memory_space<semaphore_mem>>) src(%dma_wait3A_181 : memref<4096xf32, #tpu.memory_space<hbm>>) dst(%dma_wait3A_179 : memref<4096xf32, #tpu.memory_space<vmem>>)
        tpu.yield
      }) : () -> ()
      "tpu.region"() ({
        %run_scoped3A = tpu.sem_alloc : memref<!tpu.dma_semaphore, #tpu.memory_space<semaphore_mem>>
        %dma_start3A = arith.constant 0 : i32
        %dma_start3A_168 = tpu.memref_slice %arg12[%dma_start3A] : memref<4096xf32, #tpu.memory_space<vmem>> -> memref<4096xf32, #tpu.memory_space<vmem>>
        %dma_start3A_169 = arith.constant 18176 : i32
        %dma_start3A_170 = tpu.memref_slice %arg10[%dma_start3A_169] : memref<118272xf32, #tpu.memory_space<hbm>> -> memref<4096xf32, #tpu.memory_space<hbm>>
        %dma_start3A_171 = arith.constant 18176 : i32
        %dma_start3A_172 = tpu.memref_slice %arg10[%dma_start3A_171] : memref<118272xf32, #tpu.memory_space<hbm>> -> memref<4096xf32, #tpu.memory_space<hbm>>
        %dma_start3A_173 = arith.constant 0 : i32
        %dma_start3A_174 = tpu.memref_slice %arg12[%dma_start3A_173] : memref<4096xf32, #tpu.memory_space<vmem>> -> memref<4096xf32, #tpu.memory_space<vmem>>
        tpu.enqueue_dma source(%dma_start3A_174 : memref<4096xf32, #tpu.memory_space<vmem>>) target(%dma_start3A_172 : memref<4096xf32, #tpu.memory_space<hbm>>) target_semaphore(%run_scoped3A : memref<!tpu.dma_semaphore, #tpu.memory_space<semaphore_mem>>)
        %dma_wait3A = arith.constant 0 : i32
        %dma_wait3A_175 = tpu.memref_slice %arg12[%dma_wait3A] : memref<4096xf32, #tpu.memory_space<vmem>> -> memref<4096xf32, #tpu.memory_space<vmem>>
        %dma_wait3A_176 = arith.constant 18176 : i32
        %dma_wait3A_177 = tpu.memref_slice %arg10[%dma_wait3A_176] : memref<118272xf32, #tpu.memory_space<hbm>> -> memref<4096xf32, #tpu.memory_space<hbm>>
        %dma_wait3A_178 = arith.constant 18176 : i32
        %dma_wait3A_179 = tpu.memref_slice %arg10[%dma_wait3A_178] : memref<118272xf32, #tpu.memory_space<hbm>> -> memref<4096xf32, #tpu.memory_space<hbm>>
        %dma_wait3A_180 = arith.constant 0 : i32
        %dma_wait3A_181 = tpu.memref_slice %arg12[%dma_wait3A_180] : memref<4096xf32, #tpu.memory_space<vmem>> -> memref<4096xf32, #tpu.memory_space<vmem>>
        tpu.wait_dma2 semaphore(%run_scoped3A : memref<!tpu.dma_semaphore, #tpu.memory_space<semaphore_mem>>) src(%dma_wait3A_181 : memref<4096xf32, #tpu.memory_space<vmem>>) dst(%dma_wait3A_179 : memref<4096xf32, #tpu.memory_space<hbm>>)
        tpu.yield
      }) : () -> ()
    } else {
    }
    %eq3A_33 = arith.constant 7 : i32
    %eq3A_34 = arith.cmpi eq, %add3A, %eq3A_33 : i32
    %convert_element_type3A_35 = arith.extui %eq3A_34 : i1 to i32
    %cond3A_36 = arith.constant 0 : i32
    %cond3A_37 = arith.cmpi ne, %convert_element_type3A_35, %cond3A_36 : i32
    scf.if %cond3A_37 {
      "tpu.region"() ({
        %run_scoped3A = tpu.sem_alloc : memref<!tpu.dma_semaphore, #tpu.memory_space<semaphore_mem>>
        %dma_start3A = arith.constant 0 : i32
        %dma_start3A_168 = tpu.memref_slice %arg12[%dma_start3A] : memref<4096xf32, #tpu.memory_space<vmem>> -> memref<4096xf32, #tpu.memory_space<vmem>>
        %dma_start3A_169 = arith.constant 12288 : i32
        %dma_start3A_170 = tpu.memref_slice %arg4[%dma_start3A_169] : memref<49152xf32, #tpu.memory_space<hbm>> -> memref<4096xf32, #tpu.memory_space<hbm>>
        %dma_start3A_171 = arith.constant 0 : i32
        %dma_start3A_172 = tpu.memref_slice %arg12[%dma_start3A_171] : memref<4096xf32, #tpu.memory_space<vmem>> -> memref<4096xf32, #tpu.memory_space<vmem>>
        %dma_start3A_173 = arith.constant 12288 : i32
        %dma_start3A_174 = tpu.memref_slice %arg4[%dma_start3A_173] : memref<49152xf32, #tpu.memory_space<hbm>> -> memref<4096xf32, #tpu.memory_space<hbm>>
        tpu.enqueue_dma source(%dma_start3A_174 : memref<4096xf32, #tpu.memory_space<hbm>>) target(%dma_start3A_172 : memref<4096xf32, #tpu.memory_space<vmem>>) target_semaphore(%run_scoped3A : memref<!tpu.dma_semaphore, #tpu.memory_space<semaphore_mem>>)
        %dma_wait3A = arith.constant 0 : i32
        %dma_wait3A_175 = tpu.memref_slice %arg12[%dma_wait3A] : memref<4096xf32, #tpu.memory_space<vmem>> -> memref<4096xf32, #tpu.memory_space<vmem>>
        %dma_wait3A_176 = arith.constant 12288 : i32
        %dma_wait3A_177 = tpu.memref_slice %arg4[%dma_wait3A_176] : memref<49152xf32, #tpu.memory_space<hbm>> -> memref<4096xf32, #tpu.memory_space<hbm>>
        %dma_wait3A_178 = arith.constant 0 : i32
        %dma_wait3A_179 = tpu.memref_slice %arg12[%dma_wait3A_178] : memref<4096xf32, #tpu.memory_space<vmem>> -> memref<4096xf32, #tpu.memory_space<vmem>>
        %dma_wait3A_180 = arith.constant 12288 : i32
        %dma_wait3A_181 = tpu.memref_slice %arg4[%dma_wait3A_180] : memref<49152xf32, #tpu.memory_space<hbm>> -> memref<4096xf32, #tpu.memory_space<hbm>>
        tpu.wait_dma2 semaphore(%run_scoped3A : memref<!tpu.dma_semaphore, #tpu.memory_space<semaphore_mem>>) src(%dma_wait3A_181 : memref<4096xf32, #tpu.memory_space<hbm>>) dst(%dma_wait3A_179 : memref<4096xf32, #tpu.memory_space<vmem>>)
        tpu.yield
      }) : () -> ()
      "tpu.region"() ({
        %run_scoped3A = tpu.sem_alloc : memref<!tpu.dma_semaphore, #tpu.memory_space<semaphore_mem>>
        %dma_start3A = arith.constant 0 : i32
        %dma_start3A_168 = tpu.memref_slice %arg12[%dma_start3A] : memref<4096xf32, #tpu.memory_space<vmem>> -> memref<4096xf32, #tpu.memory_space<vmem>>
        %dma_start3A_169 = arith.constant 22272 : i32
        %dma_start3A_170 = tpu.memref_slice %arg10[%dma_start3A_169] : memref<118272xf32, #tpu.memory_space<hbm>> -> memref<4096xf32, #tpu.memory_space<hbm>>
        %dma_start3A_171 = arith.constant 22272 : i32
        %dma_start3A_172 = tpu.memref_slice %arg10[%dma_start3A_171] : memref<118272xf32, #tpu.memory_space<hbm>> -> memref<4096xf32, #tpu.memory_space<hbm>>
        %dma_start3A_173 = arith.constant 0 : i32
        %dma_start3A_174 = tpu.memref_slice %arg12[%dma_start3A_173] : memref<4096xf32, #tpu.memory_space<vmem>> -> memref<4096xf32, #tpu.memory_space<vmem>>
        tpu.enqueue_dma source(%dma_start3A_174 : memref<4096xf32, #tpu.memory_space<vmem>>) target(%dma_start3A_172 : memref<4096xf32, #tpu.memory_space<hbm>>) target_semaphore(%run_scoped3A : memref<!tpu.dma_semaphore, #tpu.memory_space<semaphore_mem>>)
        %dma_wait3A = arith.constant 0 : i32
        %dma_wait3A_175 = tpu.memref_slice %arg12[%dma_wait3A] : memref<4096xf32, #tpu.memory_space<vmem>> -> memref<4096xf32, #tpu.memory_space<vmem>>
        %dma_wait3A_176 = arith.constant 22272 : i32
        %dma_wait3A_177 = tpu.memref_slice %arg10[%dma_wait3A_176] : memref<118272xf32, #tpu.memory_space<hbm>> -> memref<4096xf32, #tpu.memory_space<hbm>>
        %dma_wait3A_178 = arith.constant 22272 : i32
        %dma_wait3A_179 = tpu.memref_slice %arg10[%dma_wait3A_178] : memref<118272xf32, #tpu.memory_space<hbm>> -> memref<4096xf32, #tpu.memory_space<hbm>>
        %dma_wait3A_180 = arith.constant 0 : i32
        %dma_wait3A_181 = tpu.memref_slice %arg12[%dma_wait3A_180] : memref<4096xf32, #tpu.memory_space<vmem>> -> memref<4096xf32, #tpu.memory_space<vmem>>
        tpu.wait_dma2 semaphore(%run_scoped3A : memref<!tpu.dma_semaphore, #tpu.memory_space<semaphore_mem>>) src(%dma_wait3A_181 : memref<4096xf32, #tpu.memory_space<vmem>>) dst(%dma_wait3A_179 : memref<4096xf32, #tpu.memory_space<hbm>>)
        tpu.yield
      }) : () -> ()
    } else {
    }
    %eq3A_38 = arith.constant 8 : i32
    %eq3A_39 = arith.cmpi eq, %add3A, %eq3A_38 : i32
    %convert_element_type3A_40 = arith.extui %eq3A_39 : i1 to i32
    %cond3A_41 = arith.constant 0 : i32
    %cond3A_42 = arith.cmpi ne, %convert_element_type3A_40, %cond3A_41 : i32
    scf.if %cond3A_42 {
      "tpu.region"() ({
        %run_scoped3A = tpu.sem_alloc : memref<!tpu.dma_semaphore, #tpu.memory_space<semaphore_mem>>
        %dma_start3A = arith.constant 0 : i32
        %dma_start3A_168 = tpu.memref_slice %arg12[%dma_start3A] : memref<4096xf32, #tpu.memory_space<vmem>> -> memref<4096xf32, #tpu.memory_space<vmem>>
        %dma_start3A_169 = arith.constant 16384 : i32
        %dma_start3A_170 = tpu.memref_slice %arg4[%dma_start3A_169] : memref<49152xf32, #tpu.memory_space<hbm>> -> memref<4096xf32, #tpu.memory_space<hbm>>
        %dma_start3A_171 = arith.constant 0 : i32
        %dma_start3A_172 = tpu.memref_slice %arg12[%dma_start3A_171] : memref<4096xf32, #tpu.memory_space<vmem>> -> memref<4096xf32, #tpu.memory_space<vmem>>
        %dma_start3A_173 = arith.constant 16384 : i32
        %dma_start3A_174 = tpu.memref_slice %arg4[%dma_start3A_173] : memref<49152xf32, #tpu.memory_space<hbm>> -> memref<4096xf32, #tpu.memory_space<hbm>>
        tpu.enqueue_dma source(%dma_start3A_174 : memref<4096xf32, #tpu.memory_space<hbm>>) target(%dma_start3A_172 : memref<4096xf32, #tpu.memory_space<vmem>>) target_semaphore(%run_scoped3A : memref<!tpu.dma_semaphore, #tpu.memory_space<semaphore_mem>>)
        %dma_wait3A = arith.constant 0 : i32
        %dma_wait3A_175 = tpu.memref_slice %arg12[%dma_wait3A] : memref<4096xf32, #tpu.memory_space<vmem>> -> memref<4096xf32, #tpu.memory_space<vmem>>
        %dma_wait3A_176 = arith.constant 16384 : i32
        %dma_wait3A_177 = tpu.memref_slice %arg4[%dma_wait3A_176] : memref<49152xf32, #tpu.memory_space<hbm>> -> memref<4096xf32, #tpu.memory_space<hbm>>
        %dma_wait3A_178 = arith.constant 0 : i32
        %dma_wait3A_179 = tpu.memref_slice %arg12[%dma_wait3A_178] : memref<4096xf32, #tpu.memory_space<vmem>> -> memref<4096xf32, #tpu.memory_space<vmem>>
        %dma_wait3A_180 = arith.constant 16384 : i32
        %dma_wait3A_181 = tpu.memref_slice %arg4[%dma_wait3A_180] : memref<49152xf32, #tpu.memory_space<hbm>> -> memref<4096xf32, #tpu.memory_space<hbm>>
        tpu.wait_dma2 semaphore(%run_scoped3A : memref<!tpu.dma_semaphore, #tpu.memory_space<semaphore_mem>>) src(%dma_wait3A_181 : memref<4096xf32, #tpu.memory_space<hbm>>) dst(%dma_wait3A_179 : memref<4096xf32, #tpu.memory_space<vmem>>)
        tpu.yield
      }) : () -> ()
      "tpu.region"() ({
        %run_scoped3A = tpu.sem_alloc : memref<!tpu.dma_semaphore, #tpu.memory_space<semaphore_mem>>
        %dma_start3A = arith.constant 0 : i32
        %dma_start3A_168 = tpu.memref_slice %arg12[%dma_start3A] : memref<4096xf32, #tpu.memory_space<vmem>> -> memref<4096xf32, #tpu.memory_space<vmem>>
        %dma_start3A_169 = arith.constant 26368 : i32
        %dma_start3A_170 = tpu.memref_slice %arg10[%dma_start3A_169] : memref<118272xf32, #tpu.memory_space<hbm>> -> memref<4096xf32, #tpu.memory_space<hbm>>
        %dma_start3A_171 = arith.constant 26368 : i32
        %dma_start3A_172 = tpu.memref_slice %arg10[%dma_start3A_171] : memref<118272xf32, #tpu.memory_space<hbm>> -> memref<4096xf32, #tpu.memory_space<hbm>>
        %dma_start3A_173 = arith.constant 0 : i32
        %dma_start3A_174 = tpu.memref_slice %arg12[%dma_start3A_173] : memref<4096xf32, #tpu.memory_space<vmem>> -> memref<4096xf32, #tpu.memory_space<vmem>>
        tpu.enqueue_dma source(%dma_start3A_174 : memref<4096xf32, #tpu.memory_space<vmem>>) target(%dma_start3A_172 : memref<4096xf32, #tpu.memory_space<hbm>>) target_semaphore(%run_scoped3A : memref<!tpu.dma_semaphore, #tpu.memory_space<semaphore_mem>>)
        %dma_wait3A = arith.constant 0 : i32
        %dma_wait3A_175 = tpu.memref_slice %arg12[%dma_wait3A] : memref<4096xf32, #tpu.memory_space<vmem>> -> memref<4096xf32, #tpu.memory_space<vmem>>
        %dma_wait3A_176 = arith.constant 26368 : i32
        %dma_wait3A_177 = tpu.memref_slice %arg10[%dma_wait3A_176] : memref<118272xf32, #tpu.memory_space<hbm>> -> memref<4096xf32, #tpu.memory_space<hbm>>
        %dma_wait3A_178 = arith.constant 26368 : i32
        %dma_wait3A_179 = tpu.memref_slice %arg10[%dma_wait3A_178] : memref<118272xf32, #tpu.memory_space<hbm>> -> memref<4096xf32, #tpu.memory_space<hbm>>
        %dma_wait3A_180 = arith.constant 0 : i32
        %dma_wait3A_181 = tpu.memref_slice %arg12[%dma_wait3A_180] : memref<4096xf32, #tpu.memory_space<vmem>> -> memref<4096xf32, #tpu.memory_space<vmem>>
        tpu.wait_dma2 semaphore(%run_scoped3A : memref<!tpu.dma_semaphore, #tpu.memory_space<semaphore_mem>>) src(%dma_wait3A_181 : memref<4096xf32, #tpu.memory_space<vmem>>) dst(%dma_wait3A_179 : memref<4096xf32, #tpu.memory_space<hbm>>)
        tpu.yield
      }) : () -> ()
    } else {
    }
    %eq3A_43 = arith.constant 9 : i32
    %eq3A_44 = arith.cmpi eq, %add3A, %eq3A_43 : i32
    %convert_element_type3A_45 = arith.extui %eq3A_44 : i1 to i32
    %cond3A_46 = arith.constant 0 : i32
    %cond3A_47 = arith.cmpi ne, %convert_element_type3A_45, %cond3A_46 : i32
    scf.if %cond3A_47 {
      "tpu.region"() ({
        %run_scoped3A = tpu.sem_alloc : memref<!tpu.dma_semaphore, #tpu.memory_space<semaphore_mem>>
        %dma_start3A = arith.constant 0 : i32
        %dma_start3A_168 = tpu.memref_slice %arg12[%dma_start3A] : memref<4096xf32, #tpu.memory_space<vmem>> -> memref<4096xf32, #tpu.memory_space<vmem>>
        %dma_start3A_169 = arith.constant 20480 : i32
        %dma_start3A_170 = tpu.memref_slice %arg4[%dma_start3A_169] : memref<49152xf32, #tpu.memory_space<hbm>> -> memref<4096xf32, #tpu.memory_space<hbm>>
        %dma_start3A_171 = arith.constant 0 : i32
        %dma_start3A_172 = tpu.memref_slice %arg12[%dma_start3A_171] : memref<4096xf32, #tpu.memory_space<vmem>> -> memref<4096xf32, #tpu.memory_space<vmem>>
        %dma_start3A_173 = arith.constant 20480 : i32
        %dma_start3A_174 = tpu.memref_slice %arg4[%dma_start3A_173] : memref<49152xf32, #tpu.memory_space<hbm>> -> memref<4096xf32, #tpu.memory_space<hbm>>
        tpu.enqueue_dma source(%dma_start3A_174 : memref<4096xf32, #tpu.memory_space<hbm>>) target(%dma_start3A_172 : memref<4096xf32, #tpu.memory_space<vmem>>) target_semaphore(%run_scoped3A : memref<!tpu.dma_semaphore, #tpu.memory_space<semaphore_mem>>)
        %dma_wait3A = arith.constant 0 : i32
        %dma_wait3A_175 = tpu.memref_slice %arg12[%dma_wait3A] : memref<4096xf32, #tpu.memory_space<vmem>> -> memref<4096xf32, #tpu.memory_space<vmem>>
        %dma_wait3A_176 = arith.constant 20480 : i32
        %dma_wait3A_177 = tpu.memref_slice %arg4[%dma_wait3A_176] : memref<49152xf32, #tpu.memory_space<hbm>> -> memref<4096xf32, #tpu.memory_space<hbm>>
        %dma_wait3A_178 = arith.constant 0 : i32
        %dma_wait3A_179 = tpu.memref_slice %arg12[%dma_wait3A_178] : memref<4096xf32, #tpu.memory_space<vmem>> -> memref<4096xf32, #tpu.memory_space<vmem>>
        %dma_wait3A_180 = arith.constant 20480 : i32
        %dma_wait3A_181 = tpu.memref_slice %arg4[%dma_wait3A_180] : memref<49152xf32, #tpu.memory_space<hbm>> -> memref<4096xf32, #tpu.memory_space<hbm>>
        tpu.wait_dma2 semaphore(%run_scoped3A : memref<!tpu.dma_semaphore, #tpu.memory_space<semaphore_mem>>) src(%dma_wait3A_181 : memref<4096xf32, #tpu.memory_space<hbm>>) dst(%dma_wait3A_179 : memref<4096xf32, #tpu.memory_space<vmem>>)
        tpu.yield
      }) : () -> ()
      "tpu.region"() ({
        %run_scoped3A = tpu.sem_alloc : memref<!tpu.dma_semaphore, #tpu.memory_space<semaphore_mem>>
        %dma_start3A = arith.constant 0 : i32
        %dma_start3A_168 = tpu.memref_slice %arg12[%dma_start3A] : memref<4096xf32, #tpu.memory_space<vmem>> -> memref<4096xf32, #tpu.memory_space<vmem>>
        %dma_start3A_169 = arith.constant 30464 : i32
        %dma_start3A_170 = tpu.memref_slice %arg10[%dma_start3A_169] : memref<118272xf32, #tpu.memory_space<hbm>> -> memref<4096xf32, #tpu.memory_space<hbm>>
        %dma_start3A_171 = arith.constant 30464 : i32
        %dma_start3A_172 = tpu.memref_slice %arg10[%dma_start3A_171] : memref<118272xf32, #tpu.memory_space<hbm>> -> memref<4096xf32, #tpu.memory_space<hbm>>
        %dma_start3A_173 = arith.constant 0 : i32
        %dma_start3A_174 = tpu.memref_slice %arg12[%dma_start3A_173] : memref<4096xf32, #tpu.memory_space<vmem>> -> memref<4096xf32, #tpu.memory_space<vmem>>
        tpu.enqueue_dma source(%dma_start3A_174 : memref<4096xf32, #tpu.memory_space<vmem>>) target(%dma_start3A_172 : memref<4096xf32, #tpu.memory_space<hbm>>) target_semaphore(%run_scoped3A : memref<!tpu.dma_semaphore, #tpu.memory_space<semaphore_mem>>)
        %dma_wait3A = arith.constant 0 : i32
        %dma_wait3A_175 = tpu.memref_slice %arg12[%dma_wait3A] : memref<4096xf32, #tpu.memory_space<vmem>> -> memref<4096xf32, #tpu.memory_space<vmem>>
        %dma_wait3A_176 = arith.constant 30464 : i32
        %dma_wait3A_177 = tpu.memref_slice %arg10[%dma_wait3A_176] : memref<118272xf32, #tpu.memory_space<hbm>> -> memref<4096xf32, #tpu.memory_space<hbm>>
        %dma_wait3A_178 = arith.constant 30464 : i32
        %dma_wait3A_179 = tpu.memref_slice %arg10[%dma_wait3A_178] : memref<118272xf32, #tpu.memory_space<hbm>> -> memref<4096xf32, #tpu.memory_space<hbm>>
        %dma_wait3A_180 = arith.constant 0 : i32
        %dma_wait3A_181 = tpu.memref_slice %arg12[%dma_wait3A_180] : memref<4096xf32, #tpu.memory_space<vmem>> -> memref<4096xf32, #tpu.memory_space<vmem>>
        tpu.wait_dma2 semaphore(%run_scoped3A : memref<!tpu.dma_semaphore, #tpu.memory_space<semaphore_mem>>) src(%dma_wait3A_181 : memref<4096xf32, #tpu.memory_space<vmem>>) dst(%dma_wait3A_179 : memref<4096xf32, #tpu.memory_space<hbm>>)
        tpu.yield
      }) : () -> ()
    } else {
    }
    %eq3A_48 = arith.constant 10 : i32
    %eq3A_49 = arith.cmpi eq, %add3A, %eq3A_48 : i32
    %convert_element_type3A_50 = arith.extui %eq3A_49 : i1 to i32
    %cond3A_51 = arith.constant 0 : i32
    %cond3A_52 = arith.cmpi ne, %convert_element_type3A_50, %cond3A_51 : i32
    scf.if %cond3A_52 {
      "tpu.region"() ({
        %run_scoped3A = tpu.sem_alloc : memref<!tpu.dma_semaphore, #tpu.memory_space<semaphore_mem>>
        %dma_start3A = arith.constant 0 : i32
        %dma_start3A_168 = tpu.memref_slice %arg12[%dma_start3A] : memref<4096xf32, #tpu.memory_space<vmem>> -> memref<4096xf32, #tpu.memory_space<vmem>>
        %dma_start3A_169 = arith.constant 24576 : i32
        %dma_start3A_170 = tpu.memref_slice %arg4[%dma_start3A_169] : memref<49152xf32, #tpu.memory_space<hbm>> -> memref<4096xf32, #tpu.memory_space<hbm>>
        %dma_start3A_171 = arith.constant 0 : i32
        %dma_start3A_172 = tpu.memref_slice %arg12[%dma_start3A_171] : memref<4096xf32, #tpu.memory_space<vmem>> -> memref<4096xf32, #tpu.memory_space<vmem>>
        %dma_start3A_173 = arith.constant 24576 : i32
        %dma_start3A_174 = tpu.memref_slice %arg4[%dma_start3A_173] : memref<49152xf32, #tpu.memory_space<hbm>> -> memref<4096xf32, #tpu.memory_space<hbm>>
        tpu.enqueue_dma source(%dma_start3A_174 : memref<4096xf32, #tpu.memory_space<hbm>>) target(%dma_start3A_172 : memref<4096xf32, #tpu.memory_space<vmem>>) target_semaphore(%run_scoped3A : memref<!tpu.dma_semaphore, #tpu.memory_space<semaphore_mem>>)
        %dma_wait3A = arith.constant 0 : i32
        %dma_wait3A_175 = tpu.memref_slice %arg12[%dma_wait3A] : memref<4096xf32, #tpu.memory_space<vmem>> -> memref<4096xf32, #tpu.memory_space<vmem>>
        %dma_wait3A_176 = arith.constant 24576 : i32
        %dma_wait3A_177 = tpu.memref_slice %arg4[%dma_wait3A_176] : memref<49152xf32, #tpu.memory_space<hbm>> -> memref<4096xf32, #tpu.memory_space<hbm>>
        %dma_wait3A_178 = arith.constant 0 : i32
        %dma_wait3A_179 = tpu.memref_slice %arg12[%dma_wait3A_178] : memref<4096xf32, #tpu.memory_space<vmem>> -> memref<4096xf32, #tpu.memory_space<vmem>>
        %dma_wait3A_180 = arith.constant 24576 : i32
        %dma_wait3A_181 = tpu.memref_slice %arg4[%dma_wait3A_180] : memref<49152xf32, #tpu.memory_space<hbm>> -> memref<4096xf32, #tpu.memory_space<hbm>>
        tpu.wait_dma2 semaphore(%run_scoped3A : memref<!tpu.dma_semaphore, #tpu.memory_space<semaphore_mem>>) src(%dma_wait3A_181 : memref<4096xf32, #tpu.memory_space<hbm>>) dst(%dma_wait3A_179 : memref<4096xf32, #tpu.memory_space<vmem>>)
        tpu.yield
      }) : () -> ()
      "tpu.region"() ({
        %run_scoped3A = tpu.sem_alloc : memref<!tpu.dma_semaphore, #tpu.memory_space<semaphore_mem>>
        %dma_start3A = arith.constant 0 : i32
        %dma_start3A_168 = tpu.memref_slice %arg12[%dma_start3A] : memref<4096xf32, #tpu.memory_space<vmem>> -> memref<4096xf32, #tpu.memory_space<vmem>>
        %dma_start3A_169 = arith.constant 34560 : i32
        %dma_start3A_170 = tpu.memref_slice %arg10[%dma_start3A_169] : memref<118272xf32, #tpu.memory_space<hbm>> -> memref<4096xf32, #tpu.memory_space<hbm>>
        %dma_start3A_171 = arith.constant 34560 : i32
        %dma_start3A_172 = tpu.memref_slice %arg10[%dma_start3A_171] : memref<118272xf32, #tpu.memory_space<hbm>> -> memref<4096xf32, #tpu.memory_space<hbm>>
        %dma_start3A_173 = arith.constant 0 : i32
        %dma_start3A_174 = tpu.memref_slice %arg12[%dma_start3A_173] : memref<4096xf32, #tpu.memory_space<vmem>> -> memref<4096xf32, #tpu.memory_space<vmem>>
        tpu.enqueue_dma source(%dma_start3A_174 : memref<4096xf32, #tpu.memory_space<vmem>>) target(%dma_start3A_172 : memref<4096xf32, #tpu.memory_space<hbm>>) target_semaphore(%run_scoped3A : memref<!tpu.dma_semaphore, #tpu.memory_space<semaphore_mem>>)
        %dma_wait3A = arith.constant 0 : i32
        %dma_wait3A_175 = tpu.memref_slice %arg12[%dma_wait3A] : memref<4096xf32, #tpu.memory_space<vmem>> -> memref<4096xf32, #tpu.memory_space<vmem>>
        %dma_wait3A_176 = arith.constant 34560 : i32
        %dma_wait3A_177 = tpu.memref_slice %arg10[%dma_wait3A_176] : memref<118272xf32, #tpu.memory_space<hbm>> -> memref<4096xf32, #tpu.memory_space<hbm>>
        %dma_wait3A_178 = arith.constant 34560 : i32
        %dma_wait3A_179 = tpu.memref_slice %arg10[%dma_wait3A_178] : memref<118272xf32, #tpu.memory_space<hbm>> -> memref<4096xf32, #tpu.memory_space<hbm>>
        %dma_wait3A_180 = arith.constant 0 : i32
        %dma_wait3A_181 = tpu.memref_slice %arg12[%dma_wait3A_180] : memref<4096xf32, #tpu.memory_space<vmem>> -> memref<4096xf32, #tpu.memory_space<vmem>>
        tpu.wait_dma2 semaphore(%run_scoped3A : memref<!tpu.dma_semaphore, #tpu.memory_space<semaphore_mem>>) src(%dma_wait3A_181 : memref<4096xf32, #tpu.memory_space<vmem>>) dst(%dma_wait3A_179 : memref<4096xf32, #tpu.memory_space<hbm>>)
        tpu.yield
      }) : () -> ()
    } else {
    }
    %eq3A_53 = arith.constant 11 : i32
    %eq3A_54 = arith.cmpi eq, %add3A, %eq3A_53 : i32
    %convert_element_type3A_55 = arith.extui %eq3A_54 : i1 to i32
    %cond3A_56 = arith.constant 0 : i32
    %cond3A_57 = arith.cmpi ne, %convert_element_type3A_55, %cond3A_56 : i32
    scf.if %cond3A_57 {
      "tpu.region"() ({
        %run_scoped3A = tpu.sem_alloc : memref<!tpu.dma_semaphore, #tpu.memory_space<semaphore_mem>>
        %dma_start3A = arith.constant 0 : i32
        %dma_start3A_168 = tpu.memref_slice %arg12[%dma_start3A] : memref<4096xf32, #tpu.memory_space<vmem>> -> memref<4096xf32, #tpu.memory_space<vmem>>
        %dma_start3A_169 = arith.constant 28672 : i32
        %dma_start3A_170 = tpu.memref_slice %arg4[%dma_start3A_169] : memref<49152xf32, #tpu.memory_space<hbm>> -> memref<4096xf32, #tpu.memory_space<hbm>>
        %dma_start3A_171 = arith.constant 0 : i32
        %dma_start3A_172 = tpu.memref_slice %arg12[%dma_start3A_171] : memref<4096xf32, #tpu.memory_space<vmem>> -> memref<4096xf32, #tpu.memory_space<vmem>>
        %dma_start3A_173 = arith.constant 28672 : i32
        %dma_start3A_174 = tpu.memref_slice %arg4[%dma_start3A_173] : memref<49152xf32, #tpu.memory_space<hbm>> -> memref<4096xf32, #tpu.memory_space<hbm>>
        tpu.enqueue_dma source(%dma_start3A_174 : memref<4096xf32, #tpu.memory_space<hbm>>) target(%dma_start3A_172 : memref<4096xf32, #tpu.memory_space<vmem>>) target_semaphore(%run_scoped3A : memref<!tpu.dma_semaphore, #tpu.memory_space<semaphore_mem>>)
        %dma_wait3A = arith.constant 0 : i32
        %dma_wait3A_175 = tpu.memref_slice %arg12[%dma_wait3A] : memref<4096xf32, #tpu.memory_space<vmem>> -> memref<4096xf32, #tpu.memory_space<vmem>>
        %dma_wait3A_176 = arith.constant 28672 : i32
        %dma_wait3A_177 = tpu.memref_slice %arg4[%dma_wait3A_176] : memref<49152xf32, #tpu.memory_space<hbm>> -> memref<4096xf32, #tpu.memory_space<hbm>>
        %dma_wait3A_178 = arith.constant 0 : i32
        %dma_wait3A_179 = tpu.memref_slice %arg12[%dma_wait3A_178] : memref<4096xf32, #tpu.memory_space<vmem>> -> memref<4096xf32, #tpu.memory_space<vmem>>
        %dma_wait3A_180 = arith.constant 28672 : i32
        %dma_wait3A_181 = tpu.memref_slice %arg4[%dma_wait3A_180] : memref<49152xf32, #tpu.memory_space<hbm>> -> memref<4096xf32, #tpu.memory_space<hbm>>
        tpu.wait_dma2 semaphore(%run_scoped3A : memref<!tpu.dma_semaphore, #tpu.memory_space<semaphore_mem>>) src(%dma_wait3A_181 : memref<4096xf32, #tpu.memory_space<hbm>>) dst(%dma_wait3A_179 : memref<4096xf32, #tpu.memory_space<vmem>>)
        tpu.yield
      }) : () -> ()
      "tpu.region"() ({
        %run_scoped3A = tpu.sem_alloc : memref<!tpu.dma_semaphore, #tpu.memory_space<semaphore_mem>>
        %dma_start3A = arith.constant 0 : i32
        %dma_start3A_168 = tpu.memref_slice %arg12[%dma_start3A] : memref<4096xf32, #tpu.memory_space<vmem>> -> memref<4096xf32, #tpu.memory_space<vmem>>
        %dma_start3A_169 = arith.constant 38656 : i32
        %dma_start3A_170 = tpu.memref_slice %arg10[%dma_start3A_169] : memref<118272xf32, #tpu.memory_space<hbm>> -> memref<4096xf32, #tpu.memory_space<hbm>>
        %dma_start3A_171 = arith.constant 38656 : i32
        %dma_start3A_172 = tpu.memref_slice %arg10[%dma_start3A_171] : memref<118272xf32, #tpu.memory_space<hbm>> -> memref<4096xf32, #tpu.memory_space<hbm>>
        %dma_start3A_173 = arith.constant 0 : i32
        %dma_start3A_174 = tpu.memref_slice %arg12[%dma_start3A_173] : memref<4096xf32, #tpu.memory_space<vmem>> -> memref<4096xf32, #tpu.memory_space<vmem>>
        tpu.enqueue_dma source(%dma_start3A_174 : memref<4096xf32, #tpu.memory_space<vmem>>) target(%dma_start3A_172 : memref<4096xf32, #tpu.memory_space<hbm>>) target_semaphore(%run_scoped3A : memref<!tpu.dma_semaphore, #tpu.memory_space<semaphore_mem>>)
        %dma_wait3A = arith.constant 0 : i32
        %dma_wait3A_175 = tpu.memref_slice %arg12[%dma_wait3A] : memref<4096xf32, #tpu.memory_space<vmem>> -> memref<4096xf32, #tpu.memory_space<vmem>>
        %dma_wait3A_176 = arith.constant 38656 : i32
        %dma_wait3A_177 = tpu.memref_slice %arg10[%dma_wait3A_176] : memref<118272xf32, #tpu.memory_space<hbm>> -> memref<4096xf32, #tpu.memory_space<hbm>>
        %dma_wait3A_178 = arith.constant 38656 : i32
        %dma_wait3A_179 = tpu.memref_slice %arg10[%dma_wait3A_178] : memref<118272xf32, #tpu.memory_space<hbm>> -> memref<4096xf32, #tpu.memory_space<hbm>>
        %dma_wait3A_180 = arith.constant 0 : i32
        %dma_wait3A_181 = tpu.memref_slice %arg12[%dma_wait3A_180] : memref<4096xf32, #tpu.memory_space<vmem>> -> memref<4096xf32, #tpu.memory_space<vmem>>
        tpu.wait_dma2 semaphore(%run_scoped3A : memref<!tpu.dma_semaphore, #tpu.memory_space<semaphore_mem>>) src(%dma_wait3A_181 : memref<4096xf32, #tpu.memory_space<vmem>>) dst(%dma_wait3A_179 : memref<4096xf32, #tpu.memory_space<hbm>>)
        tpu.yield
      }) : () -> ()
    } else {
    }
    %eq3A_58 = arith.constant 12 : i32
    %eq3A_59 = arith.cmpi eq, %add3A, %eq3A_58 : i32
    %convert_element_type3A_60 = arith.extui %eq3A_59 : i1 to i32
    %cond3A_61 = arith.constant 0 : i32
    %cond3A_62 = arith.cmpi ne, %convert_element_type3A_60, %cond3A_61 : i32
    scf.if %cond3A_62 {
      "tpu.region"() ({
        %run_scoped3A = tpu.sem_alloc : memref<!tpu.dma_semaphore, #tpu.memory_space<semaphore_mem>>
        %dma_start3A = arith.constant 0 : i32
        %dma_start3A_168 = tpu.memref_slice %arg12[%dma_start3A] : memref<4096xf32, #tpu.memory_space<vmem>> -> memref<4096xf32, #tpu.memory_space<vmem>>
        %dma_start3A_169 = arith.constant 32768 : i32
        %dma_start3A_170 = tpu.memref_slice %arg4[%dma_start3A_169] : memref<49152xf32, #tpu.memory_space<hbm>> -> memref<4096xf32, #tpu.memory_space<hbm>>
        %dma_start3A_171 = arith.constant 0 : i32
        %dma_start3A_172 = tpu.memref_slice %arg12[%dma_start3A_171] : memref<4096xf32, #tpu.memory_space<vmem>> -> memref<4096xf32, #tpu.memory_space<vmem>>
        %dma_start3A_173 = arith.constant 32768 : i32
        %dma_start3A_174 = tpu.memref_slice %arg4[%dma_start3A_173] : memref<49152xf32, #tpu.memory_space<hbm>> -> memref<4096xf32, #tpu.memory_space<hbm>>
        tpu.enqueue_dma source(%dma_start3A_174 : memref<4096xf32, #tpu.memory_space<hbm>>) target(%dma_start3A_172 : memref<4096xf32, #tpu.memory_space<vmem>>) target_semaphore(%run_scoped3A : memref<!tpu.dma_semaphore, #tpu.memory_space<semaphore_mem>>)
        %dma_wait3A = arith.constant 0 : i32
        %dma_wait3A_175 = tpu.memref_slice %arg12[%dma_wait3A] : memref<4096xf32, #tpu.memory_space<vmem>> -> memref<4096xf32, #tpu.memory_space<vmem>>
        %dma_wait3A_176 = arith.constant 32768 : i32
        %dma_wait3A_177 = tpu.memref_slice %arg4[%dma_wait3A_176] : memref<49152xf32, #tpu.memory_space<hbm>> -> memref<4096xf32, #tpu.memory_space<hbm>>
        %dma_wait3A_178 = arith.constant 0 : i32
        %dma_wait3A_179 = tpu.memref_slice %arg12[%dma_wait3A_178] : memref<4096xf32, #tpu.memory_space<vmem>> -> memref<4096xf32, #tpu.memory_space<vmem>>
        %dma_wait3A_180 = arith.constant 32768 : i32
        %dma_wait3A_181 = tpu.memref_slice %arg4[%dma_wait3A_180] : memref<49152xf32, #tpu.memory_space<hbm>> -> memref<4096xf32, #tpu.memory_space<hbm>>
        tpu.wait_dma2 semaphore(%run_scoped3A : memref<!tpu.dma_semaphore, #tpu.memory_space<semaphore_mem>>) src(%dma_wait3A_181 : memref<4096xf32, #tpu.memory_space<hbm>>) dst(%dma_wait3A_179 : memref<4096xf32, #tpu.memory_space<vmem>>)
        tpu.yield
      }) : () -> ()
      "tpu.region"() ({
        %run_scoped3A = tpu.sem_alloc : memref<!tpu.dma_semaphore, #tpu.memory_space<semaphore_mem>>
        %dma_start3A = arith.constant 0 : i32
        %dma_start3A_168 = tpu.memref_slice %arg12[%dma_start3A] : memref<4096xf32, #tpu.memory_space<vmem>> -> memref<4096xf32, #tpu.memory_space<vmem>>
        %dma_start3A_169 = arith.constant 42752 : i32
        %dma_start3A_170 = tpu.memref_slice %arg10[%dma_start3A_169] : memref<118272xf32, #tpu.memory_space<hbm>> -> memref<4096xf32, #tpu.memory_space<hbm>>
        %dma_start3A_171 = arith.constant 42752 : i32
        %dma_start3A_172 = tpu.memref_slice %arg10[%dma_start3A_171] : memref<118272xf32, #tpu.memory_space<hbm>> -> memref<4096xf32, #tpu.memory_space<hbm>>
        %dma_start3A_173 = arith.constant 0 : i32
        %dma_start3A_174 = tpu.memref_slice %arg12[%dma_start3A_173] : memref<4096xf32, #tpu.memory_space<vmem>> -> memref<4096xf32, #tpu.memory_space<vmem>>
        tpu.enqueue_dma source(%dma_start3A_174 : memref<4096xf32, #tpu.memory_space<vmem>>) target(%dma_start3A_172 : memref<4096xf32, #tpu.memory_space<hbm>>) target_semaphore(%run_scoped3A : memref<!tpu.dma_semaphore, #tpu.memory_space<semaphore_mem>>)
        %dma_wait3A = arith.constant 0 : i32
        %dma_wait3A_175 = tpu.memref_slice %arg12[%dma_wait3A] : memref<4096xf32, #tpu.memory_space<vmem>> -> memref<4096xf32, #tpu.memory_space<vmem>>
        %dma_wait3A_176 = arith.constant 42752 : i32
        %dma_wait3A_177 = tpu.memref_slice %arg10[%dma_wait3A_176] : memref<118272xf32, #tpu.memory_space<hbm>> -> memref<4096xf32, #tpu.memory_space<hbm>>
        %dma_wait3A_178 = arith.constant 42752 : i32
        %dma_wait3A_179 = tpu.memref_slice %arg10[%dma_wait3A_178] : memref<118272xf32, #tpu.memory_space<hbm>> -> memref<4096xf32, #tpu.memory_space<hbm>>
        %dma_wait3A_180 = arith.constant 0 : i32
        %dma_wait3A_181 = tpu.memref_slice %arg12[%dma_wait3A_180] : memref<4096xf32, #tpu.memory_space<vmem>> -> memref<4096xf32, #tpu.memory_space<vmem>>
        tpu.wait_dma2 semaphore(%run_scoped3A : memref<!tpu.dma_semaphore, #tpu.memory_space<semaphore_mem>>) src(%dma_wait3A_181 : memref<4096xf32, #tpu.memory_space<vmem>>) dst(%dma_wait3A_179 : memref<4096xf32, #tpu.memory_space<hbm>>)
        tpu.yield
      }) : () -> ()
    } else {
    }
    %eq3A_63 = arith.constant 13 : i32
    %eq3A_64 = arith.cmpi eq, %add3A, %eq3A_63 : i32
    %convert_element_type3A_65 = arith.extui %eq3A_64 : i1 to i32
    %cond3A_66 = arith.constant 0 : i32
    %cond3A_67 = arith.cmpi ne, %convert_element_type3A_65, %cond3A_66 : i32
    scf.if %cond3A_67 {
      "tpu.region"() ({
        %run_scoped3A = tpu.sem_alloc : memref<!tpu.dma_semaphore, #tpu.memory_space<semaphore_mem>>
        %dma_start3A = arith.constant 0 : i32
        %dma_start3A_168 = tpu.memref_slice %arg12[%dma_start3A] : memref<4096xf32, #tpu.memory_space<vmem>> -> memref<4096xf32, #tpu.memory_space<vmem>>
        %dma_start3A_169 = arith.constant 36864 : i32
        %dma_start3A_170 = tpu.memref_slice %arg4[%dma_start3A_169] : memref<49152xf32, #tpu.memory_space<hbm>> -> memref<4096xf32, #tpu.memory_space<hbm>>
        %dma_start3A_171 = arith.constant 0 : i32
        %dma_start3A_172 = tpu.memref_slice %arg12[%dma_start3A_171] : memref<4096xf32, #tpu.memory_space<vmem>> -> memref<4096xf32, #tpu.memory_space<vmem>>
        %dma_start3A_173 = arith.constant 36864 : i32
        %dma_start3A_174 = tpu.memref_slice %arg4[%dma_start3A_173] : memref<49152xf32, #tpu.memory_space<hbm>> -> memref<4096xf32, #tpu.memory_space<hbm>>
        tpu.enqueue_dma source(%dma_start3A_174 : memref<4096xf32, #tpu.memory_space<hbm>>) target(%dma_start3A_172 : memref<4096xf32, #tpu.memory_space<vmem>>) target_semaphore(%run_scoped3A : memref<!tpu.dma_semaphore, #tpu.memory_space<semaphore_mem>>)
        %dma_wait3A = arith.constant 0 : i32
        %dma_wait3A_175 = tpu.memref_slice %arg12[%dma_wait3A] : memref<4096xf32, #tpu.memory_space<vmem>> -> memref<4096xf32, #tpu.memory_space<vmem>>
        %dma_wait3A_176 = arith.constant 36864 : i32
        %dma_wait3A_177 = tpu.memref_slice %arg4[%dma_wait3A_176] : memref<49152xf32, #tpu.memory_space<hbm>> -> memref<4096xf32, #tpu.memory_space<hbm>>
        %dma_wait3A_178 = arith.constant 0 : i32
        %dma_wait3A_179 = tpu.memref_slice %arg12[%dma_wait3A_178] : memref<4096xf32, #tpu.memory_space<vmem>> -> memref<4096xf32, #tpu.memory_space<vmem>>
        %dma_wait3A_180 = arith.constant 36864 : i32
        %dma_wait3A_181 = tpu.memref_slice %arg4[%dma_wait3A_180] : memref<49152xf32, #tpu.memory_space<hbm>> -> memref<4096xf32, #tpu.memory_space<hbm>>
        tpu.wait_dma2 semaphore(%run_scoped3A : memref<!tpu.dma_semaphore, #tpu.memory_space<semaphore_mem>>) src(%dma_wait3A_181 : memref<4096xf32, #tpu.memory_space<hbm>>) dst(%dma_wait3A_179 : memref<4096xf32, #tpu.memory_space<vmem>>)
        tpu.yield
      }) : () -> ()
      "tpu.region"() ({
        %run_scoped3A = tpu.sem_alloc : memref<!tpu.dma_semaphore, #tpu.memory_space<semaphore_mem>>
        %dma_start3A = arith.constant 0 : i32
        %dma_start3A_168 = tpu.memref_slice %arg12[%dma_start3A] : memref<4096xf32, #tpu.memory_space<vmem>> -> memref<4096xf32, #tpu.memory_space<vmem>>
        %dma_start3A_169 = arith.constant 46848 : i32
        %dma_start3A_170 = tpu.memref_slice %arg10[%dma_start3A_169] : memref<118272xf32, #tpu.memory_space<hbm>> -> memref<4096xf32, #tpu.memory_space<hbm>>
        %dma_start3A_171 = arith.constant 46848 : i32
        %dma_start3A_172 = tpu.memref_slice %arg10[%dma_start3A_171] : memref<118272xf32, #tpu.memory_space<hbm>> -> memref<4096xf32, #tpu.memory_space<hbm>>
        %dma_start3A_173 = arith.constant 0 : i32
        %dma_start3A_174 = tpu.memref_slice %arg12[%dma_start3A_173] : memref<4096xf32, #tpu.memory_space<vmem>> -> memref<4096xf32, #tpu.memory_space<vmem>>
        tpu.enqueue_dma source(%dma_start3A_174 : memref<4096xf32, #tpu.memory_space<vmem>>) target(%dma_start3A_172 : memref<4096xf32, #tpu.memory_space<hbm>>) target_semaphore(%run_scoped3A : memref<!tpu.dma_semaphore, #tpu.memory_space<semaphore_mem>>)
        %dma_wait3A = arith.constant 0 : i32
        %dma_wait3A_175 = tpu.memref_slice %arg12[%dma_wait3A] : memref<4096xf32, #tpu.memory_space<vmem>> -> memref<4096xf32, #tpu.memory_space<vmem>>
        %dma_wait3A_176 = arith.constant 46848 : i32
        %dma_wait3A_177 = tpu.memref_slice %arg10[%dma_wait3A_176] : memref<118272xf32, #tpu.memory_space<hbm>> -> memref<4096xf32, #tpu.memory_space<hbm>>
        %dma_wait3A_178 = arith.constant 46848 : i32
        %dma_wait3A_179 = tpu.memref_slice %arg10[%dma_wait3A_178] : memref<118272xf32, #tpu.memory_space<hbm>> -> memref<4096xf32, #tpu.memory_space<hbm>>
        %dma_wait3A_180 = arith.constant 0 : i32
        %dma_wait3A_181 = tpu.memref_slice %arg12[%dma_wait3A_180] : memref<4096xf32, #tpu.memory_space<vmem>> -> memref<4096xf32, #tpu.memory_space<vmem>>
        tpu.wait_dma2 semaphore(%run_scoped3A : memref<!tpu.dma_semaphore, #tpu.memory_space<semaphore_mem>>) src(%dma_wait3A_181 : memref<4096xf32, #tpu.memory_space<vmem>>) dst(%dma_wait3A_179 : memref<4096xf32, #tpu.memory_space<hbm>>)
        tpu.yield
      }) : () -> ()
    } else {
    }
    %eq3A_68 = arith.constant 14 : i32
    %eq3A_69 = arith.cmpi eq, %add3A, %eq3A_68 : i32
    %convert_element_type3A_70 = arith.extui %eq3A_69 : i1 to i32
    %cond3A_71 = arith.constant 0 : i32
    %cond3A_72 = arith.cmpi ne, %convert_element_type3A_70, %cond3A_71 : i32
    scf.if %cond3A_72 {
      "tpu.region"() ({
        %run_scoped3A = tpu.sem_alloc : memref<!tpu.dma_semaphore, #tpu.memory_space<semaphore_mem>>
        %dma_start3A = arith.constant 0 : i32
        %dma_start3A_168 = tpu.memref_slice %arg12[%dma_start3A] : memref<4096xf32, #tpu.memory_space<vmem>> -> memref<4096xf32, #tpu.memory_space<vmem>>
        %dma_start3A_169 = arith.constant 40960 : i32
        %dma_start3A_170 = tpu.memref_slice %arg4[%dma_start3A_169] : memref<49152xf32, #tpu.memory_space<hbm>> -> memref<4096xf32, #tpu.memory_space<hbm>>
        %dma_start3A_171 = arith.constant 0 : i32
        %dma_start3A_172 = tpu.memref_slice %arg12[%dma_start3A_171] : memref<4096xf32, #tpu.memory_space<vmem>> -> memref<4096xf32, #tpu.memory_space<vmem>>
        %dma_start3A_173 = arith.constant 40960 : i32
        %dma_start3A_174 = tpu.memref_slice %arg4[%dma_start3A_173] : memref<49152xf32, #tpu.memory_space<hbm>> -> memref<4096xf32, #tpu.memory_space<hbm>>
        tpu.enqueue_dma source(%dma_start3A_174 : memref<4096xf32, #tpu.memory_space<hbm>>) target(%dma_start3A_172 : memref<4096xf32, #tpu.memory_space<vmem>>) target_semaphore(%run_scoped3A : memref<!tpu.dma_semaphore, #tpu.memory_space<semaphore_mem>>)
        %dma_wait3A = arith.constant 0 : i32
        %dma_wait3A_175 = tpu.memref_slice %arg12[%dma_wait3A] : memref<4096xf32, #tpu.memory_space<vmem>> -> memref<4096xf32, #tpu.memory_space<vmem>>
        %dma_wait3A_176 = arith.constant 40960 : i32
        %dma_wait3A_177 = tpu.memref_slice %arg4[%dma_wait3A_176] : memref<49152xf32, #tpu.memory_space<hbm>> -> memref<4096xf32, #tpu.memory_space<hbm>>
        %dma_wait3A_178 = arith.constant 0 : i32
        %dma_wait3A_179 = tpu.memref_slice %arg12[%dma_wait3A_178] : memref<4096xf32, #tpu.memory_space<vmem>> -> memref<4096xf32, #tpu.memory_space<vmem>>
        %dma_wait3A_180 = arith.constant 40960 : i32
        %dma_wait3A_181 = tpu.memref_slice %arg4[%dma_wait3A_180] : memref<49152xf32, #tpu.memory_space<hbm>> -> memref<4096xf32, #tpu.memory_space<hbm>>
        tpu.wait_dma2 semaphore(%run_scoped3A : memref<!tpu.dma_semaphore, #tpu.memory_space<semaphore_mem>>) src(%dma_wait3A_181 : memref<4096xf32, #tpu.memory_space<hbm>>) dst(%dma_wait3A_179 : memref<4096xf32, #tpu.memory_space<vmem>>)
        tpu.yield
      }) : () -> ()
      "tpu.region"() ({
        %run_scoped3A = tpu.sem_alloc : memref<!tpu.dma_semaphore, #tpu.memory_space<semaphore_mem>>
        %dma_start3A = arith.constant 0 : i32
        %dma_start3A_168 = tpu.memref_slice %arg12[%dma_start3A] : memref<4096xf32, #tpu.memory_space<vmem>> -> memref<4096xf32, #tpu.memory_space<vmem>>
        %dma_start3A_169 = arith.constant 50944 : i32
        %dma_start3A_170 = tpu.memref_slice %arg10[%dma_start3A_169] : memref<118272xf32, #tpu.memory_space<hbm>> -> memref<4096xf32, #tpu.memory_space<hbm>>
        %dma_start3A_171 = arith.constant 50944 : i32
        %dma_start3A_172 = tpu.memref_slice %arg10[%dma_start3A_171] : memref<118272xf32, #tpu.memory_space<hbm>> -> memref<4096xf32, #tpu.memory_space<hbm>>
        %dma_start3A_173 = arith.constant 0 : i32
        %dma_start3A_174 = tpu.memref_slice %arg12[%dma_start3A_173] : memref<4096xf32, #tpu.memory_space<vmem>> -> memref<4096xf32, #tpu.memory_space<vmem>>
        tpu.enqueue_dma source(%dma_start3A_174 : memref<4096xf32, #tpu.memory_space<vmem>>) target(%dma_start3A_172 : memref<4096xf32, #tpu.memory_space<hbm>>) target_semaphore(%run_scoped3A : memref<!tpu.dma_semaphore, #tpu.memory_space<semaphore_mem>>)
        %dma_wait3A = arith.constant 0 : i32
        %dma_wait3A_175 = tpu.memref_slice %arg12[%dma_wait3A] : memref<4096xf32, #tpu.memory_space<vmem>> -> memref<4096xf32, #tpu.memory_space<vmem>>
        %dma_wait3A_176 = arith.constant 50944 : i32
        %dma_wait3A_177 = tpu.memref_slice %arg10[%dma_wait3A_176] : memref<118272xf32, #tpu.memory_space<hbm>> -> memref<4096xf32, #tpu.memory_space<hbm>>
        %dma_wait3A_178 = arith.constant 50944 : i32
        %dma_wait3A_179 = tpu.memref_slice %arg10[%dma_wait3A_178] : memref<118272xf32, #tpu.memory_space<hbm>> -> memref<4096xf32, #tpu.memory_space<hbm>>
        %dma_wait3A_180 = arith.constant 0 : i32
        %dma_wait3A_181 = tpu.memref_slice %arg12[%dma_wait3A_180] : memref<4096xf32, #tpu.memory_space<vmem>> -> memref<4096xf32, #tpu.memory_space<vmem>>
        tpu.wait_dma2 semaphore(%run_scoped3A : memref<!tpu.dma_semaphore, #tpu.memory_space<semaphore_mem>>) src(%dma_wait3A_181 : memref<4096xf32, #tpu.memory_space<vmem>>) dst(%dma_wait3A_179 : memref<4096xf32, #tpu.memory_space<hbm>>)
        tpu.yield
      }) : () -> ()
    } else {
    }
    %eq3A_73 = arith.constant 15 : i32
    %eq3A_74 = arith.cmpi eq, %add3A, %eq3A_73 : i32
    %convert_element_type3A_75 = arith.extui %eq3A_74 : i1 to i32
    %cond3A_76 = arith.constant 0 : i32
    %cond3A_77 = arith.cmpi ne, %convert_element_type3A_75, %cond3A_76 : i32
    scf.if %cond3A_77 {
      "tpu.region"() ({
        %run_scoped3A = tpu.sem_alloc : memref<!tpu.dma_semaphore, #tpu.memory_space<semaphore_mem>>
        %dma_start3A = arith.constant 0 : i32
        %dma_start3A_168 = tpu.memref_slice %arg12[%dma_start3A] : memref<4096xf32, #tpu.memory_space<vmem>> -> memref<4096xf32, #tpu.memory_space<vmem>>
        %dma_start3A_169 = arith.constant 45056 : i32
        %dma_start3A_170 = tpu.memref_slice %arg4[%dma_start3A_169] : memref<49152xf32, #tpu.memory_space<hbm>> -> memref<4096xf32, #tpu.memory_space<hbm>>
        %dma_start3A_171 = arith.constant 0 : i32
        %dma_start3A_172 = tpu.memref_slice %arg12[%dma_start3A_171] : memref<4096xf32, #tpu.memory_space<vmem>> -> memref<4096xf32, #tpu.memory_space<vmem>>
        %dma_start3A_173 = arith.constant 45056 : i32
        %dma_start3A_174 = tpu.memref_slice %arg4[%dma_start3A_173] : memref<49152xf32, #tpu.memory_space<hbm>> -> memref<4096xf32, #tpu.memory_space<hbm>>
        tpu.enqueue_dma source(%dma_start3A_174 : memref<4096xf32, #tpu.memory_space<hbm>>) target(%dma_start3A_172 : memref<4096xf32, #tpu.memory_space<vmem>>) target_semaphore(%run_scoped3A : memref<!tpu.dma_semaphore, #tpu.memory_space<semaphore_mem>>)
        %dma_wait3A = arith.constant 0 : i32
        %dma_wait3A_175 = tpu.memref_slice %arg12[%dma_wait3A] : memref<4096xf32, #tpu.memory_space<vmem>> -> memref<4096xf32, #tpu.memory_space<vmem>>
        %dma_wait3A_176 = arith.constant 45056 : i32
        %dma_wait3A_177 = tpu.memref_slice %arg4[%dma_wait3A_176] : memref<49152xf32, #tpu.memory_space<hbm>> -> memref<4096xf32, #tpu.memory_space<hbm>>
        %dma_wait3A_178 = arith.constant 0 : i32
        %dma_wait3A_179 = tpu.memref_slice %arg12[%dma_wait3A_178] : memref<4096xf32, #tpu.memory_space<vmem>> -> memref<4096xf32, #tpu.memory_space<vmem>>
        %dma_wait3A_180 = arith.constant 45056 : i32
        %dma_wait3A_181 = tpu.memref_slice %arg4[%dma_wait3A_180] : memref<49152xf32, #tpu.memory_space<hbm>> -> memref<4096xf32, #tpu.memory_space<hbm>>
        tpu.wait_dma2 semaphore(%run_scoped3A : memref<!tpu.dma_semaphore, #tpu.memory_space<semaphore_mem>>) src(%dma_wait3A_181 : memref<4096xf32, #tpu.memory_space<hbm>>) dst(%dma_wait3A_179 : memref<4096xf32, #tpu.memory_space<vmem>>)
        tpu.yield
      }) : () -> ()
      "tpu.region"() ({
        %run_scoped3A = tpu.sem_alloc : memref<!tpu.dma_semaphore, #tpu.memory_space<semaphore_mem>>
        %dma_start3A = arith.constant 0 : i32
        %dma_start3A_168 = tpu.memref_slice %arg12[%dma_start3A] : memref<4096xf32, #tpu.memory_space<vmem>> -> memref<4096xf32, #tpu.memory_space<vmem>>
        %dma_start3A_169 = arith.constant 55040 : i32
        %dma_start3A_170 = tpu.memref_slice %arg10[%dma_start3A_169] : memref<118272xf32, #tpu.memory_space<hbm>> -> memref<4096xf32, #tpu.memory_space<hbm>>
        %dma_start3A_171 = arith.constant 55040 : i32
        %dma_start3A_172 = tpu.memref_slice %arg10[%dma_start3A_171] : memref<118272xf32, #tpu.memory_space<hbm>> -> memref<4096xf32, #tpu.memory_space<hbm>>
        %dma_start3A_173 = arith.constant 0 : i32
        %dma_start3A_174 = tpu.memref_slice %arg12[%dma_start3A_173] : memref<4096xf32, #tpu.memory_space<vmem>> -> memref<4096xf32, #tpu.memory_space<vmem>>
        tpu.enqueue_dma source(%dma_start3A_174 : memref<4096xf32, #tpu.memory_space<vmem>>) target(%dma_start3A_172 : memref<4096xf32, #tpu.memory_space<hbm>>) target_semaphore(%run_scoped3A : memref<!tpu.dma_semaphore, #tpu.memory_space<semaphore_mem>>)
        %dma_wait3A = arith.constant 0 : i32
        %dma_wait3A_175 = tpu.memref_slice %arg12[%dma_wait3A] : memref<4096xf32, #tpu.memory_space<vmem>> -> memref<4096xf32, #tpu.memory_space<vmem>>
        %dma_wait3A_176 = arith.constant 55040 : i32
        %dma_wait3A_177 = tpu.memref_slice %arg10[%dma_wait3A_176] : memref<118272xf32, #tpu.memory_space<hbm>> -> memref<4096xf32, #tpu.memory_space<hbm>>
        %dma_wait3A_178 = arith.constant 55040 : i32
        %dma_wait3A_179 = tpu.memref_slice %arg10[%dma_wait3A_178] : memref<118272xf32, #tpu.memory_space<hbm>> -> memref<4096xf32, #tpu.memory_space<hbm>>
        %dma_wait3A_180 = arith.constant 0 : i32
        %dma_wait3A_181 = tpu.memref_slice %arg12[%dma_wait3A_180] : memref<4096xf32, #tpu.memory_space<vmem>> -> memref<4096xf32, #tpu.memory_space<vmem>>
        tpu.wait_dma2 semaphore(%run_scoped3A : memref<!tpu.dma_semaphore, #tpu.memory_space<semaphore_mem>>) src(%dma_wait3A_181 : memref<4096xf32, #tpu.memory_space<vmem>>) dst(%dma_wait3A_179 : memref<4096xf32, #tpu.memory_space<hbm>>)
        tpu.yield
      }) : () -> ()
    } else {
    }
    %eq3A_78 = arith.constant 16 : i32
    %eq3A_79 = arith.cmpi eq, %add3A, %eq3A_78 : i32
    %convert_element_type3A_80 = arith.extui %eq3A_79 : i1 to i32
    %cond3A_81 = arith.constant 0 : i32
    %cond3A_82 = arith.cmpi ne, %convert_element_type3A_80, %cond3A_81 : i32
    scf.if %cond3A_82 {
      "tpu.region"() ({
        %run_scoped3A = tpu.sem_alloc : memref<!tpu.dma_semaphore, #tpu.memory_space<semaphore_mem>>
        %dma_start3A = arith.constant 0 : i32
        %dma_start3A_168 = tpu.memref_slice %arg12[%dma_start3A] : memref<4096xf32, #tpu.memory_space<vmem>> -> memref<768xf32, #tpu.memory_space<vmem>>
        %dma_start3A_169 = arith.constant 0 : i32
        %dma_start3A_170 = tpu.memref_slice %arg5[%dma_start3A_169] : memref<768xf32, #tpu.memory_space<hbm>> -> memref<768xf32, #tpu.memory_space<hbm>>
        %dma_start3A_171 = arith.constant 0 : i32
        %dma_start3A_172 = tpu.memref_slice %arg12[%dma_start3A_171] : memref<4096xf32, #tpu.memory_space<vmem>> -> memref<768xf32, #tpu.memory_space<vmem>>
        %dma_start3A_173 = arith.constant 0 : i32
        %dma_start3A_174 = tpu.memref_slice %arg5[%dma_start3A_173] : memref<768xf32, #tpu.memory_space<hbm>> -> memref<768xf32, #tpu.memory_space<hbm>>
        tpu.enqueue_dma source(%dma_start3A_174 : memref<768xf32, #tpu.memory_space<hbm>>) target(%dma_start3A_172 : memref<768xf32, #tpu.memory_space<vmem>>) target_semaphore(%run_scoped3A : memref<!tpu.dma_semaphore, #tpu.memory_space<semaphore_mem>>)
        %dma_wait3A = arith.constant 0 : i32
        %dma_wait3A_175 = tpu.memref_slice %arg12[%dma_wait3A] : memref<4096xf32, #tpu.memory_space<vmem>> -> memref<768xf32, #tpu.memory_space<vmem>>
        %dma_wait3A_176 = arith.constant 0 : i32
        %dma_wait3A_177 = tpu.memref_slice %arg5[%dma_wait3A_176] : memref<768xf32, #tpu.memory_space<hbm>> -> memref<768xf32, #tpu.memory_space<hbm>>
        %dma_wait3A_178 = arith.constant 0 : i32
        %dma_wait3A_179 = tpu.memref_slice %arg12[%dma_wait3A_178] : memref<4096xf32, #tpu.memory_space<vmem>> -> memref<768xf32, #tpu.memory_space<vmem>>
        %dma_wait3A_180 = arith.constant 0 : i32
        %dma_wait3A_181 = tpu.memref_slice %arg5[%dma_wait3A_180] : memref<768xf32, #tpu.memory_space<hbm>> -> memref<768xf32, #tpu.memory_space<hbm>>
        tpu.wait_dma2 semaphore(%run_scoped3A : memref<!tpu.dma_semaphore, #tpu.memory_space<semaphore_mem>>) src(%dma_wait3A_181 : memref<768xf32, #tpu.memory_space<hbm>>) dst(%dma_wait3A_179 : memref<768xf32, #tpu.memory_space<vmem>>)
        tpu.yield
      }) : () -> ()
      "tpu.region"() ({
        %run_scoped3A = tpu.sem_alloc : memref<!tpu.dma_semaphore, #tpu.memory_space<semaphore_mem>>
        %dma_start3A = arith.constant 0 : i32
        %dma_start3A_168 = tpu.memref_slice %arg12[%dma_start3A] : memref<4096xf32, #tpu.memory_space<vmem>> -> memref<768xf32, #tpu.memory_space<vmem>>
        %dma_start3A_169 = arith.constant 59136 : i32
        %dma_start3A_170 = tpu.memref_slice %arg10[%dma_start3A_169] : memref<118272xf32, #tpu.memory_space<hbm>> -> memref<768xf32, #tpu.memory_space<hbm>>
        %dma_start3A_171 = arith.constant 59136 : i32
        %dma_start3A_172 = tpu.memref_slice %arg10[%dma_start3A_171] : memref<118272xf32, #tpu.memory_space<hbm>> -> memref<768xf32, #tpu.memory_space<hbm>>
        %dma_start3A_173 = arith.constant 0 : i32
        %dma_start3A_174 = tpu.memref_slice %arg12[%dma_start3A_173] : memref<4096xf32, #tpu.memory_space<vmem>> -> memref<768xf32, #tpu.memory_space<vmem>>
        tpu.enqueue_dma source(%dma_start3A_174 : memref<768xf32, #tpu.memory_space<vmem>>) target(%dma_start3A_172 : memref<768xf32, #tpu.memory_space<hbm>>) target_semaphore(%run_scoped3A : memref<!tpu.dma_semaphore, #tpu.memory_space<semaphore_mem>>)
        %dma_wait3A = arith.constant 0 : i32
        %dma_wait3A_175 = tpu.memref_slice %arg12[%dma_wait3A] : memref<4096xf32, #tpu.memory_space<vmem>> -> memref<768xf32, #tpu.memory_space<vmem>>
        %dma_wait3A_176 = arith.constant 59136 : i32
        %dma_wait3A_177 = tpu.memref_slice %arg10[%dma_wait3A_176] : memref<118272xf32, #tpu.memory_space<hbm>> -> memref<768xf32, #tpu.memory_space<hbm>>
        %dma_wait3A_178 = arith.constant 59136 : i32
        %dma_wait3A_179 = tpu.memref_slice %arg10[%dma_wait3A_178] : memref<118272xf32, #tpu.memory_space<hbm>> -> memref<768xf32, #tpu.memory_space<hbm>>
        %dma_wait3A_180 = arith.constant 0 : i32
        %dma_wait3A_181 = tpu.memref_slice %arg12[%dma_wait3A_180] : memref<4096xf32, #tpu.memory_space<vmem>> -> memref<768xf32, #tpu.memory_space<vmem>>
        tpu.wait_dma2 semaphore(%run_scoped3A : memref<!tpu.dma_semaphore, #tpu.memory_space<semaphore_mem>>) src(%dma_wait3A_181 : memref<768xf32, #tpu.memory_space<vmem>>) dst(%dma_wait3A_179 : memref<768xf32, #tpu.memory_space<hbm>>)
        tpu.yield
      }) : () -> ()
    } else {
    }
    %eq3A_83 = arith.constant 17 : i32
    %eq3A_84 = arith.cmpi eq, %add3A, %eq3A_83 : i32
    %convert_element_type3A_85 = arith.extui %eq3A_84 : i1 to i32
    %cond3A_86 = arith.constant 0 : i32
    %cond3A_87 = arith.cmpi ne, %convert_element_type3A_85, %cond3A_86 : i32
    scf.if %cond3A_87 {
      "tpu.region"() ({
        %run_scoped3A = tpu.sem_alloc : memref<!tpu.dma_semaphore, #tpu.memory_space<semaphore_mem>>
        %dma_start3A = arith.constant 0 : i32
        %dma_start3A_168 = tpu.memref_slice %arg12[%dma_start3A] : memref<4096xf32, #tpu.memory_space<vmem>> -> memref<3072xf32, #tpu.memory_space<vmem>>
        %dma_start3A_169 = arith.constant 0 : i32
        %dma_start3A_170 = tpu.memref_slice %arg6[%dma_start3A_169] : memref<9216xf32, #tpu.memory_space<hbm>> -> memref<3072xf32, #tpu.memory_space<hbm>>
        %dma_start3A_171 = arith.constant 0 : i32
        %dma_start3A_172 = tpu.memref_slice %arg12[%dma_start3A_171] : memref<4096xf32, #tpu.memory_space<vmem>> -> memref<3072xf32, #tpu.memory_space<vmem>>
        %dma_start3A_173 = arith.constant 0 : i32
        %dma_start3A_174 = tpu.memref_slice %arg6[%dma_start3A_173] : memref<9216xf32, #tpu.memory_space<hbm>> -> memref<3072xf32, #tpu.memory_space<hbm>>
        tpu.enqueue_dma source(%dma_start3A_174 : memref<3072xf32, #tpu.memory_space<hbm>>) target(%dma_start3A_172 : memref<3072xf32, #tpu.memory_space<vmem>>) target_semaphore(%run_scoped3A : memref<!tpu.dma_semaphore, #tpu.memory_space<semaphore_mem>>)
        %dma_wait3A = arith.constant 0 : i32
        %dma_wait3A_175 = tpu.memref_slice %arg12[%dma_wait3A] : memref<4096xf32, #tpu.memory_space<vmem>> -> memref<3072xf32, #tpu.memory_space<vmem>>
        %dma_wait3A_176 = arith.constant 0 : i32
        %dma_wait3A_177 = tpu.memref_slice %arg6[%dma_wait3A_176] : memref<9216xf32, #tpu.memory_space<hbm>> -> memref<3072xf32, #tpu.memory_space<hbm>>
        %dma_wait3A_178 = arith.constant 0 : i32
        %dma_wait3A_179 = tpu.memref_slice %arg12[%dma_wait3A_178] : memref<4096xf32, #tpu.memory_space<vmem>> -> memref<3072xf32, #tpu.memory_space<vmem>>
        %dma_wait3A_180 = arith.constant 0 : i32
        %dma_wait3A_181 = tpu.memref_slice %arg6[%dma_wait3A_180] : memref<9216xf32, #tpu.memory_space<hbm>> -> memref<3072xf32, #tpu.memory_space<hbm>>
        tpu.wait_dma2 semaphore(%run_scoped3A : memref<!tpu.dma_semaphore, #tpu.memory_space<semaphore_mem>>) src(%dma_wait3A_181 : memref<3072xf32, #tpu.memory_space<hbm>>) dst(%dma_wait3A_179 : memref<3072xf32, #tpu.memory_space<vmem>>)
        tpu.yield
      }) : () -> ()
      "tpu.region"() ({
        %run_scoped3A = tpu.sem_alloc : memref<!tpu.dma_semaphore, #tpu.memory_space<semaphore_mem>>
        %dma_start3A = arith.constant 0 : i32
        %dma_start3A_168 = tpu.memref_slice %arg12[%dma_start3A] : memref<4096xf32, #tpu.memory_space<vmem>> -> memref<3072xf32, #tpu.memory_space<vmem>>
        %dma_start3A_169 = arith.constant 59904 : i32
        %dma_start3A_170 = tpu.memref_slice %arg10[%dma_start3A_169] : memref<118272xf32, #tpu.memory_space<hbm>> -> memref<3072xf32, #tpu.memory_space<hbm>>
        %dma_start3A_171 = arith.constant 59904 : i32
        %dma_start3A_172 = tpu.memref_slice %arg10[%dma_start3A_171] : memref<118272xf32, #tpu.memory_space<hbm>> -> memref<3072xf32, #tpu.memory_space<hbm>>
        %dma_start3A_173 = arith.constant 0 : i32
        %dma_start3A_174 = tpu.memref_slice %arg12[%dma_start3A_173] : memref<4096xf32, #tpu.memory_space<vmem>> -> memref<3072xf32, #tpu.memory_space<vmem>>
        tpu.enqueue_dma source(%dma_start3A_174 : memref<3072xf32, #tpu.memory_space<vmem>>) target(%dma_start3A_172 : memref<3072xf32, #tpu.memory_space<hbm>>) target_semaphore(%run_scoped3A : memref<!tpu.dma_semaphore, #tpu.memory_space<semaphore_mem>>)
        %dma_wait3A = arith.constant 0 : i32
        %dma_wait3A_175 = tpu.memref_slice %arg12[%dma_wait3A] : memref<4096xf32, #tpu.memory_space<vmem>> -> memref<3072xf32, #tpu.memory_space<vmem>>
        %dma_wait3A_176 = arith.constant 59904 : i32
        %dma_wait3A_177 = tpu.memref_slice %arg10[%dma_wait3A_176] : memref<118272xf32, #tpu.memory_space<hbm>> -> memref<3072xf32, #tpu.memory_space<hbm>>
        %dma_wait3A_178 = arith.constant 59904 : i32
        %dma_wait3A_179 = tpu.memref_slice %arg10[%dma_wait3A_178] : memref<118272xf32, #tpu.memory_space<hbm>> -> memref<3072xf32, #tpu.memory_space<hbm>>
        %dma_wait3A_180 = arith.constant 0 : i32
        %dma_wait3A_181 = tpu.memref_slice %arg12[%dma_wait3A_180] : memref<4096xf32, #tpu.memory_space<vmem>> -> memref<3072xf32, #tpu.memory_space<vmem>>
        tpu.wait_dma2 semaphore(%run_scoped3A : memref<!tpu.dma_semaphore, #tpu.memory_space<semaphore_mem>>) src(%dma_wait3A_181 : memref<3072xf32, #tpu.memory_space<vmem>>) dst(%dma_wait3A_179 : memref<3072xf32, #tpu.memory_space<hbm>>)
        tpu.yield
      }) : () -> ()
    } else {
    }
    %eq3A_88 = arith.constant 18 : i32
    %eq3A_89 = arith.cmpi eq, %add3A, %eq3A_88 : i32
    %convert_element_type3A_90 = arith.extui %eq3A_89 : i1 to i32
    %cond3A_91 = arith.constant 0 : i32
    %cond3A_92 = arith.cmpi ne, %convert_element_type3A_90, %cond3A_91 : i32
    scf.if %cond3A_92 {
      "tpu.region"() ({
        %run_scoped3A = tpu.sem_alloc : memref<!tpu.dma_semaphore, #tpu.memory_space<semaphore_mem>>
        %dma_start3A = arith.constant 0 : i32
        %dma_start3A_168 = tpu.memref_slice %arg12[%dma_start3A] : memref<4096xf32, #tpu.memory_space<vmem>> -> memref<3072xf32, #tpu.memory_space<vmem>>
        %dma_start3A_169 = arith.constant 3072 : i32
        %dma_start3A_170 = tpu.memref_slice %arg6[%dma_start3A_169] : memref<9216xf32, #tpu.memory_space<hbm>> -> memref<3072xf32, #tpu.memory_space<hbm>>
        %dma_start3A_171 = arith.constant 0 : i32
        %dma_start3A_172 = tpu.memref_slice %arg12[%dma_start3A_171] : memref<4096xf32, #tpu.memory_space<vmem>> -> memref<3072xf32, #tpu.memory_space<vmem>>
        %dma_start3A_173 = arith.constant 3072 : i32
        %dma_start3A_174 = tpu.memref_slice %arg6[%dma_start3A_173] : memref<9216xf32, #tpu.memory_space<hbm>> -> memref<3072xf32, #tpu.memory_space<hbm>>
        tpu.enqueue_dma source(%dma_start3A_174 : memref<3072xf32, #tpu.memory_space<hbm>>) target(%dma_start3A_172 : memref<3072xf32, #tpu.memory_space<vmem>>) target_semaphore(%run_scoped3A : memref<!tpu.dma_semaphore, #tpu.memory_space<semaphore_mem>>)
        %dma_wait3A = arith.constant 0 : i32
        %dma_wait3A_175 = tpu.memref_slice %arg12[%dma_wait3A] : memref<4096xf32, #tpu.memory_space<vmem>> -> memref<3072xf32, #tpu.memory_space<vmem>>
        %dma_wait3A_176 = arith.constant 3072 : i32
        %dma_wait3A_177 = tpu.memref_slice %arg6[%dma_wait3A_176] : memref<9216xf32, #tpu.memory_space<hbm>> -> memref<3072xf32, #tpu.memory_space<hbm>>
        %dma_wait3A_178 = arith.constant 0 : i32
        %dma_wait3A_179 = tpu.memref_slice %arg12[%dma_wait3A_178] : memref<4096xf32, #tpu.memory_space<vmem>> -> memref<3072xf32, #tpu.memory_space<vmem>>
        %dma_wait3A_180 = arith.constant 3072 : i32
        %dma_wait3A_181 = tpu.memref_slice %arg6[%dma_wait3A_180] : memref<9216xf32, #tpu.memory_space<hbm>> -> memref<3072xf32, #tpu.memory_space<hbm>>
        tpu.wait_dma2 semaphore(%run_scoped3A : memref<!tpu.dma_semaphore, #tpu.memory_space<semaphore_mem>>) src(%dma_wait3A_181 : memref<3072xf32, #tpu.memory_space<hbm>>) dst(%dma_wait3A_179 : memref<3072xf32, #tpu.memory_space<vmem>>)
        tpu.yield
      }) : () -> ()
      "tpu.region"() ({
        %run_scoped3A = tpu.sem_alloc : memref<!tpu.dma_semaphore, #tpu.memory_space<semaphore_mem>>
        %dma_start3A = arith.constant 0 : i32
        %dma_start3A_168 = tpu.memref_slice %arg12[%dma_start3A] : memref<4096xf32, #tpu.memory_space<vmem>> -> memref<3072xf32, #tpu.memory_space<vmem>>
        %dma_start3A_169 = arith.constant 62976 : i32
        %dma_start3A_170 = tpu.memref_slice %arg10[%dma_start3A_169] : memref<118272xf32, #tpu.memory_space<hbm>> -> memref<3072xf32, #tpu.memory_space<hbm>>
        %dma_start3A_171 = arith.constant 62976 : i32
        %dma_start3A_172 = tpu.memref_slice %arg10[%dma_start3A_171] : memref<118272xf32, #tpu.memory_space<hbm>> -> memref<3072xf32, #tpu.memory_space<hbm>>
        %dma_start3A_173 = arith.constant 0 : i32
        %dma_start3A_174 = tpu.memref_slice %arg12[%dma_start3A_173] : memref<4096xf32, #tpu.memory_space<vmem>> -> memref<3072xf32, #tpu.memory_space<vmem>>
        tpu.enqueue_dma source(%dma_start3A_174 : memref<3072xf32, #tpu.memory_space<vmem>>) target(%dma_start3A_172 : memref<3072xf32, #tpu.memory_space<hbm>>) target_semaphore(%run_scoped3A : memref<!tpu.dma_semaphore, #tpu.memory_space<semaphore_mem>>)
        %dma_wait3A = arith.constant 0 : i32
        %dma_wait3A_175 = tpu.memref_slice %arg12[%dma_wait3A] : memref<4096xf32, #tpu.memory_space<vmem>> -> memref<3072xf32, #tpu.memory_space<vmem>>
        %dma_wait3A_176 = arith.constant 62976 : i32
        %dma_wait3A_177 = tpu.memref_slice %arg10[%dma_wait3A_176] : memref<118272xf32, #tpu.memory_space<hbm>> -> memref<3072xf32, #tpu.memory_space<hbm>>
        %dma_wait3A_178 = arith.constant 62976 : i32
        %dma_wait3A_179 = tpu.memref_slice %arg10[%dma_wait3A_178] : memref<118272xf32, #tpu.memory_space<hbm>> -> memref<3072xf32, #tpu.memory_space<hbm>>
        %dma_wait3A_180 = arith.constant 0 : i32
        %dma_wait3A_181 = tpu.memref_slice %arg12[%dma_wait3A_180] : memref<4096xf32, #tpu.memory_space<vmem>> -> memref<3072xf32, #tpu.memory_space<vmem>>
        tpu.wait_dma2 semaphore(%run_scoped3A : memref<!tpu.dma_semaphore, #tpu.memory_space<semaphore_mem>>) src(%dma_wait3A_181 : memref<3072xf32, #tpu.memory_space<vmem>>) dst(%dma_wait3A_179 : memref<3072xf32, #tpu.memory_space<hbm>>)
        tpu.yield
      }) : () -> ()
    } else {
    }
    %eq3A_93 = arith.constant 19 : i32
    %eq3A_94 = arith.cmpi eq, %add3A, %eq3A_93 : i32
    %convert_element_type3A_95 = arith.extui %eq3A_94 : i1 to i32
    %cond3A_96 = arith.constant 0 : i32
    %cond3A_97 = arith.cmpi ne, %convert_element_type3A_95, %cond3A_96 : i32
    scf.if %cond3A_97 {
      "tpu.region"() ({
        %run_scoped3A = tpu.sem_alloc : memref<!tpu.dma_semaphore, #tpu.memory_space<semaphore_mem>>
        %dma_start3A = arith.constant 0 : i32
        %dma_start3A_168 = tpu.memref_slice %arg12[%dma_start3A] : memref<4096xf32, #tpu.memory_space<vmem>> -> memref<3072xf32, #tpu.memory_space<vmem>>
        %dma_start3A_169 = arith.constant 6144 : i32
        %dma_start3A_170 = tpu.memref_slice %arg6[%dma_start3A_169] : memref<9216xf32, #tpu.memory_space<hbm>> -> memref<3072xf32, #tpu.memory_space<hbm>>
        %dma_start3A_171 = arith.constant 0 : i32
        %dma_start3A_172 = tpu.memref_slice %arg12[%dma_start3A_171] : memref<4096xf32, #tpu.memory_space<vmem>> -> memref<3072xf32, #tpu.memory_space<vmem>>
        %dma_start3A_173 = arith.constant 6144 : i32
        %dma_start3A_174 = tpu.memref_slice %arg6[%dma_start3A_173] : memref<9216xf32, #tpu.memory_space<hbm>> -> memref<3072xf32, #tpu.memory_space<hbm>>
        tpu.enqueue_dma source(%dma_start3A_174 : memref<3072xf32, #tpu.memory_space<hbm>>) target(%dma_start3A_172 : memref<3072xf32, #tpu.memory_space<vmem>>) target_semaphore(%run_scoped3A : memref<!tpu.dma_semaphore, #tpu.memory_space<semaphore_mem>>)
        %dma_wait3A = arith.constant 0 : i32
        %dma_wait3A_175 = tpu.memref_slice %arg12[%dma_wait3A] : memref<4096xf32, #tpu.memory_space<vmem>> -> memref<3072xf32, #tpu.memory_space<vmem>>
        %dma_wait3A_176 = arith.constant 6144 : i32
        %dma_wait3A_177 = tpu.memref_slice %arg6[%dma_wait3A_176] : memref<9216xf32, #tpu.memory_space<hbm>> -> memref<3072xf32, #tpu.memory_space<hbm>>
        %dma_wait3A_178 = arith.constant 0 : i32
        %dma_wait3A_179 = tpu.memref_slice %arg12[%dma_wait3A_178] : memref<4096xf32, #tpu.memory_space<vmem>> -> memref<3072xf32, #tpu.memory_space<vmem>>
        %dma_wait3A_180 = arith.constant 6144 : i32
        %dma_wait3A_181 = tpu.memref_slice %arg6[%dma_wait3A_180] : memref<9216xf32, #tpu.memory_space<hbm>> -> memref<3072xf32, #tpu.memory_space<hbm>>
        tpu.wait_dma2 semaphore(%run_scoped3A : memref<!tpu.dma_semaphore, #tpu.memory_space<semaphore_mem>>) src(%dma_wait3A_181 : memref<3072xf32, #tpu.memory_space<hbm>>) dst(%dma_wait3A_179 : memref<3072xf32, #tpu.memory_space<vmem>>)
        tpu.yield
      }) : () -> ()
      "tpu.region"() ({
        %run_scoped3A = tpu.sem_alloc : memref<!tpu.dma_semaphore, #tpu.memory_space<semaphore_mem>>
        %dma_start3A = arith.constant 0 : i32
        %dma_start3A_168 = tpu.memref_slice %arg12[%dma_start3A] : memref<4096xf32, #tpu.memory_space<vmem>> -> memref<3072xf32, #tpu.memory_space<vmem>>
        %dma_start3A_169 = arith.constant 66048 : i32
        %dma_start3A_170 = tpu.memref_slice %arg10[%dma_start3A_169] : memref<118272xf32, #tpu.memory_space<hbm>> -> memref<3072xf32, #tpu.memory_space<hbm>>
        %dma_start3A_171 = arith.constant 66048 : i32
        %dma_start3A_172 = tpu.memref_slice %arg10[%dma_start3A_171] : memref<118272xf32, #tpu.memory_space<hbm>> -> memref<3072xf32, #tpu.memory_space<hbm>>
        %dma_start3A_173 = arith.constant 0 : i32
        %dma_start3A_174 = tpu.memref_slice %arg12[%dma_start3A_173] : memref<4096xf32, #tpu.memory_space<vmem>> -> memref<3072xf32, #tpu.memory_space<vmem>>
        tpu.enqueue_dma source(%dma_start3A_174 : memref<3072xf32, #tpu.memory_space<vmem>>) target(%dma_start3A_172 : memref<3072xf32, #tpu.memory_space<hbm>>) target_semaphore(%run_scoped3A : memref<!tpu.dma_semaphore, #tpu.memory_space<semaphore_mem>>)
        %dma_wait3A = arith.constant 0 : i32
        %dma_wait3A_175 = tpu.memref_slice %arg12[%dma_wait3A] : memref<4096xf32, #tpu.memory_space<vmem>> -> memref<3072xf32, #tpu.memory_space<vmem>>
        %dma_wait3A_176 = arith.constant 66048 : i32
        %dma_wait3A_177 = tpu.memref_slice %arg10[%dma_wait3A_176] : memref<118272xf32, #tpu.memory_space<hbm>> -> memref<3072xf32, #tpu.memory_space<hbm>>
        %dma_wait3A_178 = arith.constant 66048 : i32
        %dma_wait3A_179 = tpu.memref_slice %arg10[%dma_wait3A_178] : memref<118272xf32, #tpu.memory_space<hbm>> -> memref<3072xf32, #tpu.memory_space<hbm>>
        %dma_wait3A_180 = arith.constant 0 : i32
        %dma_wait3A_181 = tpu.memref_slice %arg12[%dma_wait3A_180] : memref<4096xf32, #tpu.memory_space<vmem>> -> memref<3072xf32, #tpu.memory_space<vmem>>
        tpu.wait_dma2 semaphore(%run_scoped3A : memref<!tpu.dma_semaphore, #tpu.memory_space<semaphore_mem>>) src(%dma_wait3A_181 : memref<3072xf32, #tpu.memory_space<vmem>>) dst(%dma_wait3A_179 : memref<3072xf32, #tpu.memory_space<hbm>>)
        tpu.yield
      }) : () -> ()
    } else {
    }
    %eq3A_98 = arith.constant 20 : i32
    %eq3A_99 = arith.cmpi eq, %add3A, %eq3A_98 : i32
    %convert_element_type3A_100 = arith.extui %eq3A_99 : i1 to i32
    %cond3A_101 = arith.constant 0 : i32
    %cond3A_102 = arith.cmpi ne, %convert_element_type3A_100, %cond3A_101 : i32
    scf.if %cond3A_102 {
      "tpu.region"() ({
        %run_scoped3A = tpu.sem_alloc : memref<!tpu.dma_semaphore, #tpu.memory_space<semaphore_mem>>
        %dma_start3A = arith.constant 0 : i32
        %dma_start3A_168 = tpu.memref_slice %arg12[%dma_start3A] : memref<4096xf32, #tpu.memory_space<vmem>> -> memref<4096xf32, #tpu.memory_space<vmem>>
        %dma_start3A_169 = arith.constant 0 : i32
        %dma_start3A_170 = tpu.memref_slice %arg7[%dma_start3A_169] : memref<49152xf32, #tpu.memory_space<hbm>> -> memref<4096xf32, #tpu.memory_space<hbm>>
        %dma_start3A_171 = arith.constant 0 : i32
        %dma_start3A_172 = tpu.memref_slice %arg12[%dma_start3A_171] : memref<4096xf32, #tpu.memory_space<vmem>> -> memref<4096xf32, #tpu.memory_space<vmem>>
        %dma_start3A_173 = arith.constant 0 : i32
        %dma_start3A_174 = tpu.memref_slice %arg7[%dma_start3A_173] : memref<49152xf32, #tpu.memory_space<hbm>> -> memref<4096xf32, #tpu.memory_space<hbm>>
        tpu.enqueue_dma source(%dma_start3A_174 : memref<4096xf32, #tpu.memory_space<hbm>>) target(%dma_start3A_172 : memref<4096xf32, #tpu.memory_space<vmem>>) target_semaphore(%run_scoped3A : memref<!tpu.dma_semaphore, #tpu.memory_space<semaphore_mem>>)
        %dma_wait3A = arith.constant 0 : i32
        %dma_wait3A_175 = tpu.memref_slice %arg12[%dma_wait3A] : memref<4096xf32, #tpu.memory_space<vmem>> -> memref<4096xf32, #tpu.memory_space<vmem>>
        %dma_wait3A_176 = arith.constant 0 : i32
        %dma_wait3A_177 = tpu.memref_slice %arg7[%dma_wait3A_176] : memref<49152xf32, #tpu.memory_space<hbm>> -> memref<4096xf32, #tpu.memory_space<hbm>>
        %dma_wait3A_178 = arith.constant 0 : i32
        %dma_wait3A_179 = tpu.memref_slice %arg12[%dma_wait3A_178] : memref<4096xf32, #tpu.memory_space<vmem>> -> memref<4096xf32, #tpu.memory_space<vmem>>
        %dma_wait3A_180 = arith.constant 0 : i32
        %dma_wait3A_181 = tpu.memref_slice %arg7[%dma_wait3A_180] : memref<49152xf32, #tpu.memory_space<hbm>> -> memref<4096xf32, #tpu.memory_space<hbm>>
        tpu.wait_dma2 semaphore(%run_scoped3A : memref<!tpu.dma_semaphore, #tpu.memory_space<semaphore_mem>>) src(%dma_wait3A_181 : memref<4096xf32, #tpu.memory_space<hbm>>) dst(%dma_wait3A_179 : memref<4096xf32, #tpu.memory_space<vmem>>)
        tpu.yield
      }) : () -> ()
      "tpu.region"() ({
        %run_scoped3A = tpu.sem_alloc : memref<!tpu.dma_semaphore, #tpu.memory_space<semaphore_mem>>
        %dma_start3A = arith.constant 0 : i32
        %dma_start3A_168 = tpu.memref_slice %arg12[%dma_start3A] : memref<4096xf32, #tpu.memory_space<vmem>> -> memref<4096xf32, #tpu.memory_space<vmem>>
        %dma_start3A_169 = arith.constant 69120 : i32
        %dma_start3A_170 = tpu.memref_slice %arg10[%dma_start3A_169] : memref<118272xf32, #tpu.memory_space<hbm>> -> memref<4096xf32, #tpu.memory_space<hbm>>
        %dma_start3A_171 = arith.constant 69120 : i32
        %dma_start3A_172 = tpu.memref_slice %arg10[%dma_start3A_171] : memref<118272xf32, #tpu.memory_space<hbm>> -> memref<4096xf32, #tpu.memory_space<hbm>>
        %dma_start3A_173 = arith.constant 0 : i32
        %dma_start3A_174 = tpu.memref_slice %arg12[%dma_start3A_173] : memref<4096xf32, #tpu.memory_space<vmem>> -> memref<4096xf32, #tpu.memory_space<vmem>>
        tpu.enqueue_dma source(%dma_start3A_174 : memref<4096xf32, #tpu.memory_space<vmem>>) target(%dma_start3A_172 : memref<4096xf32, #tpu.memory_space<hbm>>) target_semaphore(%run_scoped3A : memref<!tpu.dma_semaphore, #tpu.memory_space<semaphore_mem>>)
        %dma_wait3A = arith.constant 0 : i32
        %dma_wait3A_175 = tpu.memref_slice %arg12[%dma_wait3A] : memref<4096xf32, #tpu.memory_space<vmem>> -> memref<4096xf32, #tpu.memory_space<vmem>>
        %dma_wait3A_176 = arith.constant 69120 : i32
        %dma_wait3A_177 = tpu.memref_slice %arg10[%dma_wait3A_176] : memref<118272xf32, #tpu.memory_space<hbm>> -> memref<4096xf32, #tpu.memory_space<hbm>>
        %dma_wait3A_178 = arith.constant 69120 : i32
        %dma_wait3A_179 = tpu.memref_slice %arg10[%dma_wait3A_178] : memref<118272xf32, #tpu.memory_space<hbm>> -> memref<4096xf32, #tpu.memory_space<hbm>>
        %dma_wait3A_180 = arith.constant 0 : i32
        %dma_wait3A_181 = tpu.memref_slice %arg12[%dma_wait3A_180] : memref<4096xf32, #tpu.memory_space<vmem>> -> memref<4096xf32, #tpu.memory_space<vmem>>
        tpu.wait_dma2 semaphore(%run_scoped3A : memref<!tpu.dma_semaphore, #tpu.memory_space<semaphore_mem>>) src(%dma_wait3A_181 : memref<4096xf32, #tpu.memory_space<vmem>>) dst(%dma_wait3A_179 : memref<4096xf32, #tpu.memory_space<hbm>>)
        tpu.yield
      }) : () -> ()
    } else {
    }
    %eq3A_103 = arith.constant 21 : i32
    %eq3A_104 = arith.cmpi eq, %add3A, %eq3A_103 : i32
    %convert_element_type3A_105 = arith.extui %eq3A_104 : i1 to i32
    %cond3A_106 = arith.constant 0 : i32
    %cond3A_107 = arith.cmpi ne, %convert_element_type3A_105, %cond3A_106 : i32
    scf.if %cond3A_107 {
      "tpu.region"() ({
        %run_scoped3A = tpu.sem_alloc : memref<!tpu.dma_semaphore, #tpu.memory_space<semaphore_mem>>
        %dma_start3A = arith.constant 0 : i32
        %dma_start3A_168 = tpu.memref_slice %arg12[%dma_start3A] : memref<4096xf32, #tpu.memory_space<vmem>> -> memref<4096xf32, #tpu.memory_space<vmem>>
        %dma_start3A_169 = arith.constant 4096 : i32
        %dma_start3A_170 = tpu.memref_slice %arg7[%dma_start3A_169] : memref<49152xf32, #tpu.memory_space<hbm>> -> memref<4096xf32, #tpu.memory_space<hbm>>
        %dma_start3A_171 = arith.constant 0 : i32
        %dma_start3A_172 = tpu.memref_slice %arg12[%dma_start3A_171] : memref<4096xf32, #tpu.memory_space<vmem>> -> memref<4096xf32, #tpu.memory_space<vmem>>
        %dma_start3A_173 = arith.constant 4096 : i32
        %dma_start3A_174 = tpu.memref_slice %arg7[%dma_start3A_173] : memref<49152xf32, #tpu.memory_space<hbm>> -> memref<4096xf32, #tpu.memory_space<hbm>>
        tpu.enqueue_dma source(%dma_start3A_174 : memref<4096xf32, #tpu.memory_space<hbm>>) target(%dma_start3A_172 : memref<4096xf32, #tpu.memory_space<vmem>>) target_semaphore(%run_scoped3A : memref<!tpu.dma_semaphore, #tpu.memory_space<semaphore_mem>>)
        %dma_wait3A = arith.constant 0 : i32
        %dma_wait3A_175 = tpu.memref_slice %arg12[%dma_wait3A] : memref<4096xf32, #tpu.memory_space<vmem>> -> memref<4096xf32, #tpu.memory_space<vmem>>
        %dma_wait3A_176 = arith.constant 4096 : i32
        %dma_wait3A_177 = tpu.memref_slice %arg7[%dma_wait3A_176] : memref<49152xf32, #tpu.memory_space<hbm>> -> memref<4096xf32, #tpu.memory_space<hbm>>
        %dma_wait3A_178 = arith.constant 0 : i32
        %dma_wait3A_179 = tpu.memref_slice %arg12[%dma_wait3A_178] : memref<4096xf32, #tpu.memory_space<vmem>> -> memref<4096xf32, #tpu.memory_space<vmem>>
        %dma_wait3A_180 = arith.constant 4096 : i32
        %dma_wait3A_181 = tpu.memref_slice %arg7[%dma_wait3A_180] : memref<49152xf32, #tpu.memory_space<hbm>> -> memref<4096xf32, #tpu.memory_space<hbm>>
        tpu.wait_dma2 semaphore(%run_scoped3A : memref<!tpu.dma_semaphore, #tpu.memory_space<semaphore_mem>>) src(%dma_wait3A_181 : memref<4096xf32, #tpu.memory_space<hbm>>) dst(%dma_wait3A_179 : memref<4096xf32, #tpu.memory_space<vmem>>)
        tpu.yield
      }) : () -> ()
      "tpu.region"() ({
        %run_scoped3A = tpu.sem_alloc : memref<!tpu.dma_semaphore, #tpu.memory_space<semaphore_mem>>
        %dma_start3A = arith.constant 0 : i32
        %dma_start3A_168 = tpu.memref_slice %arg12[%dma_start3A] : memref<4096xf32, #tpu.memory_space<vmem>> -> memref<4096xf32, #tpu.memory_space<vmem>>
        %dma_start3A_169 = arith.constant 73216 : i32
        %dma_start3A_170 = tpu.memref_slice %arg10[%dma_start3A_169] : memref<118272xf32, #tpu.memory_space<hbm>> -> memref<4096xf32, #tpu.memory_space<hbm>>
        %dma_start3A_171 = arith.constant 73216 : i32
        %dma_start3A_172 = tpu.memref_slice %arg10[%dma_start3A_171] : memref<118272xf32, #tpu.memory_space<hbm>> -> memref<4096xf32, #tpu.memory_space<hbm>>
        %dma_start3A_173 = arith.constant 0 : i32
        %dma_start3A_174 = tpu.memref_slice %arg12[%dma_start3A_173] : memref<4096xf32, #tpu.memory_space<vmem>> -> memref<4096xf32, #tpu.memory_space<vmem>>
        tpu.enqueue_dma source(%dma_start3A_174 : memref<4096xf32, #tpu.memory_space<vmem>>) target(%dma_start3A_172 : memref<4096xf32, #tpu.memory_space<hbm>>) target_semaphore(%run_scoped3A : memref<!tpu.dma_semaphore, #tpu.memory_space<semaphore_mem>>)
        %dma_wait3A = arith.constant 0 : i32
        %dma_wait3A_175 = tpu.memref_slice %arg12[%dma_wait3A] : memref<4096xf32, #tpu.memory_space<vmem>> -> memref<4096xf32, #tpu.memory_space<vmem>>
        %dma_wait3A_176 = arith.constant 73216 : i32
        %dma_wait3A_177 = tpu.memref_slice %arg10[%dma_wait3A_176] : memref<118272xf32, #tpu.memory_space<hbm>> -> memref<4096xf32, #tpu.memory_space<hbm>>
        %dma_wait3A_178 = arith.constant 73216 : i32
        %dma_wait3A_179 = tpu.memref_slice %arg10[%dma_wait3A_178] : memref<118272xf32, #tpu.memory_space<hbm>> -> memref<4096xf32, #tpu.memory_space<hbm>>
        %dma_wait3A_180 = arith.constant 0 : i32
        %dma_wait3A_181 = tpu.memref_slice %arg12[%dma_wait3A_180] : memref<4096xf32, #tpu.memory_space<vmem>> -> memref<4096xf32, #tpu.memory_space<vmem>>
        tpu.wait_dma2 semaphore(%run_scoped3A : memref<!tpu.dma_semaphore, #tpu.memory_space<semaphore_mem>>) src(%dma_wait3A_181 : memref<4096xf32, #tpu.memory_space<vmem>>) dst(%dma_wait3A_179 : memref<4096xf32, #tpu.memory_space<hbm>>)
        tpu.yield
      }) : () -> ()
    } else {
    }
    %eq3A_108 = arith.constant 22 : i32
    %eq3A_109 = arith.cmpi eq, %add3A, %eq3A_108 : i32
    %convert_element_type3A_110 = arith.extui %eq3A_109 : i1 to i32
    %cond3A_111 = arith.constant 0 : i32
    %cond3A_112 = arith.cmpi ne, %convert_element_type3A_110, %cond3A_111 : i32
    scf.if %cond3A_112 {
      "tpu.region"() ({
        %run_scoped3A = tpu.sem_alloc : memref<!tpu.dma_semaphore, #tpu.memory_space<semaphore_mem>>
        %dma_start3A = arith.constant 0 : i32
        %dma_start3A_168 = tpu.memref_slice %arg12[%dma_start3A] : memref<4096xf32, #tpu.memory_space<vmem>> -> memref<4096xf32, #tpu.memory_space<vmem>>
        %dma_start3A_169 = arith.constant 8192 : i32
        %dma_start3A_170 = tpu.memref_slice %arg7[%dma_start3A_169] : memref<49152xf32, #tpu.memory_space<hbm>> -> memref<4096xf32, #tpu.memory_space<hbm>>
        %dma_start3A_171 = arith.constant 0 : i32
        %dma_start3A_172 = tpu.memref_slice %arg12[%dma_start3A_171] : memref<4096xf32, #tpu.memory_space<vmem>> -> memref<4096xf32, #tpu.memory_space<vmem>>
        %dma_start3A_173 = arith.constant 8192 : i32
        %dma_start3A_174 = tpu.memref_slice %arg7[%dma_start3A_173] : memref<49152xf32, #tpu.memory_space<hbm>> -> memref<4096xf32, #tpu.memory_space<hbm>>
        tpu.enqueue_dma source(%dma_start3A_174 : memref<4096xf32, #tpu.memory_space<hbm>>) target(%dma_start3A_172 : memref<4096xf32, #tpu.memory_space<vmem>>) target_semaphore(%run_scoped3A : memref<!tpu.dma_semaphore, #tpu.memory_space<semaphore_mem>>)
        %dma_wait3A = arith.constant 0 : i32
        %dma_wait3A_175 = tpu.memref_slice %arg12[%dma_wait3A] : memref<4096xf32, #tpu.memory_space<vmem>> -> memref<4096xf32, #tpu.memory_space<vmem>>
        %dma_wait3A_176 = arith.constant 8192 : i32
        %dma_wait3A_177 = tpu.memref_slice %arg7[%dma_wait3A_176] : memref<49152xf32, #tpu.memory_space<hbm>> -> memref<4096xf32, #tpu.memory_space<hbm>>
        %dma_wait3A_178 = arith.constant 0 : i32
        %dma_wait3A_179 = tpu.memref_slice %arg12[%dma_wait3A_178] : memref<4096xf32, #tpu.memory_space<vmem>> -> memref<4096xf32, #tpu.memory_space<vmem>>
        %dma_wait3A_180 = arith.constant 8192 : i32
        %dma_wait3A_181 = tpu.memref_slice %arg7[%dma_wait3A_180] : memref<49152xf32, #tpu.memory_space<hbm>> -> memref<4096xf32, #tpu.memory_space<hbm>>
        tpu.wait_dma2 semaphore(%run_scoped3A : memref<!tpu.dma_semaphore, #tpu.memory_space<semaphore_mem>>) src(%dma_wait3A_181 : memref<4096xf32, #tpu.memory_space<hbm>>) dst(%dma_wait3A_179 : memref<4096xf32, #tpu.memory_space<vmem>>)
        tpu.yield
      }) : () -> ()
      "tpu.region"() ({
        %run_scoped3A = tpu.sem_alloc : memref<!tpu.dma_semaphore, #tpu.memory_space<semaphore_mem>>
        %dma_start3A = arith.constant 0 : i32
        %dma_start3A_168 = tpu.memref_slice %arg12[%dma_start3A] : memref<4096xf32, #tpu.memory_space<vmem>> -> memref<4096xf32, #tpu.memory_space<vmem>>
        %dma_start3A_169 = arith.constant 77312 : i32
        %dma_start3A_170 = tpu.memref_slice %arg10[%dma_start3A_169] : memref<118272xf32, #tpu.memory_space<hbm>> -> memref<4096xf32, #tpu.memory_space<hbm>>
        %dma_start3A_171 = arith.constant 77312 : i32
        %dma_start3A_172 = tpu.memref_slice %arg10[%dma_start3A_171] : memref<118272xf32, #tpu.memory_space<hbm>> -> memref<4096xf32, #tpu.memory_space<hbm>>
        %dma_start3A_173 = arith.constant 0 : i32
        %dma_start3A_174 = tpu.memref_slice %arg12[%dma_start3A_173] : memref<4096xf32, #tpu.memory_space<vmem>> -> memref<4096xf32, #tpu.memory_space<vmem>>
        tpu.enqueue_dma source(%dma_start3A_174 : memref<4096xf32, #tpu.memory_space<vmem>>) target(%dma_start3A_172 : memref<4096xf32, #tpu.memory_space<hbm>>) target_semaphore(%run_scoped3A : memref<!tpu.dma_semaphore, #tpu.memory_space<semaphore_mem>>)
        %dma_wait3A = arith.constant 0 : i32
        %dma_wait3A_175 = tpu.memref_slice %arg12[%dma_wait3A] : memref<4096xf32, #tpu.memory_space<vmem>> -> memref<4096xf32, #tpu.memory_space<vmem>>
        %dma_wait3A_176 = arith.constant 77312 : i32
        %dma_wait3A_177 = tpu.memref_slice %arg10[%dma_wait3A_176] : memref<118272xf32, #tpu.memory_space<hbm>> -> memref<4096xf32, #tpu.memory_space<hbm>>
        %dma_wait3A_178 = arith.constant 77312 : i32
        %dma_wait3A_179 = tpu.memref_slice %arg10[%dma_wait3A_178] : memref<118272xf32, #tpu.memory_space<hbm>> -> memref<4096xf32, #tpu.memory_space<hbm>>
        %dma_wait3A_180 = arith.constant 0 : i32
        %dma_wait3A_181 = tpu.memref_slice %arg12[%dma_wait3A_180] : memref<4096xf32, #tpu.memory_space<vmem>> -> memref<4096xf32, #tpu.memory_space<vmem>>
        tpu.wait_dma2 semaphore(%run_scoped3A : memref<!tpu.dma_semaphore, #tpu.memory_space<semaphore_mem>>) src(%dma_wait3A_181 : memref<4096xf32, #tpu.memory_space<vmem>>) dst(%dma_wait3A_179 : memref<4096xf32, #tpu.memory_space<hbm>>)
        tpu.yield
      }) : () -> ()
    } else {
    }
    %eq3A_113 = arith.constant 23 : i32
    %eq3A_114 = arith.cmpi eq, %add3A, %eq3A_113 : i32
    %convert_element_type3A_115 = arith.extui %eq3A_114 : i1 to i32
    %cond3A_116 = arith.constant 0 : i32
    %cond3A_117 = arith.cmpi ne, %convert_element_type3A_115, %cond3A_116 : i32
    scf.if %cond3A_117 {
      "tpu.region"() ({
        %run_scoped3A = tpu.sem_alloc : memref<!tpu.dma_semaphore, #tpu.memory_space<semaphore_mem>>
        %dma_start3A = arith.constant 0 : i32
        %dma_start3A_168 = tpu.memref_slice %arg12[%dma_start3A] : memref<4096xf32, #tpu.memory_space<vmem>> -> memref<4096xf32, #tpu.memory_space<vmem>>
        %dma_start3A_169 = arith.constant 12288 : i32
        %dma_start3A_170 = tpu.memref_slice %arg7[%dma_start3A_169] : memref<49152xf32, #tpu.memory_space<hbm>> -> memref<4096xf32, #tpu.memory_space<hbm>>
        %dma_start3A_171 = arith.constant 0 : i32
        %dma_start3A_172 = tpu.memref_slice %arg12[%dma_start3A_171] : memref<4096xf32, #tpu.memory_space<vmem>> -> memref<4096xf32, #tpu.memory_space<vmem>>
        %dma_start3A_173 = arith.constant 12288 : i32
        %dma_start3A_174 = tpu.memref_slice %arg7[%dma_start3A_173] : memref<49152xf32, #tpu.memory_space<hbm>> -> memref<4096xf32, #tpu.memory_space<hbm>>
        tpu.enqueue_dma source(%dma_start3A_174 : memref<4096xf32, #tpu.memory_space<hbm>>) target(%dma_start3A_172 : memref<4096xf32, #tpu.memory_space<vmem>>) target_semaphore(%run_scoped3A : memref<!tpu.dma_semaphore, #tpu.memory_space<semaphore_mem>>)
        %dma_wait3A = arith.constant 0 : i32
        %dma_wait3A_175 = tpu.memref_slice %arg12[%dma_wait3A] : memref<4096xf32, #tpu.memory_space<vmem>> -> memref<4096xf32, #tpu.memory_space<vmem>>
        %dma_wait3A_176 = arith.constant 12288 : i32
        %dma_wait3A_177 = tpu.memref_slice %arg7[%dma_wait3A_176] : memref<49152xf32, #tpu.memory_space<hbm>> -> memref<4096xf32, #tpu.memory_space<hbm>>
        %dma_wait3A_178 = arith.constant 0 : i32
        %dma_wait3A_179 = tpu.memref_slice %arg12[%dma_wait3A_178] : memref<4096xf32, #tpu.memory_space<vmem>> -> memref<4096xf32, #tpu.memory_space<vmem>>
        %dma_wait3A_180 = arith.constant 12288 : i32
        %dma_wait3A_181 = tpu.memref_slice %arg7[%dma_wait3A_180] : memref<49152xf32, #tpu.memory_space<hbm>> -> memref<4096xf32, #tpu.memory_space<hbm>>
        tpu.wait_dma2 semaphore(%run_scoped3A : memref<!tpu.dma_semaphore, #tpu.memory_space<semaphore_mem>>) src(%dma_wait3A_181 : memref<4096xf32, #tpu.memory_space<hbm>>) dst(%dma_wait3A_179 : memref<4096xf32, #tpu.memory_space<vmem>>)
        tpu.yield
      }) : () -> ()
      "tpu.region"() ({
        %run_scoped3A = tpu.sem_alloc : memref<!tpu.dma_semaphore, #tpu.memory_space<semaphore_mem>>
        %dma_start3A = arith.constant 0 : i32
        %dma_start3A_168 = tpu.memref_slice %arg12[%dma_start3A] : memref<4096xf32, #tpu.memory_space<vmem>> -> memref<4096xf32, #tpu.memory_space<vmem>>
        %dma_start3A_169 = arith.constant 81408 : i32
        %dma_start3A_170 = tpu.memref_slice %arg10[%dma_start3A_169] : memref<118272xf32, #tpu.memory_space<hbm>> -> memref<4096xf32, #tpu.memory_space<hbm>>
        %dma_start3A_171 = arith.constant 81408 : i32
        %dma_start3A_172 = tpu.memref_slice %arg10[%dma_start3A_171] : memref<118272xf32, #tpu.memory_space<hbm>> -> memref<4096xf32, #tpu.memory_space<hbm>>
        %dma_start3A_173 = arith.constant 0 : i32
        %dma_start3A_174 = tpu.memref_slice %arg12[%dma_start3A_173] : memref<4096xf32, #tpu.memory_space<vmem>> -> memref<4096xf32, #tpu.memory_space<vmem>>
        tpu.enqueue_dma source(%dma_start3A_174 : memref<4096xf32, #tpu.memory_space<vmem>>) target(%dma_start3A_172 : memref<4096xf32, #tpu.memory_space<hbm>>) target_semaphore(%run_scoped3A : memref<!tpu.dma_semaphore, #tpu.memory_space<semaphore_mem>>)
        %dma_wait3A = arith.constant 0 : i32
        %dma_wait3A_175 = tpu.memref_slice %arg12[%dma_wait3A] : memref<4096xf32, #tpu.memory_space<vmem>> -> memref<4096xf32, #tpu.memory_space<vmem>>
        %dma_wait3A_176 = arith.constant 81408 : i32
        %dma_wait3A_177 = tpu.memref_slice %arg10[%dma_wait3A_176] : memref<118272xf32, #tpu.memory_space<hbm>> -> memref<4096xf32, #tpu.memory_space<hbm>>
        %dma_wait3A_178 = arith.constant 81408 : i32
        %dma_wait3A_179 = tpu.memref_slice %arg10[%dma_wait3A_178] : memref<118272xf32, #tpu.memory_space<hbm>> -> memref<4096xf32, #tpu.memory_space<hbm>>
        %dma_wait3A_180 = arith.constant 0 : i32
        %dma_wait3A_181 = tpu.memref_slice %arg12[%dma_wait3A_180] : memref<4096xf32, #tpu.memory_space<vmem>> -> memref<4096xf32, #tpu.memory_space<vmem>>
        tpu.wait_dma2 semaphore(%run_scoped3A : memref<!tpu.dma_semaphore, #tpu.memory_space<semaphore_mem>>) src(%dma_wait3A_181 : memref<4096xf32, #tpu.memory_space<vmem>>) dst(%dma_wait3A_179 : memref<4096xf32, #tpu.memory_space<hbm>>)
        tpu.yield
      }) : () -> ()
    } else {
    }
    %eq3A_118 = arith.constant 24 : i32
    %eq3A_119 = arith.cmpi eq, %add3A, %eq3A_118 : i32
    %convert_element_type3A_120 = arith.extui %eq3A_119 : i1 to i32
    %cond3A_121 = arith.constant 0 : i32
    %cond3A_122 = arith.cmpi ne, %convert_element_type3A_120, %cond3A_121 : i32
    scf.if %cond3A_122 {
      "tpu.region"() ({
        %run_scoped3A = tpu.sem_alloc : memref<!tpu.dma_semaphore, #tpu.memory_space<semaphore_mem>>
        %dma_start3A = arith.constant 0 : i32
        %dma_start3A_168 = tpu.memref_slice %arg12[%dma_start3A] : memref<4096xf32, #tpu.memory_space<vmem>> -> memref<4096xf32, #tpu.memory_space<vmem>>
        %dma_start3A_169 = arith.constant 16384 : i32
        %dma_start3A_170 = tpu.memref_slice %arg7[%dma_start3A_169] : memref<49152xf32, #tpu.memory_space<hbm>> -> memref<4096xf32, #tpu.memory_space<hbm>>
        %dma_start3A_171 = arith.constant 0 : i32
        %dma_start3A_172 = tpu.memref_slice %arg12[%dma_start3A_171] : memref<4096xf32, #tpu.memory_space<vmem>> -> memref<4096xf32, #tpu.memory_space<vmem>>
        %dma_start3A_173 = arith.constant 16384 : i32
        %dma_start3A_174 = tpu.memref_slice %arg7[%dma_start3A_173] : memref<49152xf32, #tpu.memory_space<hbm>> -> memref<4096xf32, #tpu.memory_space<hbm>>
        tpu.enqueue_dma source(%dma_start3A_174 : memref<4096xf32, #tpu.memory_space<hbm>>) target(%dma_start3A_172 : memref<4096xf32, #tpu.memory_space<vmem>>) target_semaphore(%run_scoped3A : memref<!tpu.dma_semaphore, #tpu.memory_space<semaphore_mem>>)
        %dma_wait3A = arith.constant 0 : i32
        %dma_wait3A_175 = tpu.memref_slice %arg12[%dma_wait3A] : memref<4096xf32, #tpu.memory_space<vmem>> -> memref<4096xf32, #tpu.memory_space<vmem>>
        %dma_wait3A_176 = arith.constant 16384 : i32
        %dma_wait3A_177 = tpu.memref_slice %arg7[%dma_wait3A_176] : memref<49152xf32, #tpu.memory_space<hbm>> -> memref<4096xf32, #tpu.memory_space<hbm>>
        %dma_wait3A_178 = arith.constant 0 : i32
        %dma_wait3A_179 = tpu.memref_slice %arg12[%dma_wait3A_178] : memref<4096xf32, #tpu.memory_space<vmem>> -> memref<4096xf32, #tpu.memory_space<vmem>>
        %dma_wait3A_180 = arith.constant 16384 : i32
        %dma_wait3A_181 = tpu.memref_slice %arg7[%dma_wait3A_180] : memref<49152xf32, #tpu.memory_space<hbm>> -> memref<4096xf32, #tpu.memory_space<hbm>>
        tpu.wait_dma2 semaphore(%run_scoped3A : memref<!tpu.dma_semaphore, #tpu.memory_space<semaphore_mem>>) src(%dma_wait3A_181 : memref<4096xf32, #tpu.memory_space<hbm>>) dst(%dma_wait3A_179 : memref<4096xf32, #tpu.memory_space<vmem>>)
        tpu.yield
      }) : () -> ()
      "tpu.region"() ({
        %run_scoped3A = tpu.sem_alloc : memref<!tpu.dma_semaphore, #tpu.memory_space<semaphore_mem>>
        %dma_start3A = arith.constant 0 : i32
        %dma_start3A_168 = tpu.memref_slice %arg12[%dma_start3A] : memref<4096xf32, #tpu.memory_space<vmem>> -> memref<4096xf32, #tpu.memory_space<vmem>>
        %dma_start3A_169 = arith.constant 85504 : i32
        %dma_start3A_170 = tpu.memref_slice %arg10[%dma_start3A_169] : memref<118272xf32, #tpu.memory_space<hbm>> -> memref<4096xf32, #tpu.memory_space<hbm>>
        %dma_start3A_171 = arith.constant 85504 : i32
        %dma_start3A_172 = tpu.memref_slice %arg10[%dma_start3A_171] : memref<118272xf32, #tpu.memory_space<hbm>> -> memref<4096xf32, #tpu.memory_space<hbm>>
        %dma_start3A_173 = arith.constant 0 : i32
        %dma_start3A_174 = tpu.memref_slice %arg12[%dma_start3A_173] : memref<4096xf32, #tpu.memory_space<vmem>> -> memref<4096xf32, #tpu.memory_space<vmem>>
        tpu.enqueue_dma source(%dma_start3A_174 : memref<4096xf32, #tpu.memory_space<vmem>>) target(%dma_start3A_172 : memref<4096xf32, #tpu.memory_space<hbm>>) target_semaphore(%run_scoped3A : memref<!tpu.dma_semaphore, #tpu.memory_space<semaphore_mem>>)
        %dma_wait3A = arith.constant 0 : i32
        %dma_wait3A_175 = tpu.memref_slice %arg12[%dma_wait3A] : memref<4096xf32, #tpu.memory_space<vmem>> -> memref<4096xf32, #tpu.memory_space<vmem>>
        %dma_wait3A_176 = arith.constant 85504 : i32
        %dma_wait3A_177 = tpu.memref_slice %arg10[%dma_wait3A_176] : memref<118272xf32, #tpu.memory_space<hbm>> -> memref<4096xf32, #tpu.memory_space<hbm>>
        %dma_wait3A_178 = arith.constant 85504 : i32
        %dma_wait3A_179 = tpu.memref_slice %arg10[%dma_wait3A_178] : memref<118272xf32, #tpu.memory_space<hbm>> -> memref<4096xf32, #tpu.memory_space<hbm>>
        %dma_wait3A_180 = arith.constant 0 : i32
        %dma_wait3A_181 = tpu.memref_slice %arg12[%dma_wait3A_180] : memref<4096xf32, #tpu.memory_space<vmem>> -> memref<4096xf32, #tpu.memory_space<vmem>>
        tpu.wait_dma2 semaphore(%run_scoped3A : memref<!tpu.dma_semaphore, #tpu.memory_space<semaphore_mem>>) src(%dma_wait3A_181 : memref<4096xf32, #tpu.memory_space<vmem>>) dst(%dma_wait3A_179 : memref<4096xf32, #tpu.memory_space<hbm>>)
        tpu.yield
      }) : () -> ()
    } else {
    }
    %eq3A_123 = arith.constant 25 : i32
    %eq3A_124 = arith.cmpi eq, %add3A, %eq3A_123 : i32
    %convert_element_type3A_125 = arith.extui %eq3A_124 : i1 to i32
    %cond3A_126 = arith.constant 0 : i32
    %cond3A_127 = arith.cmpi ne, %convert_element_type3A_125, %cond3A_126 : i32
    scf.if %cond3A_127 {
      "tpu.region"() ({
        %run_scoped3A = tpu.sem_alloc : memref<!tpu.dma_semaphore, #tpu.memory_space<semaphore_mem>>
        %dma_start3A = arith.constant 0 : i32
        %dma_start3A_168 = tpu.memref_slice %arg12[%dma_start3A] : memref<4096xf32, #tpu.memory_space<vmem>> -> memref<4096xf32, #tpu.memory_space<vmem>>
        %dma_start3A_169 = arith.constant 20480 : i32
        %dma_start3A_170 = tpu.memref_slice %arg7[%dma_start3A_169] : memref<49152xf32, #tpu.memory_space<hbm>> -> memref<4096xf32, #tpu.memory_space<hbm>>
        %dma_start3A_171 = arith.constant 0 : i32
        %dma_start3A_172 = tpu.memref_slice %arg12[%dma_start3A_171] : memref<4096xf32, #tpu.memory_space<vmem>> -> memref<4096xf32, #tpu.memory_space<vmem>>
        %dma_start3A_173 = arith.constant 20480 : i32
        %dma_start3A_174 = tpu.memref_slice %arg7[%dma_start3A_173] : memref<49152xf32, #tpu.memory_space<hbm>> -> memref<4096xf32, #tpu.memory_space<hbm>>
        tpu.enqueue_dma source(%dma_start3A_174 : memref<4096xf32, #tpu.memory_space<hbm>>) target(%dma_start3A_172 : memref<4096xf32, #tpu.memory_space<vmem>>) target_semaphore(%run_scoped3A : memref<!tpu.dma_semaphore, #tpu.memory_space<semaphore_mem>>)
        %dma_wait3A = arith.constant 0 : i32
        %dma_wait3A_175 = tpu.memref_slice %arg12[%dma_wait3A] : memref<4096xf32, #tpu.memory_space<vmem>> -> memref<4096xf32, #tpu.memory_space<vmem>>
        %dma_wait3A_176 = arith.constant 20480 : i32
        %dma_wait3A_177 = tpu.memref_slice %arg7[%dma_wait3A_176] : memref<49152xf32, #tpu.memory_space<hbm>> -> memref<4096xf32, #tpu.memory_space<hbm>>
        %dma_wait3A_178 = arith.constant 0 : i32
        %dma_wait3A_179 = tpu.memref_slice %arg12[%dma_wait3A_178] : memref<4096xf32, #tpu.memory_space<vmem>> -> memref<4096xf32, #tpu.memory_space<vmem>>
        %dma_wait3A_180 = arith.constant 20480 : i32
        %dma_wait3A_181 = tpu.memref_slice %arg7[%dma_wait3A_180] : memref<49152xf32, #tpu.memory_space<hbm>> -> memref<4096xf32, #tpu.memory_space<hbm>>
        tpu.wait_dma2 semaphore(%run_scoped3A : memref<!tpu.dma_semaphore, #tpu.memory_space<semaphore_mem>>) src(%dma_wait3A_181 : memref<4096xf32, #tpu.memory_space<hbm>>) dst(%dma_wait3A_179 : memref<4096xf32, #tpu.memory_space<vmem>>)
        tpu.yield
      }) : () -> ()
      "tpu.region"() ({
        %run_scoped3A = tpu.sem_alloc : memref<!tpu.dma_semaphore, #tpu.memory_space<semaphore_mem>>
        %dma_start3A = arith.constant 0 : i32
        %dma_start3A_168 = tpu.memref_slice %arg12[%dma_start3A] : memref<4096xf32, #tpu.memory_space<vmem>> -> memref<4096xf32, #tpu.memory_space<vmem>>
        %dma_start3A_169 = arith.constant 89600 : i32
        %dma_start3A_170 = tpu.memref_slice %arg10[%dma_start3A_169] : memref<118272xf32, #tpu.memory_space<hbm>> -> memref<4096xf32, #tpu.memory_space<hbm>>
        %dma_start3A_171 = arith.constant 89600 : i32
        %dma_start3A_172 = tpu.memref_slice %arg10[%dma_start3A_171] : memref<118272xf32, #tpu.memory_space<hbm>> -> memref<4096xf32, #tpu.memory_space<hbm>>
        %dma_start3A_173 = arith.constant 0 : i32
        %dma_start3A_174 = tpu.memref_slice %arg12[%dma_start3A_173] : memref<4096xf32, #tpu.memory_space<vmem>> -> memref<4096xf32, #tpu.memory_space<vmem>>
        tpu.enqueue_dma source(%dma_start3A_174 : memref<4096xf32, #tpu.memory_space<vmem>>) target(%dma_start3A_172 : memref<4096xf32, #tpu.memory_space<hbm>>) target_semaphore(%run_scoped3A : memref<!tpu.dma_semaphore, #tpu.memory_space<semaphore_mem>>)
        %dma_wait3A = arith.constant 0 : i32
        %dma_wait3A_175 = tpu.memref_slice %arg12[%dma_wait3A] : memref<4096xf32, #tpu.memory_space<vmem>> -> memref<4096xf32, #tpu.memory_space<vmem>>
        %dma_wait3A_176 = arith.constant 89600 : i32
        %dma_wait3A_177 = tpu.memref_slice %arg10[%dma_wait3A_176] : memref<118272xf32, #tpu.memory_space<hbm>> -> memref<4096xf32, #tpu.memory_space<hbm>>
        %dma_wait3A_178 = arith.constant 89600 : i32
        %dma_wait3A_179 = tpu.memref_slice %arg10[%dma_wait3A_178] : memref<118272xf32, #tpu.memory_space<hbm>> -> memref<4096xf32, #tpu.memory_space<hbm>>
        %dma_wait3A_180 = arith.constant 0 : i32
        %dma_wait3A_181 = tpu.memref_slice %arg12[%dma_wait3A_180] : memref<4096xf32, #tpu.memory_space<vmem>> -> memref<4096xf32, #tpu.memory_space<vmem>>
        tpu.wait_dma2 semaphore(%run_scoped3A : memref<!tpu.dma_semaphore, #tpu.memory_space<semaphore_mem>>) src(%dma_wait3A_181 : memref<4096xf32, #tpu.memory_space<vmem>>) dst(%dma_wait3A_179 : memref<4096xf32, #tpu.memory_space<hbm>>)
        tpu.yield
      }) : () -> ()
    } else {
    }
    %eq3A_128 = arith.constant 26 : i32
    %eq3A_129 = arith.cmpi eq, %add3A, %eq3A_128 : i32
    %convert_element_type3A_130 = arith.extui %eq3A_129 : i1 to i32
    %cond3A_131 = arith.constant 0 : i32
    %cond3A_132 = arith.cmpi ne, %convert_element_type3A_130, %cond3A_131 : i32
    scf.if %cond3A_132 {
      "tpu.region"() ({
        %run_scoped3A = tpu.sem_alloc : memref<!tpu.dma_semaphore, #tpu.memory_space<semaphore_mem>>
        %dma_start3A = arith.constant 0 : i32
        %dma_start3A_168 = tpu.memref_slice %arg12[%dma_start3A] : memref<4096xf32, #tpu.memory_space<vmem>> -> memref<4096xf32, #tpu.memory_space<vmem>>
        %dma_start3A_169 = arith.constant 24576 : i32
        %dma_start3A_170 = tpu.memref_slice %arg7[%dma_start3A_169] : memref<49152xf32, #tpu.memory_space<hbm>> -> memref<4096xf32, #tpu.memory_space<hbm>>
        %dma_start3A_171 = arith.constant 0 : i32
        %dma_start3A_172 = tpu.memref_slice %arg12[%dma_start3A_171] : memref<4096xf32, #tpu.memory_space<vmem>> -> memref<4096xf32, #tpu.memory_space<vmem>>
        %dma_start3A_173 = arith.constant 24576 : i32
        %dma_start3A_174 = tpu.memref_slice %arg7[%dma_start3A_173] : memref<49152xf32, #tpu.memory_space<hbm>> -> memref<4096xf32, #tpu.memory_space<hbm>>
        tpu.enqueue_dma source(%dma_start3A_174 : memref<4096xf32, #tpu.memory_space<hbm>>) target(%dma_start3A_172 : memref<4096xf32, #tpu.memory_space<vmem>>) target_semaphore(%run_scoped3A : memref<!tpu.dma_semaphore, #tpu.memory_space<semaphore_mem>>)
        %dma_wait3A = arith.constant 0 : i32
        %dma_wait3A_175 = tpu.memref_slice %arg12[%dma_wait3A] : memref<4096xf32, #tpu.memory_space<vmem>> -> memref<4096xf32, #tpu.memory_space<vmem>>
        %dma_wait3A_176 = arith.constant 24576 : i32
        %dma_wait3A_177 = tpu.memref_slice %arg7[%dma_wait3A_176] : memref<49152xf32, #tpu.memory_space<hbm>> -> memref<4096xf32, #tpu.memory_space<hbm>>
        %dma_wait3A_178 = arith.constant 0 : i32
        %dma_wait3A_179 = tpu.memref_slice %arg12[%dma_wait3A_178] : memref<4096xf32, #tpu.memory_space<vmem>> -> memref<4096xf32, #tpu.memory_space<vmem>>
        %dma_wait3A_180 = arith.constant 24576 : i32
        %dma_wait3A_181 = tpu.memref_slice %arg7[%dma_wait3A_180] : memref<49152xf32, #tpu.memory_space<hbm>> -> memref<4096xf32, #tpu.memory_space<hbm>>
        tpu.wait_dma2 semaphore(%run_scoped3A : memref<!tpu.dma_semaphore, #tpu.memory_space<semaphore_mem>>) src(%dma_wait3A_181 : memref<4096xf32, #tpu.memory_space<hbm>>) dst(%dma_wait3A_179 : memref<4096xf32, #tpu.memory_space<vmem>>)
        tpu.yield
      }) : () -> ()
      "tpu.region"() ({
        %run_scoped3A = tpu.sem_alloc : memref<!tpu.dma_semaphore, #tpu.memory_space<semaphore_mem>>
        %dma_start3A = arith.constant 0 : i32
        %dma_start3A_168 = tpu.memref_slice %arg12[%dma_start3A] : memref<4096xf32, #tpu.memory_space<vmem>> -> memref<4096xf32, #tpu.memory_space<vmem>>
        %dma_start3A_169 = arith.constant 93696 : i32
        %dma_start3A_170 = tpu.memref_slice %arg10[%dma_start3A_169] : memref<118272xf32, #tpu.memory_space<hbm>> -> memref<4096xf32, #tpu.memory_space<hbm>>
        %dma_start3A_171 = arith.constant 93696 : i32
        %dma_start3A_172 = tpu.memref_slice %arg10[%dma_start3A_171] : memref<118272xf32, #tpu.memory_space<hbm>> -> memref<4096xf32, #tpu.memory_space<hbm>>
        %dma_start3A_173 = arith.constant 0 : i32
        %dma_start3A_174 = tpu.memref_slice %arg12[%dma_start3A_173] : memref<4096xf32, #tpu.memory_space<vmem>> -> memref<4096xf32, #tpu.memory_space<vmem>>
        tpu.enqueue_dma source(%dma_start3A_174 : memref<4096xf32, #tpu.memory_space<vmem>>) target(%dma_start3A_172 : memref<4096xf32, #tpu.memory_space<hbm>>) target_semaphore(%run_scoped3A : memref<!tpu.dma_semaphore, #tpu.memory_space<semaphore_mem>>)
        %dma_wait3A = arith.constant 0 : i32
        %dma_wait3A_175 = tpu.memref_slice %arg12[%dma_wait3A] : memref<4096xf32, #tpu.memory_space<vmem>> -> memref<4096xf32, #tpu.memory_space<vmem>>
        %dma_wait3A_176 = arith.constant 93696 : i32
        %dma_wait3A_177 = tpu.memref_slice %arg10[%dma_wait3A_176] : memref<118272xf32, #tpu.memory_space<hbm>> -> memref<4096xf32, #tpu.memory_space<hbm>>
        %dma_wait3A_178 = arith.constant 93696 : i32
        %dma_wait3A_179 = tpu.memref_slice %arg10[%dma_wait3A_178] : memref<118272xf32, #tpu.memory_space<hbm>> -> memref<4096xf32, #tpu.memory_space<hbm>>
        %dma_wait3A_180 = arith.constant 0 : i32
        %dma_wait3A_181 = tpu.memref_slice %arg12[%dma_wait3A_180] : memref<4096xf32, #tpu.memory_space<vmem>> -> memref<4096xf32, #tpu.memory_space<vmem>>
        tpu.wait_dma2 semaphore(%run_scoped3A : memref<!tpu.dma_semaphore, #tpu.memory_space<semaphore_mem>>) src(%dma_wait3A_181 : memref<4096xf32, #tpu.memory_space<vmem>>) dst(%dma_wait3A_179 : memref<4096xf32, #tpu.memory_space<hbm>>)
        tpu.yield
      }) : () -> ()
    } else {
    }
    %eq3A_133 = arith.constant 27 : i32
    %eq3A_134 = arith.cmpi eq, %add3A, %eq3A_133 : i32
    %convert_element_type3A_135 = arith.extui %eq3A_134 : i1 to i32
    %cond3A_136 = arith.constant 0 : i32
    %cond3A_137 = arith.cmpi ne, %convert_element_type3A_135, %cond3A_136 : i32
    scf.if %cond3A_137 {
      "tpu.region"() ({
        %run_scoped3A = tpu.sem_alloc : memref<!tpu.dma_semaphore, #tpu.memory_space<semaphore_mem>>
        %dma_start3A = arith.constant 0 : i32
        %dma_start3A_168 = tpu.memref_slice %arg12[%dma_start3A] : memref<4096xf32, #tpu.memory_space<vmem>> -> memref<4096xf32, #tpu.memory_space<vmem>>
        %dma_start3A_169 = arith.constant 28672 : i32
        %dma_start3A_170 = tpu.memref_slice %arg7[%dma_start3A_169] : memref<49152xf32, #tpu.memory_space<hbm>> -> memref<4096xf32, #tpu.memory_space<hbm>>
        %dma_start3A_171 = arith.constant 0 : i32
        %dma_start3A_172 = tpu.memref_slice %arg12[%dma_start3A_171] : memref<4096xf32, #tpu.memory_space<vmem>> -> memref<4096xf32, #tpu.memory_space<vmem>>
        %dma_start3A_173 = arith.constant 28672 : i32
        %dma_start3A_174 = tpu.memref_slice %arg7[%dma_start3A_173] : memref<49152xf32, #tpu.memory_space<hbm>> -> memref<4096xf32, #tpu.memory_space<hbm>>
        tpu.enqueue_dma source(%dma_start3A_174 : memref<4096xf32, #tpu.memory_space<hbm>>) target(%dma_start3A_172 : memref<4096xf32, #tpu.memory_space<vmem>>) target_semaphore(%run_scoped3A : memref<!tpu.dma_semaphore, #tpu.memory_space<semaphore_mem>>)
        %dma_wait3A = arith.constant 0 : i32
        %dma_wait3A_175 = tpu.memref_slice %arg12[%dma_wait3A] : memref<4096xf32, #tpu.memory_space<vmem>> -> memref<4096xf32, #tpu.memory_space<vmem>>
        %dma_wait3A_176 = arith.constant 28672 : i32
        %dma_wait3A_177 = tpu.memref_slice %arg7[%dma_wait3A_176] : memref<49152xf32, #tpu.memory_space<hbm>> -> memref<4096xf32, #tpu.memory_space<hbm>>
        %dma_wait3A_178 = arith.constant 0 : i32
        %dma_wait3A_179 = tpu.memref_slice %arg12[%dma_wait3A_178] : memref<4096xf32, #tpu.memory_space<vmem>> -> memref<4096xf32, #tpu.memory_space<vmem>>
        %dma_wait3A_180 = arith.constant 28672 : i32
        %dma_wait3A_181 = tpu.memref_slice %arg7[%dma_wait3A_180] : memref<49152xf32, #tpu.memory_space<hbm>> -> memref<4096xf32, #tpu.memory_space<hbm>>
        tpu.wait_dma2 semaphore(%run_scoped3A : memref<!tpu.dma_semaphore, #tpu.memory_space<semaphore_mem>>) src(%dma_wait3A_181 : memref<4096xf32, #tpu.memory_space<hbm>>) dst(%dma_wait3A_179 : memref<4096xf32, #tpu.memory_space<vmem>>)
        tpu.yield
      }) : () -> ()
      "tpu.region"() ({
        %run_scoped3A = tpu.sem_alloc : memref<!tpu.dma_semaphore, #tpu.memory_space<semaphore_mem>>
        %dma_start3A = arith.constant 0 : i32
        %dma_start3A_168 = tpu.memref_slice %arg12[%dma_start3A] : memref<4096xf32, #tpu.memory_space<vmem>> -> memref<4096xf32, #tpu.memory_space<vmem>>
        %dma_start3A_169 = arith.constant 97792 : i32
        %dma_start3A_170 = tpu.memref_slice %arg10[%dma_start3A_169] : memref<118272xf32, #tpu.memory_space<hbm>> -> memref<4096xf32, #tpu.memory_space<hbm>>
        %dma_start3A_171 = arith.constant 97792 : i32
        %dma_start3A_172 = tpu.memref_slice %arg10[%dma_start3A_171] : memref<118272xf32, #tpu.memory_space<hbm>> -> memref<4096xf32, #tpu.memory_space<hbm>>
        %dma_start3A_173 = arith.constant 0 : i32
        %dma_start3A_174 = tpu.memref_slice %arg12[%dma_start3A_173] : memref<4096xf32, #tpu.memory_space<vmem>> -> memref<4096xf32, #tpu.memory_space<vmem>>
        tpu.enqueue_dma source(%dma_start3A_174 : memref<4096xf32, #tpu.memory_space<vmem>>) target(%dma_start3A_172 : memref<4096xf32, #tpu.memory_space<hbm>>) target_semaphore(%run_scoped3A : memref<!tpu.dma_semaphore, #tpu.memory_space<semaphore_mem>>)
        %dma_wait3A = arith.constant 0 : i32
        %dma_wait3A_175 = tpu.memref_slice %arg12[%dma_wait3A] : memref<4096xf32, #tpu.memory_space<vmem>> -> memref<4096xf32, #tpu.memory_space<vmem>>
        %dma_wait3A_176 = arith.constant 97792 : i32
        %dma_wait3A_177 = tpu.memref_slice %arg10[%dma_wait3A_176] : memref<118272xf32, #tpu.memory_space<hbm>> -> memref<4096xf32, #tpu.memory_space<hbm>>
        %dma_wait3A_178 = arith.constant 97792 : i32
        %dma_wait3A_179 = tpu.memref_slice %arg10[%dma_wait3A_178] : memref<118272xf32, #tpu.memory_space<hbm>> -> memref<4096xf32, #tpu.memory_space<hbm>>
        %dma_wait3A_180 = arith.constant 0 : i32
        %dma_wait3A_181 = tpu.memref_slice %arg12[%dma_wait3A_180] : memref<4096xf32, #tpu.memory_space<vmem>> -> memref<4096xf32, #tpu.memory_space<vmem>>
        tpu.wait_dma2 semaphore(%run_scoped3A : memref<!tpu.dma_semaphore, #tpu.memory_space<semaphore_mem>>) src(%dma_wait3A_181 : memref<4096xf32, #tpu.memory_space<vmem>>) dst(%dma_wait3A_179 : memref<4096xf32, #tpu.memory_space<hbm>>)
        tpu.yield
      }) : () -> ()
    } else {
    }
    %eq3A_138 = arith.constant 28 : i32
    %eq3A_139 = arith.cmpi eq, %add3A, %eq3A_138 : i32
    %convert_element_type3A_140 = arith.extui %eq3A_139 : i1 to i32
    %cond3A_141 = arith.constant 0 : i32
    %cond3A_142 = arith.cmpi ne, %convert_element_type3A_140, %cond3A_141 : i32
    scf.if %cond3A_142 {
      "tpu.region"() ({
        %run_scoped3A = tpu.sem_alloc : memref<!tpu.dma_semaphore, #tpu.memory_space<semaphore_mem>>
        %dma_start3A = arith.constant 0 : i32
        %dma_start3A_168 = tpu.memref_slice %arg12[%dma_start3A] : memref<4096xf32, #tpu.memory_space<vmem>> -> memref<4096xf32, #tpu.memory_space<vmem>>
        %dma_start3A_169 = arith.constant 32768 : i32
        %dma_start3A_170 = tpu.memref_slice %arg7[%dma_start3A_169] : memref<49152xf32, #tpu.memory_space<hbm>> -> memref<4096xf32, #tpu.memory_space<hbm>>
        %dma_start3A_171 = arith.constant 0 : i32
        %dma_start3A_172 = tpu.memref_slice %arg12[%dma_start3A_171] : memref<4096xf32, #tpu.memory_space<vmem>> -> memref<4096xf32, #tpu.memory_space<vmem>>
        %dma_start3A_173 = arith.constant 32768 : i32
        %dma_start3A_174 = tpu.memref_slice %arg7[%dma_start3A_173] : memref<49152xf32, #tpu.memory_space<hbm>> -> memref<4096xf32, #tpu.memory_space<hbm>>
        tpu.enqueue_dma source(%dma_start3A_174 : memref<4096xf32, #tpu.memory_space<hbm>>) target(%dma_start3A_172 : memref<4096xf32, #tpu.memory_space<vmem>>) target_semaphore(%run_scoped3A : memref<!tpu.dma_semaphore, #tpu.memory_space<semaphore_mem>>)
        %dma_wait3A = arith.constant 0 : i32
        %dma_wait3A_175 = tpu.memref_slice %arg12[%dma_wait3A] : memref<4096xf32, #tpu.memory_space<vmem>> -> memref<4096xf32, #tpu.memory_space<vmem>>
        %dma_wait3A_176 = arith.constant 32768 : i32
        %dma_wait3A_177 = tpu.memref_slice %arg7[%dma_wait3A_176] : memref<49152xf32, #tpu.memory_space<hbm>> -> memref<4096xf32, #tpu.memory_space<hbm>>
        %dma_wait3A_178 = arith.constant 0 : i32
        %dma_wait3A_179 = tpu.memref_slice %arg12[%dma_wait3A_178] : memref<4096xf32, #tpu.memory_space<vmem>> -> memref<4096xf32, #tpu.memory_space<vmem>>
        %dma_wait3A_180 = arith.constant 32768 : i32
        %dma_wait3A_181 = tpu.memref_slice %arg7[%dma_wait3A_180] : memref<49152xf32, #tpu.memory_space<hbm>> -> memref<4096xf32, #tpu.memory_space<hbm>>
        tpu.wait_dma2 semaphore(%run_scoped3A : memref<!tpu.dma_semaphore, #tpu.memory_space<semaphore_mem>>) src(%dma_wait3A_181 : memref<4096xf32, #tpu.memory_space<hbm>>) dst(%dma_wait3A_179 : memref<4096xf32, #tpu.memory_space<vmem>>)
        tpu.yield
      }) : () -> ()
      "tpu.region"() ({
        %run_scoped3A = tpu.sem_alloc : memref<!tpu.dma_semaphore, #tpu.memory_space<semaphore_mem>>
        %dma_start3A = arith.constant 0 : i32
        %dma_start3A_168 = tpu.memref_slice %arg12[%dma_start3A] : memref<4096xf32, #tpu.memory_space<vmem>> -> memref<4096xf32, #tpu.memory_space<vmem>>
        %dma_start3A_169 = arith.constant 101888 : i32
        %dma_start3A_170 = tpu.memref_slice %arg10[%dma_start3A_169] : memref<118272xf32, #tpu.memory_space<hbm>> -> memref<4096xf32, #tpu.memory_space<hbm>>
        %dma_start3A_171 = arith.constant 101888 : i32
        %dma_start3A_172 = tpu.memref_slice %arg10[%dma_start3A_171] : memref<118272xf32, #tpu.memory_space<hbm>> -> memref<4096xf32, #tpu.memory_space<hbm>>
        %dma_start3A_173 = arith.constant 0 : i32
        %dma_start3A_174 = tpu.memref_slice %arg12[%dma_start3A_173] : memref<4096xf32, #tpu.memory_space<vmem>> -> memref<4096xf32, #tpu.memory_space<vmem>>
        tpu.enqueue_dma source(%dma_start3A_174 : memref<4096xf32, #tpu.memory_space<vmem>>) target(%dma_start3A_172 : memref<4096xf32, #tpu.memory_space<hbm>>) target_semaphore(%run_scoped3A : memref<!tpu.dma_semaphore, #tpu.memory_space<semaphore_mem>>)
        %dma_wait3A = arith.constant 0 : i32
        %dma_wait3A_175 = tpu.memref_slice %arg12[%dma_wait3A] : memref<4096xf32, #tpu.memory_space<vmem>> -> memref<4096xf32, #tpu.memory_space<vmem>>
        %dma_wait3A_176 = arith.constant 101888 : i32
        %dma_wait3A_177 = tpu.memref_slice %arg10[%dma_wait3A_176] : memref<118272xf32, #tpu.memory_space<hbm>> -> memref<4096xf32, #tpu.memory_space<hbm>>
        %dma_wait3A_178 = arith.constant 101888 : i32
        %dma_wait3A_179 = tpu.memref_slice %arg10[%dma_wait3A_178] : memref<118272xf32, #tpu.memory_space<hbm>> -> memref<4096xf32, #tpu.memory_space<hbm>>
        %dma_wait3A_180 = arith.constant 0 : i32
        %dma_wait3A_181 = tpu.memref_slice %arg12[%dma_wait3A_180] : memref<4096xf32, #tpu.memory_space<vmem>> -> memref<4096xf32, #tpu.memory_space<vmem>>
        tpu.wait_dma2 semaphore(%run_scoped3A : memref<!tpu.dma_semaphore, #tpu.memory_space<semaphore_mem>>) src(%dma_wait3A_181 : memref<4096xf32, #tpu.memory_space<vmem>>) dst(%dma_wait3A_179 : memref<4096xf32, #tpu.memory_space<hbm>>)
        tpu.yield
      }) : () -> ()
    } else {
    }
    %eq3A_143 = arith.constant 29 : i32
    %eq3A_144 = arith.cmpi eq, %add3A, %eq3A_143 : i32
    %convert_element_type3A_145 = arith.extui %eq3A_144 : i1 to i32
    %cond3A_146 = arith.constant 0 : i32
    %cond3A_147 = arith.cmpi ne, %convert_element_type3A_145, %cond3A_146 : i32
    scf.if %cond3A_147 {
      "tpu.region"() ({
        %run_scoped3A = tpu.sem_alloc : memref<!tpu.dma_semaphore, #tpu.memory_space<semaphore_mem>>
        %dma_start3A = arith.constant 0 : i32
        %dma_start3A_168 = tpu.memref_slice %arg12[%dma_start3A] : memref<4096xf32, #tpu.memory_space<vmem>> -> memref<4096xf32, #tpu.memory_space<vmem>>
        %dma_start3A_169 = arith.constant 36864 : i32
        %dma_start3A_170 = tpu.memref_slice %arg7[%dma_start3A_169] : memref<49152xf32, #tpu.memory_space<hbm>> -> memref<4096xf32, #tpu.memory_space<hbm>>
        %dma_start3A_171 = arith.constant 0 : i32
        %dma_start3A_172 = tpu.memref_slice %arg12[%dma_start3A_171] : memref<4096xf32, #tpu.memory_space<vmem>> -> memref<4096xf32, #tpu.memory_space<vmem>>
        %dma_start3A_173 = arith.constant 36864 : i32
        %dma_start3A_174 = tpu.memref_slice %arg7[%dma_start3A_173] : memref<49152xf32, #tpu.memory_space<hbm>> -> memref<4096xf32, #tpu.memory_space<hbm>>
        tpu.enqueue_dma source(%dma_start3A_174 : memref<4096xf32, #tpu.memory_space<hbm>>) target(%dma_start3A_172 : memref<4096xf32, #tpu.memory_space<vmem>>) target_semaphore(%run_scoped3A : memref<!tpu.dma_semaphore, #tpu.memory_space<semaphore_mem>>)
        %dma_wait3A = arith.constant 0 : i32
        %dma_wait3A_175 = tpu.memref_slice %arg12[%dma_wait3A] : memref<4096xf32, #tpu.memory_space<vmem>> -> memref<4096xf32, #tpu.memory_space<vmem>>
        %dma_wait3A_176 = arith.constant 36864 : i32
        %dma_wait3A_177 = tpu.memref_slice %arg7[%dma_wait3A_176] : memref<49152xf32, #tpu.memory_space<hbm>> -> memref<4096xf32, #tpu.memory_space<hbm>>
        %dma_wait3A_178 = arith.constant 0 : i32
        %dma_wait3A_179 = tpu.memref_slice %arg12[%dma_wait3A_178] : memref<4096xf32, #tpu.memory_space<vmem>> -> memref<4096xf32, #tpu.memory_space<vmem>>
        %dma_wait3A_180 = arith.constant 36864 : i32
        %dma_wait3A_181 = tpu.memref_slice %arg7[%dma_wait3A_180] : memref<49152xf32, #tpu.memory_space<hbm>> -> memref<4096xf32, #tpu.memory_space<hbm>>
        tpu.wait_dma2 semaphore(%run_scoped3A : memref<!tpu.dma_semaphore, #tpu.memory_space<semaphore_mem>>) src(%dma_wait3A_181 : memref<4096xf32, #tpu.memory_space<hbm>>) dst(%dma_wait3A_179 : memref<4096xf32, #tpu.memory_space<vmem>>)
        tpu.yield
      }) : () -> ()
      "tpu.region"() ({
        %run_scoped3A = tpu.sem_alloc : memref<!tpu.dma_semaphore, #tpu.memory_space<semaphore_mem>>
        %dma_start3A = arith.constant 0 : i32
        %dma_start3A_168 = tpu.memref_slice %arg12[%dma_start3A] : memref<4096xf32, #tpu.memory_space<vmem>> -> memref<4096xf32, #tpu.memory_space<vmem>>
        %dma_start3A_169 = arith.constant 105984 : i32
        %dma_start3A_170 = tpu.memref_slice %arg10[%dma_start3A_169] : memref<118272xf32, #tpu.memory_space<hbm>> -> memref<4096xf32, #tpu.memory_space<hbm>>
        %dma_start3A_171 = arith.constant 105984 : i32
        %dma_start3A_172 = tpu.memref_slice %arg10[%dma_start3A_171] : memref<118272xf32, #tpu.memory_space<hbm>> -> memref<4096xf32, #tpu.memory_space<hbm>>
        %dma_start3A_173 = arith.constant 0 : i32
        %dma_start3A_174 = tpu.memref_slice %arg12[%dma_start3A_173] : memref<4096xf32, #tpu.memory_space<vmem>> -> memref<4096xf32, #tpu.memory_space<vmem>>
        tpu.enqueue_dma source(%dma_start3A_174 : memref<4096xf32, #tpu.memory_space<vmem>>) target(%dma_start3A_172 : memref<4096xf32, #tpu.memory_space<hbm>>) target_semaphore(%run_scoped3A : memref<!tpu.dma_semaphore, #tpu.memory_space<semaphore_mem>>)
        %dma_wait3A = arith.constant 0 : i32
        %dma_wait3A_175 = tpu.memref_slice %arg12[%dma_wait3A] : memref<4096xf32, #tpu.memory_space<vmem>> -> memref<4096xf32, #tpu.memory_space<vmem>>
        %dma_wait3A_176 = arith.constant 105984 : i32
        %dma_wait3A_177 = tpu.memref_slice %arg10[%dma_wait3A_176] : memref<118272xf32, #tpu.memory_space<hbm>> -> memref<4096xf32, #tpu.memory_space<hbm>>
        %dma_wait3A_178 = arith.constant 105984 : i32
        %dma_wait3A_179 = tpu.memref_slice %arg10[%dma_wait3A_178] : memref<118272xf32, #tpu.memory_space<hbm>> -> memref<4096xf32, #tpu.memory_space<hbm>>
        %dma_wait3A_180 = arith.constant 0 : i32
        %dma_wait3A_181 = tpu.memref_slice %arg12[%dma_wait3A_180] : memref<4096xf32, #tpu.memory_space<vmem>> -> memref<4096xf32, #tpu.memory_space<vmem>>
        tpu.wait_dma2 semaphore(%run_scoped3A : memref<!tpu.dma_semaphore, #tpu.memory_space<semaphore_mem>>) src(%dma_wait3A_181 : memref<4096xf32, #tpu.memory_space<vmem>>) dst(%dma_wait3A_179 : memref<4096xf32, #tpu.memory_space<hbm>>)
        tpu.yield
      }) : () -> ()
    } else {
    }
    %eq3A_148 = arith.constant 30 : i32
    %eq3A_149 = arith.cmpi eq, %add3A, %eq3A_148 : i32
    %convert_element_type3A_150 = arith.extui %eq3A_149 : i1 to i32
    %cond3A_151 = arith.constant 0 : i32
    %cond3A_152 = arith.cmpi ne, %convert_element_type3A_150, %cond3A_151 : i32
    scf.if %cond3A_152 {
      "tpu.region"() ({
        %run_scoped3A = tpu.sem_alloc : memref<!tpu.dma_semaphore, #tpu.memory_space<semaphore_mem>>
        %dma_start3A = arith.constant 0 : i32
        %dma_start3A_168 = tpu.memref_slice %arg12[%dma_start3A] : memref<4096xf32, #tpu.memory_space<vmem>> -> memref<4096xf32, #tpu.memory_space<vmem>>
        %dma_start3A_169 = arith.constant 40960 : i32
        %dma_start3A_170 = tpu.memref_slice %arg7[%dma_start3A_169] : memref<49152xf32, #tpu.memory_space<hbm>> -> memref<4096xf32, #tpu.memory_space<hbm>>
        %dma_start3A_171 = arith.constant 0 : i32
        %dma_start3A_172 = tpu.memref_slice %arg12[%dma_start3A_171] : memref<4096xf32, #tpu.memory_space<vmem>> -> memref<4096xf32, #tpu.memory_space<vmem>>
        %dma_start3A_173 = arith.constant 40960 : i32
        %dma_start3A_174 = tpu.memref_slice %arg7[%dma_start3A_173] : memref<49152xf32, #tpu.memory_space<hbm>> -> memref<4096xf32, #tpu.memory_space<hbm>>
        tpu.enqueue_dma source(%dma_start3A_174 : memref<4096xf32, #tpu.memory_space<hbm>>) target(%dma_start3A_172 : memref<4096xf32, #tpu.memory_space<vmem>>) target_semaphore(%run_scoped3A : memref<!tpu.dma_semaphore, #tpu.memory_space<semaphore_mem>>)
        %dma_wait3A = arith.constant 0 : i32
        %dma_wait3A_175 = tpu.memref_slice %arg12[%dma_wait3A] : memref<4096xf32, #tpu.memory_space<vmem>> -> memref<4096xf32, #tpu.memory_space<vmem>>
        %dma_wait3A_176 = arith.constant 40960 : i32
        %dma_wait3A_177 = tpu.memref_slice %arg7[%dma_wait3A_176] : memref<49152xf32, #tpu.memory_space<hbm>> -> memref<4096xf32, #tpu.memory_space<hbm>>
        %dma_wait3A_178 = arith.constant 0 : i32
        %dma_wait3A_179 = tpu.memref_slice %arg12[%dma_wait3A_178] : memref<4096xf32, #tpu.memory_space<vmem>> -> memref<4096xf32, #tpu.memory_space<vmem>>
        %dma_wait3A_180 = arith.constant 40960 : i32
        %dma_wait3A_181 = tpu.memref_slice %arg7[%dma_wait3A_180] : memref<49152xf32, #tpu.memory_space<hbm>> -> memref<4096xf32, #tpu.memory_space<hbm>>
        tpu.wait_dma2 semaphore(%run_scoped3A : memref<!tpu.dma_semaphore, #tpu.memory_space<semaphore_mem>>) src(%dma_wait3A_181 : memref<4096xf32, #tpu.memory_space<hbm>>) dst(%dma_wait3A_179 : memref<4096xf32, #tpu.memory_space<vmem>>)
        tpu.yield
      }) : () -> ()
      "tpu.region"() ({
        %run_scoped3A = tpu.sem_alloc : memref<!tpu.dma_semaphore, #tpu.memory_space<semaphore_mem>>
        %dma_start3A = arith.constant 0 : i32
        %dma_start3A_168 = tpu.memref_slice %arg12[%dma_start3A] : memref<4096xf32, #tpu.memory_space<vmem>> -> memref<4096xf32, #tpu.memory_space<vmem>>
        %dma_start3A_169 = arith.constant 110080 : i32
        %dma_start3A_170 = tpu.memref_slice %arg10[%dma_start3A_169] : memref<118272xf32, #tpu.memory_space<hbm>> -> memref<4096xf32, #tpu.memory_space<hbm>>
        %dma_start3A_171 = arith.constant 110080 : i32
        %dma_start3A_172 = tpu.memref_slice %arg10[%dma_start3A_171] : memref<118272xf32, #tpu.memory_space<hbm>> -> memref<4096xf32, #tpu.memory_space<hbm>>
        %dma_start3A_173 = arith.constant 0 : i32
        %dma_start3A_174 = tpu.memref_slice %arg12[%dma_start3A_173] : memref<4096xf32, #tpu.memory_space<vmem>> -> memref<4096xf32, #tpu.memory_space<vmem>>
        tpu.enqueue_dma source(%dma_start3A_174 : memref<4096xf32, #tpu.memory_space<vmem>>) target(%dma_start3A_172 : memref<4096xf32, #tpu.memory_space<hbm>>) target_semaphore(%run_scoped3A : memref<!tpu.dma_semaphore, #tpu.memory_space<semaphore_mem>>)
        %dma_wait3A = arith.constant 0 : i32
        %dma_wait3A_175 = tpu.memref_slice %arg12[%dma_wait3A] : memref<4096xf32, #tpu.memory_space<vmem>> -> memref<4096xf32, #tpu.memory_space<vmem>>
        %dma_wait3A_176 = arith.constant 110080 : i32
        %dma_wait3A_177 = tpu.memref_slice %arg10[%dma_wait3A_176] : memref<118272xf32, #tpu.memory_space<hbm>> -> memref<4096xf32, #tpu.memory_space<hbm>>
        %dma_wait3A_178 = arith.constant 110080 : i32
        %dma_wait3A_179 = tpu.memref_slice %arg10[%dma_wait3A_178] : memref<118272xf32, #tpu.memory_space<hbm>> -> memref<4096xf32, #tpu.memory_space<hbm>>
        %dma_wait3A_180 = arith.constant 0 : i32
        %dma_wait3A_181 = tpu.memref_slice %arg12[%dma_wait3A_180] : memref<4096xf32, #tpu.memory_space<vmem>> -> memref<4096xf32, #tpu.memory_space<vmem>>
        tpu.wait_dma2 semaphore(%run_scoped3A : memref<!tpu.dma_semaphore, #tpu.memory_space<semaphore_mem>>) src(%dma_wait3A_181 : memref<4096xf32, #tpu.memory_space<vmem>>) dst(%dma_wait3A_179 : memref<4096xf32, #tpu.memory_space<hbm>>)
        tpu.yield
      }) : () -> ()
    } else {
    }
    %eq3A_153 = arith.constant 31 : i32
    %eq3A_154 = arith.cmpi eq, %add3A, %eq3A_153 : i32
    %convert_element_type3A_155 = arith.extui %eq3A_154 : i1 to i32
    %cond3A_156 = arith.constant 0 : i32
    %cond3A_157 = arith.cmpi ne, %convert_element_type3A_155, %cond3A_156 : i32
    scf.if %cond3A_157 {
      "tpu.region"() ({
        %run_scoped3A = tpu.sem_alloc : memref<!tpu.dma_semaphore, #tpu.memory_space<semaphore_mem>>
        %dma_start3A = arith.constant 0 : i32
        %dma_start3A_168 = tpu.memref_slice %arg12[%dma_start3A] : memref<4096xf32, #tpu.memory_space<vmem>> -> memref<4096xf32, #tpu.memory_space<vmem>>
        %dma_start3A_169 = arith.constant 45056 : i32
        %dma_start3A_170 = tpu.memref_slice %arg7[%dma_start3A_169] : memref<49152xf32, #tpu.memory_space<hbm>> -> memref<4096xf32, #tpu.memory_space<hbm>>
        %dma_start3A_171 = arith.constant 0 : i32
        %dma_start3A_172 = tpu.memref_slice %arg12[%dma_start3A_171] : memref<4096xf32, #tpu.memory_space<vmem>> -> memref<4096xf32, #tpu.memory_space<vmem>>
        %dma_start3A_173 = arith.constant 45056 : i32
        %dma_start3A_174 = tpu.memref_slice %arg7[%dma_start3A_173] : memref<49152xf32, #tpu.memory_space<hbm>> -> memref<4096xf32, #tpu.memory_space<hbm>>
        tpu.enqueue_dma source(%dma_start3A_174 : memref<4096xf32, #tpu.memory_space<hbm>>) target(%dma_start3A_172 : memref<4096xf32, #tpu.memory_space<vmem>>) target_semaphore(%run_scoped3A : memref<!tpu.dma_semaphore, #tpu.memory_space<semaphore_mem>>)
        %dma_wait3A = arith.constant 0 : i32
        %dma_wait3A_175 = tpu.memref_slice %arg12[%dma_wait3A] : memref<4096xf32, #tpu.memory_space<vmem>> -> memref<4096xf32, #tpu.memory_space<vmem>>
        %dma_wait3A_176 = arith.constant 45056 : i32
        %dma_wait3A_177 = tpu.memref_slice %arg7[%dma_wait3A_176] : memref<49152xf32, #tpu.memory_space<hbm>> -> memref<4096xf32, #tpu.memory_space<hbm>>
        %dma_wait3A_178 = arith.constant 0 : i32
        %dma_wait3A_179 = tpu.memref_slice %arg12[%dma_wait3A_178] : memref<4096xf32, #tpu.memory_space<vmem>> -> memref<4096xf32, #tpu.memory_space<vmem>>
        %dma_wait3A_180 = arith.constant 45056 : i32
        %dma_wait3A_181 = tpu.memref_slice %arg7[%dma_wait3A_180] : memref<49152xf32, #tpu.memory_space<hbm>> -> memref<4096xf32, #tpu.memory_space<hbm>>
        tpu.wait_dma2 semaphore(%run_scoped3A : memref<!tpu.dma_semaphore, #tpu.memory_space<semaphore_mem>>) src(%dma_wait3A_181 : memref<4096xf32, #tpu.memory_space<hbm>>) dst(%dma_wait3A_179 : memref<4096xf32, #tpu.memory_space<vmem>>)
        tpu.yield
      }) : () -> ()
      "tpu.region"() ({
        %run_scoped3A = tpu.sem_alloc : memref<!tpu.dma_semaphore, #tpu.memory_space<semaphore_mem>>
        %dma_start3A = arith.constant 0 : i32
        %dma_start3A_168 = tpu.memref_slice %arg12[%dma_start3A] : memref<4096xf32, #tpu.memory_space<vmem>> -> memref<4096xf32, #tpu.memory_space<vmem>>
        %dma_start3A_169 = arith.constant 114176 : i32
        %dma_start3A_170 = tpu.memref_slice %arg10[%dma_start3A_169] : memref<118272xf32, #tpu.memory_space<hbm>> -> memref<4096xf32, #tpu.memory_space<hbm>>
        %dma_start3A_171 = arith.constant 114176 : i32
        %dma_start3A_172 = tpu.memref_slice %arg10[%dma_start3A_171] : memref<118272xf32, #tpu.memory_space<hbm>> -> memref<4096xf32, #tpu.memory_space<hbm>>
        %dma_start3A_173 = arith.constant 0 : i32
        %dma_start3A_174 = tpu.memref_slice %arg12[%dma_start3A_173] : memref<4096xf32, #tpu.memory_space<vmem>> -> memref<4096xf32, #tpu.memory_space<vmem>>
        tpu.enqueue_dma source(%dma_start3A_174 : memref<4096xf32, #tpu.memory_space<vmem>>) target(%dma_start3A_172 : memref<4096xf32, #tpu.memory_space<hbm>>) target_semaphore(%run_scoped3A : memref<!tpu.dma_semaphore, #tpu.memory_space<semaphore_mem>>)
        %dma_wait3A = arith.constant 0 : i32
        %dma_wait3A_175 = tpu.memref_slice %arg12[%dma_wait3A] : memref<4096xf32, #tpu.memory_space<vmem>> -> memref<4096xf32, #tpu.memory_space<vmem>>
        %dma_wait3A_176 = arith.constant 114176 : i32
        %dma_wait3A_177 = tpu.memref_slice %arg10[%dma_wait3A_176] : memref<118272xf32, #tpu.memory_space<hbm>> -> memref<4096xf32, #tpu.memory_space<hbm>>
        %dma_wait3A_178 = arith.constant 114176 : i32
        %dma_wait3A_179 = tpu.memref_slice %arg10[%dma_wait3A_178] : memref<118272xf32, #tpu.memory_space<hbm>> -> memref<4096xf32, #tpu.memory_space<hbm>>
        %dma_wait3A_180 = arith.constant 0 : i32
        %dma_wait3A_181 = tpu.memref_slice %arg12[%dma_wait3A_180] : memref<4096xf32, #tpu.memory_space<vmem>> -> memref<4096xf32, #tpu.memory_space<vmem>>
        tpu.wait_dma2 semaphore(%run_scoped3A : memref<!tpu.dma_semaphore, #tpu.memory_space<semaphore_mem>>) src(%dma_wait3A_181 : memref<4096xf32, #tpu.memory_space<vmem>>) dst(%dma_wait3A_179 : memref<4096xf32, #tpu.memory_space<hbm>>)
        tpu.yield
      }) : () -> ()
    } else {
    }
    %eq3A_158 = arith.constant 0 : i32
    %eq3A_159 = arith.cmpi eq, %add3A, %eq3A_158 : i32
    %convert_element_type3A_160 = arith.extui %eq3A_159 : i1 to i32
    %cond3A_161 = arith.constant 0 : i32
    %cond3A_162 = arith.cmpi ne, %convert_element_type3A_160, %cond3A_161 : i32
    scf.if %cond3A_162 {
      "tpu.region"() ({
        %run_scoped3A = tpu.sem_alloc : memref<!tpu.dma_semaphore, #tpu.memory_space<semaphore_mem>>
        tpu.enqueue_dma source(%arg8 : memref<1x77xi32, #tpu.memory_space<hbm>>) target(%arg13 : memref<1x77xi32, #tpu.memory_space<vmem>>) target_semaphore(%run_scoped3A : memref<!tpu.dma_semaphore, #tpu.memory_space<semaphore_mem>>)
        tpu.wait_dma2 semaphore(%run_scoped3A : memref<!tpu.dma_semaphore, #tpu.memory_space<semaphore_mem>>) src(%arg8 : memref<1x77xi32, #tpu.memory_space<hbm>>) dst(%arg13 : memref<1x77xi32, #tpu.memory_space<vmem>>)
        tpu.yield
      }) : () -> ()
      "tpu.region"() ({
        %run_scoped3A = tpu.sem_alloc : memref<!tpu.dma_semaphore, #tpu.memory_space<semaphore_mem>>
        %dma_start3A = arith.constant 0 : i32
        %dma_start3A_168 = arith.constant 0 : i32
        %dma_start3A_169 = tpu.memref_slice %arg11[%dma_start3A, %dma_start3A_168] : memref<2x77xi32, #tpu.memory_space<hbm>> -> memref<1x77xi32, #tpu.memory_space<hbm>>
        %dma_start3A_170 = arith.constant 0 : i32
        %dma_start3A_171 = arith.constant 0 : i32
        %dma_start3A_172 = tpu.memref_slice %arg11[%dma_start3A_170, %dma_start3A_171] : memref<2x77xi32, #tpu.memory_space<hbm>> -> memref<1x77xi32, #tpu.memory_space<hbm>>
        tpu.enqueue_dma source(%arg13 : memref<1x77xi32, #tpu.memory_space<vmem>>) target(%dma_start3A_172 : memref<1x77xi32, #tpu.memory_space<hbm>>) target_semaphore(%run_scoped3A : memref<!tpu.dma_semaphore, #tpu.memory_space<semaphore_mem>>)
        %dma_wait3A = arith.constant 0 : i32
        %dma_wait3A_173 = arith.constant 0 : i32
        %dma_wait3A_174 = tpu.memref_slice %arg11[%dma_wait3A, %dma_wait3A_173] : memref<2x77xi32, #tpu.memory_space<hbm>> -> memref<1x77xi32, #tpu.memory_space<hbm>>
        %dma_wait3A_175 = arith.constant 0 : i32
        %dma_wait3A_176 = arith.constant 0 : i32
        %dma_wait3A_177 = tpu.memref_slice %arg11[%dma_wait3A_175, %dma_wait3A_176] : memref<2x77xi32, #tpu.memory_space<hbm>> -> memref<1x77xi32, #tpu.memory_space<hbm>>
        tpu.wait_dma2 semaphore(%run_scoped3A : memref<!tpu.dma_semaphore, #tpu.memory_space<semaphore_mem>>) src(%arg13 : memref<1x77xi32, #tpu.memory_space<vmem>>) dst(%dma_wait3A_177 : memref<1x77xi32, #tpu.memory_space<hbm>>)
        tpu.yield
      }) : () -> ()
    } else {
    }
    %eq3A_163 = arith.constant 16 : i32
    %eq3A_164 = arith.cmpi eq, %add3A, %eq3A_163 : i32
    %convert_element_type3A_165 = arith.extui %eq3A_164 : i1 to i32
    %cond3A_166 = arith.constant 0 : i32
    %cond3A_167 = arith.cmpi ne, %convert_element_type3A_165, %cond3A_166 : i32
    scf.if %cond3A_167 {
      "tpu.region"() ({
        %run_scoped3A = tpu.sem_alloc : memref<!tpu.dma_semaphore, #tpu.memory_space<semaphore_mem>>
        tpu.enqueue_dma source(%arg9 : memref<1x77xi32, #tpu.memory_space<hbm>>) target(%arg13 : memref<1x77xi32, #tpu.memory_space<vmem>>) target_semaphore(%run_scoped3A : memref<!tpu.dma_semaphore, #tpu.memory_space<semaphore_mem>>)
        tpu.wait_dma2 semaphore(%run_scoped3A : memref<!tpu.dma_semaphore, #tpu.memory_space<semaphore_mem>>) src(%arg9 : memref<1x77xi32, #tpu.memory_space<hbm>>) dst(%arg13 : memref<1x77xi32, #tpu.memory_space<vmem>>)
        tpu.yield
      }) : () -> ()
      "tpu.region"() ({
        %run_scoped3A = tpu.sem_alloc : memref<!tpu.dma_semaphore, #tpu.memory_space<semaphore_mem>>
        %dma_start3A = arith.constant 1 : i32
        %dma_start3A_168 = arith.constant 0 : i32
        %dma_start3A_169 = tpu.memref_slice %arg11[%dma_start3A, %dma_start3A_168] : memref<2x77xi32, #tpu.memory_space<hbm>> -> memref<1x77xi32, #tpu.memory_space<hbm>>
        %dma_start3A_170 = arith.constant 1 : i32
        %dma_start3A_171 = arith.constant 0 : i32
        %dma_start3A_172 = tpu.memref_slice %arg11[%dma_start3A_170, %dma_start3A_171] : memref<2x77xi32, #tpu.memory_space<hbm>> -> memref<1x77xi32, #tpu.memory_space<hbm>>
        tpu.enqueue_dma source(%arg13 : memref<1x77xi32, #tpu.memory_space<vmem>>) target(%dma_start3A_172 : memref<1x77xi32, #tpu.memory_space<hbm>>) target_semaphore(%run_scoped3A : memref<!tpu.dma_semaphore, #tpu.memory_space<semaphore_mem>>)
        %dma_wait3A = arith.constant 1 : i32
        %dma_wait3A_173 = arith.constant 0 : i32
        %dma_wait3A_174 = tpu.memref_slice %arg11[%dma_wait3A, %dma_wait3A_173] : memref<2x77xi32, #tpu.memory_space<hbm>> -> memref<1x77xi32, #tpu.memory_space<hbm>>
        %dma_wait3A_175 = arith.constant 1 : i32
        %dma_wait3A_176 = arith.constant 0 : i32
        %dma_wait3A_177 = tpu.memref_slice %arg11[%dma_wait3A_175, %dma_wait3A_176] : memref<2x77xi32, #tpu.memory_space<hbm>> -> memref<1x77xi32, #tpu.memory_space<hbm>>
        tpu.wait_dma2 semaphore(%run_scoped3A : memref<!tpu.dma_semaphore, #tpu.memory_space<semaphore_mem>>) src(%arg13 : memref<1x77xi32, #tpu.memory_space<vmem>>) dst(%dma_wait3A_177 : memref<1x77xi32, #tpu.memory_space<hbm>>)
        tpu.yield
      }) : () -> ()
    } else {
    }
    return
  }
}

</mosaic_0001>

<sc_bundles>
// kernel: kernel.3.cloned.1.call-start
scs
__scs_entry_jumppad:
0x0: {  	(pc) =	sbr.rel $0x88, $3  }
0x1: {  	(tag) =	ssettag $0x0;
	lr =	simm.s32 $0x1  }
0x2: {  	[smem:$0x3F99] =	sst lr;
	_ =	strace $0xD0000000  }
0x3: {  	_ = 	snop  }
0x4: {  	_ = 	snop  }
0x5: {  	_ = 	snop  }
0x6: {  	_ = 	snop  }
0x7: {  	_ = 	snop  }
__scs_overlays_trampoline_lowered:
0x8: {  	[smem:$0x3FA8] =	sst s0  }
0x9: {  	[smem:$0x3FA9] =	sst s1  }
0xa: {  	[smem:$0x3FAA] =	sst s2  }
0xb: {  	[smem:$0x3FAB] =	sst s3  }
0xc: {  	[smem:$0x3FAC] =	sst s4  }
0xd: {  	[smem:$0x3FAD] =	sst s5  }
0xe: {  	[smem:$0x3FAE] =	sst s6  }
0xf: {  	[smem:$0x3FAF] =	sst s7  }
0x10: {  	[smem:$0x3FB0] =	sst s8  }
0x11: {  	[smem:$0x3FB1] =	sst s9;
	s0 =	simm.s32 @!p0 $0x0  }
0x12: {  	s1 =	sld [smem:$0x3F97];
	s0 =	simm.s32 @p0 $0x1  }
0x13: {  	[smem:$0x3FB2] =	sst s0;
	s0 =	simm.s32 @!p1 $0x0  }
0x14: {  	s2 =	sld [smem:$0x3F96];
	s0 =	simm.s32 @p1 $0x1  }
0x15: {  	[smem:$0x3FB3] =	sst s0;
	s0 =	simm.s32 @!p2 $0x0  }
0x16: {  	s3 =	sld [smem:$0x3FDB];
	s0 =	simm.s32 @p2 $0x1  }
0x17: {  	s4 =	simm.s32 $0x1BF5;
	[smem:$0x3FB5] =	sst s0  }
0x18: {  	s0 =	sld [smem:$0x3F98];
	_ =	swait.ge [sflag:s4], $0x0  }
0x19: {  	s7 =	sld [smem:$0x3F99]  }
0x1a: {  	s8 =	sadd.s32 $0xFFFFE003, lr  }
0x1b: {  	s9 =	sadd.s32 $0xFFFFFEF7, lr;
	s5 =	simm.s32 $0xFFFFFFFF;
	p2 =	slt.u32 s8, $0xFFFFF086  }
0x1c: {  	p1 =	slt.u32 s9, $0xF7A;
	s5 =	simm.s32 @!p2 $0x0  }
0x1d: {  	s5 =	simm.s32 @p1 $0x1;
	p0 =	seq.s32 s7, s2  }
0x1e: {  	s7 =	smul.u32 @!p0 $0xF7A, s2;
	p2 =	seq.s32 @!p0 s5, $0x0  }
0x1f: {  	s9 =	smul.u32 $0xF7A, s1;
	s8 =	simm.s32 @!p0 $0x1BF5;
	p2 =	por !p2, p0  }
0x20: {  	[sflag:s8] =	ssyncset.s32 @!p0 $0xFFFFF086;
	s6 =	sadd.s32 @!p0 s3, s7;
	s7 =	simm.s32 @!p0 $0x108  }
0x21: {  	s3 =	sadd.s32 s3, s9;
	s6 =	sadd.s32 @!p0 $0x88, s6;
	s7 =	simm.s32 @p2 $0x1082  }
0x22: {  	[simem:s7], [sflag:s8] =	dma.local @!p0 [hbm:s6], $0xF7A  }
0x23: {  	s9 =	sor.u32 $0xD0000000, s2;
	s6 =	simm.s32 $0x108;
	_ =	swait.ge @!p0 [sflag:s8], $0x0  }
0x24: {  	s3 =	sadd.s32 $0x88, s3;
	s6 =	simm.s32 @!p1 $0x1082;
	[sflag:s4] =	ssyncset.s32 $0xFFFFF086  }
0x25: {  	[simem:s6], [sflag:s4] =	dma.local [hbm:s3], $0xF7A  }
0x26: {  	[smem:$0x3F99] =	sst s1;
	(tag) =	ssettag s2;
	_ =	strace s9  }
0x27: {  	s1 =	sld [smem:$0x3FA9]  }
0x28: {  	s2 =	sld [smem:$0x3FAA]  }
0x29: {  	s4 =	sld [smem:$0x3FAC]  }
0x2a: {  	p0 =	seq.s32 s5, $0x0;
	s5 =	sld [smem:$0x3FAD]  }
0x2b: {  	s6 =	sld [smem:$0x3FAE]  }
0x2c: {  	s7 =	sld [smem:$0x3FAF]  }
0x2d: {  	s3 =	simm.s32 $0x108;
	s8 =	sld [smem:$0x3FB0]  }
0x2e: {  	s3 =	simm.s32 @!p0 $0x1082;
	s9 =	sld [smem:$0x3FB1]  }
0x2f: {  	lr =	sadd.s32 s0, s3;
	s0 =	sld [smem:$0x3FA8]  }
0x30: {  	s3 =	sld [smem:$0x3FAB]  }
0x31: {  	[smem:$0x3FB4] =	sst s10  }
0x32: {  	s10 =	sld [smem:$0x3FB2];
	_ =	sdelay $0x3  }
0x33: {  	p0 =	seq.s32 s10, $0x1;
	s10 =	sld [smem:$0x3FB4];
	_ =	sdelay $0x3  }
0x34: {  	[smem:$0x3FB4] =	sst s10  }
0x35: {  	s10 =	sld [smem:$0x3FB3];
	_ =	sdelay $0x3  }
0x36: {  	p1 =	seq.s32 s10, $0x1;
	s10 =	sld [smem:$0x3FB4];
	_ =	sdelay $0x3  }
0x37: {  	[smem:$0x3FB4] =	sst s10  }
0x38: {  	s10 =	sld [smem:$0x3FB5]  }
0x39: {  	_ = 	snop;
	(pc) =	sbr.ind lr, $3  }
0x3a: {  	_ = 	snop  }
0x3b: {  	_ = 	snop  }
0x3c: {  	p2 =	seq.s32 s10, $0x1;
	s10 =	sld [smem:$0x3FB4]  }
0x3d: {  	_ =	shalt  }
0x3e: {  	_ =	shalt  }
0x3f: {  	_ =	shalt  }
0x40: {  	_ =	shalt  }
0x41: {  	_ =	shalt  }
0x42: {  	_ =	shalt  }
0x43: {  	_ =	shalt  }
0x44: {  	_ =	shalt  }
0x45: {  	_ =	shalt  }
0x46: {  	_ =	shalt  }
0x47: {  	_ =	shalt  }
0x48: {  	_ =	shalt  }
0x49: {  	_ =	shalt  }
0x4a: {  	_ =	shalt  }
0x4b: {  	_ =	shalt  }
0x4c: {  	_ =	shalt  }
0x4d: {  	_ =	shalt  }
0x4e: {  	_ =	shalt  }
0x4f: {  	_ =	shalt  }
0x50: {  	_ =	shalt  }
0x51: {  	_ =	shalt  }
0x52: {  	_ =	shalt  }
0x53: {  	_ =	shalt  }
0x54: {  	_ =	shalt  }
0x55: {  	_ =	shalt  }
0x56: {  	_ =	shalt  }
0x57: {  	_ =	shalt  }
0x58: {  	_ =	shalt  }
0x59: {  	_ =	shalt  }
0x5a: {  	_ =	shalt  }
0x5b: {  	_ =	shalt  }
0x5c: {  	_ =	shalt  }
0x5d: {  	_ =	shalt  }
0x5e: {  	_ =	shalt  }
0x5f: {  	_ =	shalt  }
0x60: {  	_ =	shalt  }
0x61: {  	_ =	shalt  }
0x62: {  	_ =	shalt  }
0x63: {  	_ =	shalt  }
0x64: {  	_ =	shalt  }
0x65: {  	_ =	shalt  }
0x66: {  	_ =	shalt  }
0x67: {  	_ =	shalt  }
0x68: {  	_ =	shalt  }
0x69: {  	_ =	shalt  }
0x6a: {  	_ =	shalt  }
0x6b: {  	_ =	shalt  }
0x6c: {  	_ =	shalt  }
0x6d: {  	_ =	shalt  }
0x6e: {  	_ =	shalt  }
0x6f: {  	_ =	shalt  }
0x70: {  	_ =	shalt  }
0x71: {  	_ =	shalt  }
0x72: {  	_ =	shalt  }
0x73: {  	_ =	shalt  }
0x74: {  	_ =	shalt  }
0x75: {  	_ =	shalt  }
0x76: {  	_ =	shalt  }
0x77: {  	_ =	shalt  }
0x78: {  	_ =	shalt  }
0x79: {  	_ =	shalt  }
0x7a: {  	_ =	shalt  }
0x7b: {  	_ =	shalt  }
0x7c: {  	_ =	shalt  }
0x7d: {  	_ =	shalt  }
0x7e: {  	_ =	shalt  }
0x7f: {  	_ =	shalt  }
0x80: {  	_ =	shalt  }
0x81: {  	_ =	shalt  }
0x82: {  	_ =	shalt  }
0x83: {  	_ =	shalt  }
0x84: {  	_ =	shalt  }
0x85: {  	_ =	shalt  }
0x86: {  	_ =	shalt  }
0x87: {  	_ =	shalt  }
.Lfunc_end0:
.L_simem_size_0:
called_computation_lowered:
.L_overlay_start_0:
0x88: {  	s2 =	sld [smem:$0x3FD9]  }
0x89: {  	s3 =	sld [smem:$0x3FFE];
	_ =	sdelay $0x1  }
0x8a: {  	s1 =	srdreg.scid  }
0x8b: {  	s0 =	sand.u32 $0x1, s1  }
0x8c: {  	s14 =	sshll.u32 s0, $0xA;
	s2 =	sadd.s32 s3, s2  }
0x8d: {  	s2 =	sadd.s32 s2, s14  }
0x8e: {  	[smem:$0x3FC0] =	sst s2  }
0x8f: {  	_ = 	snop  }
0x90: {  	s2 =	sld [smem:$0x3FC9]  }
0x91: {  	s15 =	sld [smem:$0x3FD0]  }
0x92: {  	s4 =	sld [smem:$0x3FC8]  }
0x93: {  	s5 =	sld [smem:$0x3FC3]  }
0x94: {  	s7 =	simm.s32 $0xA;
	s8 =	simm.s32 $0x10;
	s6 =	sld [smem:$0x3FC2]  }
0x95: {  	[smem:s8], [sflag:s7] =	dma.local [hbm:s15], $0x1  }
0x96: {  	_ =	swait.eq [sflag:s7], $0x1  }
0x97: {  	[sflag:s7] =	ssyncset.done $0x0  }
0x98: {  	s16 =	sld [smem:$0x10];
	[sflag:s7] =	ssyncadd.s32 $0xFFFFFFFF  }
0x99: {  	s17 =	sld [smem:$0x11];
	(tm) =	ssettm $0x1  }
0x9a: {  	s18 =	sld [smem:$0x3FFB];
	_ =	sdelay $0x3  }
0x9b: {  	_ =	strace s18  }
0x9c: {  	s8 =	sld [smem:$0x3FFC];
	_ =	sdelay $0x3  }
0x9d: {  	_ =	strace s8  }
0x9e: {  	s8 =	sld [smem:$0x3FFD];
	_ =	sdelay $0x3  }
0x9f: {  	_ =	strace s8  }
0xa0: {  	_ =	strace $0x8FFFFFFF  }
0xa1: {  	s19 =	sld [smem:$0x3FDB];
	_ =	sdelay $0x1  }
0xa2: {  	s9 =	simm.s32 $_scs_section_size  }
0xa3: {  	s10 =	simm.s32 $_size__tile_overlayer_lowered;
	s11 =	simm.s32 $_tile_overlayer_lowered  }
0xa4: {  	s22 =	simm.s32 $0x1BFF;
	s21 =	sshll.u32 s11, $0x1;
	s8 =	sadd.s32 s9, s19  }
0xa5: {  	s12 =	simm.s32 $0x0;
	s20 =	sshll.u32 s10, $0x1;
	s10 =	sadd.s32 s21, s8  }
0xa6: {  	[timem:s12], [sflag:s22] =	dma.local [hbm:s10], s20  }
0xa7: {  	_ =	swait.ge [sflag:s22], s20  }
0xa8: {  	s9 =	ssub.s32 $0x0, s20;
	[sflag:s22] =	ssyncset.done $0x0  }
0xa9: {  	[sflag:s22] =	ssyncadd.s32 s9;
	_ =	sdelay $0x1  }
0xaa: {  	s23 =	simm.s32 $0x1B8B  }
0xab: {  	_ =	swait.ge [sflag:s23], $0x1  }
0xac: {  	[sflag:s23] =	ssyncset.done $0x0  }
0xad: {  	s25 =	simm.s32 $0x1B8E;
	s24 =	sld [smem:$0x3FFE];
	[sflag:s23] =	ssyncadd.s32 $0xFFFFFFFF  }
0xae: {  	s26 =	simm.s32 $execute0_lowered;
	[smem:$0x3FD2] =	sst s25  }
0xaf: {  	s10 =	sshll.u32 s26, $0x1;
	_ =	strace $0x80000046;
	[dreg:$0x1] =	wrdreg $0xFFFFFFFF  }
0xb0: {  	s28 =	simm.s32 $_size_execute0_lowered;
	s8 =	sadd.s32 s8, s10;
	[dreg:$0x0] =	wrdreg $0x0  }
0xb1: {  	s10 =	sshll.u32 s28, $0x1;
	[dreg:$0x2] =	wrdreg s8  }
0xb2: {  	[dreg:$0x3] =	wrdreg s10  }
0xb3: {  	[dreg:$0x4] =	wrdreg $0xC0  }
0xb4: {  	_ =	task [dreg:s12], $0x5FFFF  }
0xb5: {  	[dreg:$0x1] =	wrdreg $0xFFFFFFFF  }
0xb6: {  	[dreg:$0x0] =	wrdreg $0x60  }
0xb7: {  	[dreg:$0x2] =	wrdreg s24  }
0xb8: {  	[dreg:$0x3] =	wrdreg s2  }
0xb9: {  	[dreg:$0x4] =	wrdreg s16  }
0xba: {  	[dreg:$0x5] =	wrdreg s4  }
0xbb: {  	[dreg:$0x6] =	wrdreg s5  }
0xbc: {  	[dreg:$0x7] =	wrdreg s6  }
0xbd: {  	[dreg:$0x8] =	wrdreg s17  }
0xbe: {  	[dreg:$0x9] =	wrdreg $0x9  }
0xbf: {  	_ =	task.clear_ibuf [dreg:s12], $0xAFFFF;
	_ =	strace $0x90000046  }
0xc0: {  	s29 =	simm.s32 $0x9;
	_ =	strace $0x80000048  }
0xc1: {  	_ =	swait.ge [sflag:s29], $0x1  }
0xc2: {  	[sflag:s29] =	ssyncadd.s32 $0xFFFFFFFF  }
0xc3: {  	_ =	strace $0x90000048  }
0xc4: {  	_ =	sfence  }
0xc5: {  	s30 =	sld [smem:$0x0];
	_ =	sdelay $0x2  }
0xc6: {  	s31 =	sshll.u32 s1, $0xD;
	s1 =	sshrl.u32 s1, $0x2  }
0xc7: {  	s3 =	sand.u32 $0x4000, s31;
	s1 =	sadd.s32 s1, s30  }
0xc8: {  	s0 =	sor.u32 s3, s0;
	s1 =	sshll.u32 s1, $0x11  }
0xc9: {  	s0 =	sor.u32 s1, s0  }
0xca: {  	s0 =	sadd.s32 $0x8F2B, s0  }
0xcb: {  	[sflag:s0] =	ssyncadd.remote.s32 $0x1  }
0xcc: {  	_ =	sfence.sel $0xFFFF  }
0xcd: {  	[dreg:$0x0] =	wrdreg $0xFFFFFFFF;
	(pc) =	sbr.abs _section_cstart, $3  }
0xce: {  	[dreg:$0x1] =	wrdreg $0xFFFFFFFF  }
0xcf: {  	_ =	task.clear_ibuf [dreg:s12], $0x2FFFF;
	_ =	strace $0x9FFFFFFF  }
0xd0: {  	(tm) =	ssettm $0x7FFFFFFF  }
0xd1: {  	_ =	shalt  }
tec
execute0_lowered:
.L_overlay_start_1:
0x0: {  	(tag) =	ssettag $0x1  }
0x1: {  	s1 =	srdreg.scid;
	s2 =	stileid.u32  }
0x2: {  	s1 =	sand.u32 $0x1, s1;
	s3 =	sshll.u32 s2, $0x1  }
0x3: {  	s3 =	sor.u32 s1, s3  }
0x4: {  	p0 =	sgt.s32 s3, $0x1  }
0x5: {  	p1 =	seq.s32 @p0 s3, $0x2  }
0x6: {  	p2 =	por !p1, !p0  }
0x7: {  	s4 =	simm.s32 @!p2 $0x0  }
0x8: {  	p4 =	sgt.s32 s3, $0x5;
	p1 =	por p1, !p0;
	s4 =	simm.s32 @p2 $0x1  }
0x9: {  	p3 =	seq.s32 @!p0 s3, $0x0;
	[smem:$0x7DF] =	sst s4;
	s4 =	simm.s32 @!p1 $0x0  }
0xa: {  	p2 =	por !p3, p0;
	p0 =	por p3, p0;
	s4 =	simm.s32 @p1 $0x1  }
0xb: {  	p1 =	seq.s32 @p4 s3, $0x6;
	[smem:$0x7E0] =	sst s4;
	s4 =	simm.s32 @!p0 $0x0  }
0xc: {  	s4 =	simm.s32 @p0 $0x1;
	p0 =	por !p1, !p4  }
0xd: {  	[smem:$0x7E1] =	sst s4;
	s4 =	simm.s32 @!p0 $0x0  }
0xe: {  	p1 =	por p1, !p4;
	s4 =	simm.s32 @p0 $0x1  }
0xf: {  	p0 =	seq.s32 @!p4 s3, $0x4;
	[smem:$0x7E2] =	sst s4;
	s4 =	simm.s32 @!p1 $0x0  }
0x10: {  	s4 =	simm.s32 @p1 $0x1;
	p1 =	por !p0, p4  }
0x11: {  	[smem:$0x7E3] =	sst s4;
	s4 =	simm.s32 @!p1 $0x0  }
0x12: {  	p0 =	por p0, p4;
	s4 =	simm.s32 @p1 $0x1  }
0x13: {  	p1 =	sgt.s32 s3, $0x9;
	[smem:$0x7E4] =	sst s4;
	s4 =	simm.s32 @!p0 $0x0  }
0x14: {  	s4 =	simm.s32 @p0 $0x1;
	p0 =	seq.s32 @p1 s3, $0xA  }
0x15: {  	p3 =	por !p0, !p1  }
0x16: {  	[smem:$0x7E5] =	sst s4;
	s4 =	simm.s32 @!p3 $0x0  }
0x17: {  	p0 =	por p0, !p1;
	s4 =	simm.s32 @p3 $0x1  }
0x18: {  	[smem:$0x7E6] =	sst s4;
	s4 =	simm.s32 @!p0 $0x0  }
0x19: {  	s4 =	simm.s32 @p0 $0x1;
	p0 =	seq.s32 @!p1 s3, $0x8  }
0x1a: {  	p3 =	por !p0, p1  }
0x1b: {  	[smem:$0x7E7] =	sst s4;
	s4 =	simm.s32 @!p3 $0x0  }
0x1c: {  	s0 =	rddreg [dreg:$0x0];
	p0 =	por p0, p1;
	s4 =	simm.s32 @p3 $0x1  }
0x1d: {  	p3 =	sgt.s32 s3, $0xD;
	[smem:$0x7E8] =	sst s4;
	s4 =	simm.s32 @!p0 $0x0  }
0x1e: {  	s11 =	rddreg [dreg:$0x1];
	s4 =	simm.s32 @p0 $0x1;
	p0 =	seq.s32 @p3 s3, $0xE  }
0x1f: {  	s13 =	rddreg [dreg:$0x3];
	p1 =	por !p0, !p3  }
0x20: {  	[smem:$0x7E9] =	sst s4;
	s4 =	simm.s32 @!p1 $0x0  }
0x21: {  	s5 =	rddreg [dreg:$0x6];
	p0 =	por p0, !p3;
	s4 =	simm.s32 @p1 $0x1  }
0x22: {  	p4 =	seq.s32 @!p3 s3, $0xC;
	[smem:$0x7EA] =	sst s4;
	s4 =	simm.s32 @!p0 $0x0  }
0x23: {  	s2 =	rddreg [dreg:$0x2];
	s4 =	simm.s32 @p0 $0x1;
	p0 =	por !p4, p3  }
0x24: {  	s26 =	simm.s32 $0x0;
	[smem:$0x7EB] =	sst s4;
	s4 =	simm.s32 @!p0 $0x0  }
0x25: {  	[smem:$0x7FF] =	sst s26;
	s4 =	simm.s32 @p0 $0x1  }
0x26: {  	s6 =	sadd.s32 $0x200, s0;
	[smem:$0x7EC] =	sst s4  }
0x27: {  	s7 =	sadd.s32 $0x400, s0;
	_ =	strace $0x80000047;
	[dreg:$0x8] =	wrdreg s6  }
0x28: {  	s9 =	sadd.s32 $0x1E00, s0;
	[dreg:$0x9] =	wrdreg s7  }
0x29: {  	s10 =	sadd.s32 $0x3AE0, s0;
	[dreg:$0xb] =	wrdreg s9  }
0x2a: {  	s12 =	sadd.s32 $0x38E0, s0;
	[dreg:$0xc] =	wrdreg s10  }
0x2b: {  	s14 =	sadd.s32 $0x36E0, s0;
	[dreg:$0xd] =	wrdreg s12  }
0x2c: {  	s15 =	sadd.s32 $0x34E0, s0;
	[dreg:$0xe] =	wrdreg s14  }
0x2d: {  	s16 =	sadd.s32 $0x32E0, s0;
	[dreg:$0xf] =	wrdreg s15  }
0x2e: {  	s17 =	sadd.s32 $0x30E0, s0;
	[dreg:$0x10] =	wrdreg s16  }
0x2f: {  	s18 =	sadd.s32 $0x2EE0, s0;
	[dreg:$0x11] =	wrdreg s17  }
0x30: {  	s19 =	sadd.s32 $0x2CE0, s0;
	[dreg:$0x12] =	wrdreg s18  }
0x31: {  	s20 =	sadd.s32 $0x2AE0, s0;
	[dreg:$0x13] =	wrdreg s19  }
0x32: {  	s21 =	sadd.s32 $0x28E0, s0;
	[dreg:$0x14] =	wrdreg s20  }
0x33: {  	s22 =	sadd.s32 $0x26E0, s0;
	[dreg:$0x15] =	wrdreg s21  }
0x34: {  	s23 =	sadd.s32 $0x24E0, s0;
	[dreg:$0x16] =	wrdreg s22  }
0x35: {  	s24 =	sadd.s32 $0x22E0, s0;
	[dreg:$0x17] =	wrdreg s23  }
0x36: {  	s25 =	sadd.s32 $0x2160, s0;
	s1 =	ssub.s32 $0x2, s1;
	[dreg:$0x18] =	wrdreg s24  }
0x37: {  	s26 =	sadd.s32 $0x1FE0, s0;
	s8 =	sshrl.u32 s1, $0x1;
	[dreg:$0x19] =	wrdreg s25  }
0x38: {  	s1 =	ssub.s32 s1, s8;
	s8 =	sadd.s32 $0x55C0, s0;
	[dreg:$0x1a] =	wrdreg s26  }
0x39: {  	s6 =	sadd.s32 $0x600, s0;
	[dreg:$0x1d] =	wrdreg s8  }
0x3a: {  	s7 =	sadd.s32 $0x1C00, s0;
	[dreg:$0xa] =	wrdreg s6  }
0x3b: {  	s9 =	sadd.s32 $0x1A00, s0;
	[dreg:$0x1c] =	wrdreg s7  }
0x3c: {  	s10 =	sadd.s32 $0x53C0, s0;
	[dreg:$0x1e] =	wrdreg s9  }
0x3d: {  	s12 =	sadd.s32 $0x1800, s0;
	[dreg:$0x1f] =	wrdreg s10  }
0x3e: {  	s14 =	sadd.s32 $0x51C0, s0;
	[smem:$0x7ED] =	sst s12  }
0x3f: {  	s15 =	sadd.s32 $0x1600, s0;
	[smem:$0x7EE] =	sst s14  }
0x40: {  	s16 =	sadd.s32 $0x4FC0, s0;
	[smem:$0x7EF] =	sst s15  }
0x41: {  	s28 =	sadd.s32 $0x10, s5;
	s17 =	sadd.s32 $0x1400, s0;
	[smem:$0x7F0] =	sst s16  }
0x42: {  	s29 =	sadd.s32 $0x1600, s2;
	s18 =	sadd.s32 $0x4DC0, s0;
	[smem:$0x7F1] =	sst s17  }
0x43: {  	s30 =	sadd.s32 $0x1400, s2;
	s19 =	sadd.s32 $0x1200, s0;
	[smem:$0x7F2] =	sst s18  }
0x44: {  	s31 =	sadd.s32 $0x1200, s2;
	s20 =	sadd.s32 $0x4BC0, s0;
	[smem:$0x7F3] =	sst s19  }
0x45: {  	s5 =	sadd.s32 $0xC00, s2;
	s21 =	sadd.s32 $0x1000, s0;
	[smem:$0x7F4] =	sst s20  }
0x46: {  	p1 =	sgt.s32 s3, $0xF;
	s22 =	sadd.s32 $0x49C0, s0;
	[smem:$0x7F5] =	sst s21  }
0x47: {  	p3 =	por p4, p3;
	s23 =	sadd.s32 $0xE00, s0;
	[smem:$0x7F6] =	sst s22  }
0x48: {  	p0 =	sgt.s32 s3, $0x7;
	s24 =	sadd.s32 $0x47C0, s0;
	[smem:$0x7F7] =	sst s23  }
0x49: {  	s4 =	sadd.s32 $0x400, s2;
	s25 =	sadd.s32 $0xC00, s0;
	[smem:$0x7F8] =	sst s24  }
0x4a: {  	s26 =	sadd.s32 $0x45C0, s0;
	s8 =	sadd.s32 $0x800, s2;
	[smem:$0x7F9] =	sst s25  }
0x4b: {  	s6 =	sadd.s32 $0x1E60, s0;
	[smem:$0x7FA] =	sst s26;
	s18 =	sadd.s32 $0xA00, s0  }
0x4c: {  	s19 =	sadd.s32 $0x43C0, s0;
	s20 =	sadd.s32 $0x800, s0;
	s21 =	sadd.s32 $0x41C0, s0  }
0x4d: {  	s22 =	sadd.s32 $0x3FC0, s0;
	s23 =	sadd.s32 $0x3E40, s0;
	s24 =	sadd.s32 $0x3CC0, s0  }
0x4e: {  	s25 =	sadd.s32 $0x3B40, s0;
	s26 =	smax.u32 s1, $0x1;
	s0 =	simm.s32 @!p0 $0x0  }
0x4f: {  	s7 =	sadd.s32 $0x1000, s2;
	s1 =	sadd.s32 $0x600, s2;
	s9 =	sadd.s32 $0x200, s2  }
0x50: {  	s10 =	sadd.s32 $0x300, s11;
	s0 =	simm.s32 @p0 $0x1;
	p0 =	sgt.s32 s3, $0x3  }
.Ltmp0:
0x51: {  	[smem:$0x7FB] =	sst s0;
	s0 =	simm.s32 @!p0 $0x0;
	(pc) =	sbr.rel .LBB2_1-.Ltmp0, $4  }
0x52: {  	s11 =	sadd.s32 $0x180, s11;
	s0 =	simm.s32 @p0 $0x1;
	p0 =	sgt.s32 s3, $0xB  }
0x53: {  	s12 =	sadd.s32 $0x300, s13;
	[smem:$0x7FC] =	sst s0;
	s0 =	simm.s32 @!p0 $0x0  }
0x54: {  	s13 =	sadd.s32 $0x180, s13;
	[dreg:$0x1b] =	wrdreg s6;
	s0 =	simm.s32 @p0 $0x1  }
0x55: {  	s6 =	sadd.s32 $0xA00, s2;
	[smem:$0x7FD] =	sst s0;
	s0 =	sadd.s32 $0xE00, s2  }
.LBB2_15:
0x56: {  	p4 =	sgt.s32 s3, $0x1D  }
0x57: {  	p0 =	seq.s32 @p4 s3, $0x1E  }
0x58: {  	p5 =	por !p0, !p4  }
0x59: {  	s15 =	rddreg [dreg:$0x1e];
	s14 =	simm.s32 @!p5 $0x0  }
0x5a: {  	[tilespmem:s14], [sflag:$0x1] =	stream.linear.gather @!p5 [hbm4b:s15+s14], $0x1000, $0x38;
	[tilespmem:$0x1080] =	vst v63  }
0x5b: {  	s15 =	simm.s32 @!p5 $0x1  }
0x5c: {  	_ =	swait.ge @!p5 [sflag:s15], $0x1000  }
0x5d: {  	[sflag:s15] =	ssyncset.done @!p5 $0x0  }
0x5e: {  	s16 =	rddreg [dreg:$0x1f];
	[sflag:s15] =	ssyncadd.s32 @!p5 $0xFFFFF000  }
0x5f: {  	[hbm4b:s16+s14] =	stream.linear.scatter @!p5 [tilespmem:s14], [sflag:$0x1], $0x1000, $0x38;
	[tilespmem:$0x1080] =	vst v63  }
0x60: {  	_ =	swait.ge @!p5 [sflag:s15], $0x1000  }
0x61: {  	p0 =	por p0, !p4;
	[sflag:s15] =	ssyncset.done @!p5 $0x0  }
0x62: {  	s14 =	simm.s32 @!p0 $0x0;
	[sflag:s15] =	ssyncadd.s32 @!p5 $0xFFFFF000;
	s15 =	rddreg [dreg:$0x1c]  }
0x63: {  	[tilespmem:s14], [sflag:$0x1] =	stream.linear.gather @!p0 [hbm4b:s15+s14], $0x1000, $0x38;
	[tilespmem:$0x1080] =	vst v63  }
0x64: {  	s15 =	simm.s32 @!p0 $0x1  }
0x65: {  	_ =	swait.ge @!p0 [sflag:s15], $0x1000  }
0x66: {  	[sflag:s15] =	ssyncset.done @!p0 $0x0  }
0x67: {  	s16 =	rddreg [dreg:$0x1d];
	[sflag:s15] =	ssyncadd.s32 @!p0 $0xFFFFF000  }
0x68: {  	[hbm4b:s16+s14] =	stream.linear.scatter @!p0 [tilespmem:s14], [sflag:$0x1], $0x1000, $0x38;
	[tilespmem:$0x1080] =	vst v63  }
0x69: {  	_ =	swait.ge @!p0 [sflag:s15], $0x1000  }
0x6a: {  	[sflag:s15] =	ssyncset.done @!p0 $0x0  }
0x6b: {  	p5 =	seq.s32 @!p4 s3, $0x1C;
	[sflag:s15] =	ssyncadd.s32 @!p0 $0xFFFFF000;
	s15 =	sld [smem:$0x7EF]  }
0x6c: {  	p6 =	por !p5, p4  }
0x6d: {  	s14 =	simm.s32 @!p6 $0x0  }
0x6e: {  	[tilespmem:s14], [sflag:$0x1] =	stream.linear.gather @!p6 [hbm4b:s15+s14], $0x1000, $0x38;
	[tilespmem:$0x1080] =	vst v63  }
0x6f: {  	s15 =	simm.s32 @!p6 $0x1  }
0x70: {  	_ =	swait.ge @!p6 [sflag:s15], $0x1000  }
0x71: {  	s16 =	sld [smem:$0x7F0]  }
0x72: {  	[sflag:s15] =	ssyncset.done @!p6 $0x0  }
0x73: {  	[sflag:s15] =	ssyncadd.s32 @!p6 $0xFFFFF000  }
0x74: {  	[hbm4b:s16+s14] =	stream.linear.scatter @!p6 [tilespmem:s14], [sflag:$0x1], $0x1000, $0x38;
	[tilespmem:$0x1080] =	vst v63  }
0x75: {  	_ =	swait.ge @!p6 [sflag:s15], $0x1000  }
0x76: {  	[sflag:s15] =	ssyncset.done @!p6 $0x0  }
0x77: {  	[sflag:s15] =	ssyncadd.s32 @!p6 $0xFFFFF000;
	s15 =	sld [smem:$0x7ED]  }
0x78: {  	p0 =	por p5, p4  }
0x79: {  	s14 =	simm.s32 @!p0 $0x0  }
0x7a: {  	[tilespmem:s14], [sflag:$0x1] =	stream.linear.gather @!p0 [hbm4b:s15+s14], $0x1000, $0x38;
	[tilespmem:$0x1080] =	vst v63  }
0x7b: {  	s15 =	simm.s32 @!p0 $0x1  }
0x7c: {  	_ =	swait.ge @!p0 [sflag:s15], $0x1000  }
0x7d: {  	s16 =	sld [smem:$0x7EE]  }
0x7e: {  	[sflag:s15] =	ssyncset.done @!p0 $0x0  }
0x7f: {  	[sflag:s15] =	ssyncadd.s32 @!p0 $0xFFFFF000  }
0x80: {  	[hbm4b:s16+s14] =	stream.linear.scatter @!p0 [tilespmem:s14], [sflag:$0x1], $0x1000, $0x38;
	[tilespmem:$0x1080] =	vst v63  }
0x81: {  	_ =	swait.ge @!p0 [sflag:s15], $0x1000  }
0x82: {  	[sflag:s15] =	ssyncset.done @!p0 $0x0  }
0x83: {  	[sflag:s15] =	ssyncadd.s32 @!p0 $0xFFFFF000  }
.LBB2_16:
0x84: {  	s26 =	sadd.s32 $0xFFFFFFFF, s26  }
0x85: {  	p0 =	sne.s32 s26, $0x0  }
.Ltmp1:
0x86: {  	_ = 	snop;
	(pc) =	sbr.rel @!p0 .LBB2_17-.Ltmp1, $1  }
0x87: {  	_ =	sdelay $0x3  }
.LBB2_1:
.Ltmp2:
0x88: {  	(pc) =	sbr.rel @p1 .LBB2_9-.Ltmp2, $1  }
0x89: {  	_ =	sdelay $0x3  }
0x8a: {  	s14 =	sld [smem:$0x7FB];
	_ =	sdelay $0x2  }
0x8b: {  	p0 =	seq.s32 s14, $0x1  }
.Ltmp3:
0x8c: {  	_ = 	snop;
	(pc) =	sbr.rel @p0 .LBB2_6-.Ltmp3, $1  }
0x8d: {  	_ =	sdelay $0x3  }
0x8e: {  	s14 =	sld [smem:$0x7FC];
	_ =	sdelay $0x2  }
0x8f: {  	p0 =	seq.s32 s14, $0x1  }
.Ltmp4:
0x90: {  	_ = 	snop;
	(pc) =	sbr.rel @p0 .LBB2_5-.Ltmp4, $1  }
0x91: {  	_ =	sdelay $0x3  }
0x92: {  	s14 =	sld [smem:$0x7DF];
	_ =	sdelay $0x2  }
0x93: {  	p0 =	seq.s32 s14, $0x1  }
0x94: {  	s14 =	simm.s32 @!p0 $0x0;
	s15 =	simm.s32 @!p0 $0x1  }
0x95: {  	[tilespmem:s14], [sflag:$0x1] =	stream.linear.gather @!p0 [hbm4b:s11+s14], $0xC00, $0x38;
	[tilespmem:$0x1080] =	vst v63  }
0x96: {  	_ =	swait.ge @!p0 [sflag:s15], $0xC00  }
0x97: {  	[sflag:s15] =	ssyncset.done @!p0 $0x0  }
0x98: {  	s16 =	rddreg [dreg:$0x1a];
	[sflag:s15] =	ssyncadd.s32 @!p0 $0xFFFFF400  }
0x99: {  	[hbm4b:s16+s14] =	stream.linear.scatter @!p0 [tilespmem:s14], [sflag:$0x1], $0xC00, $0x38;
	[tilespmem:$0x1080] =	vst v63  }
0x9a: {  	_ =	swait.ge @!p0 [sflag:s15], $0xC00  }
0x9b: {  	s16 =	sld [smem:$0x7E0];
	_ =	sdelay $0x1  }
0x9c: {  	[sflag:s15] =	ssyncset.done @!p0 $0x0  }
0x9d: {  	[sflag:s15] =	ssyncadd.s32 @!p0 $0xFFFFF400;
	p0 =	seq.s32 s16, $0x1  }
0x9e: {  	s14 =	simm.s32 @!p0 $0x0;
	s15 =	simm.s32 @!p0 $0x1  }
0x9f: {  	[tilespmem:s14], [sflag:$0x1] =	stream.linear.gather @!p0 [hbm4b:s10+s14], $0xC00, $0x38;
	[tilespmem:$0x1080] =	vst v63  }
0xa0: {  	_ =	swait.ge @!p0 [sflag:s15], $0xC00  }
0xa1: {  	[sflag:s15] =	ssyncset.done @!p0 $0x0  }
0xa2: {  	s16 =	rddreg [dreg:$0x19];
	[sflag:s15] =	ssyncadd.s32 @!p0 $0xFFFFF400  }
0xa3: {  	[hbm4b:s16+s14] =	stream.linear.scatter @!p0 [tilespmem:s14], [sflag:$0x1], $0xC00, $0x38;
	[tilespmem:$0x1080] =	vst v63  }
0xa4: {  	_ =	swait.ge @!p0 [sflag:s15], $0xC00  }
0xa5: {  	[sflag:s15] =	ssyncset.done @!p0 $0x0  }
0xa6: {  	s14 =	simm.s32 @!p2 $0x0;
	[sflag:s15] =	ssyncadd.s32 @!p0 $0xFFFFF400;
	s15 =	rddreg [dreg:$0x8]  }
0xa7: {  	[tilespmem:s14], [sflag:$0x1] =	stream.linear.gather @!p2 [hbm4b:s15+s14], $0x300, $0x38;
	[tilespmem:$0x1080] =	vst v63  }
0xa8: {  	s15 =	simm.s32 @!p2 $0x1  }
0xa9: {  	_ =	swait.ge @!p2 [sflag:s15], $0x300  }
0xaa: {  	[sflag:s15] =	ssyncset.done @!p2 $0x0  }
0xab: {  	s16 =	rddreg [dreg:$0xb];
	[sflag:s15] =	ssyncadd.s32 @!p2 $0xFFFFFD00  }
0xac: {  	[hbm4b:s16+s14] =	stream.linear.scatter @!p2 [tilespmem:s14], [sflag:$0x1], $0x300, $0x38;
	[tilespmem:$0x1080] =	vst v63  }
0xad: {  	_ =	swait.ge @!p2 [sflag:s15], $0x300  }
0xae: {  	[sflag:s15] =	ssyncset.done @!p2 $0x0  }
0xaf: {  	[sflag:s15] =	ssyncadd.s32 @!p2 $0xFFFFFD00  }
0xb0: {  	s16 =	simm.s32 @!p2 $0x1000;
	s17 =	rddreg [dreg:$0x4]  }
0xb1: {  	[tilespmem:s16], [sflag:$0x1] =	stream.linear.gather @!p2 [hbm4b:s17+s14], $0x80, $0x38;
	[tilespmem:$0x1080] =	vst v63  }
0xb2: {  	_ =	swait.ge @!p2 [sflag:s15], $0x80  }
0xb3: {  	[sflag:s15] =	ssyncset.done @!p2 $0x0  }
0xb4: {  	[sflag:s15] =	ssyncadd.s32 @!p2 $0xFFFFFF80  }
0xb5: {  	s17 =	rddreg [dreg:$0x6]  }
0xb6: {  	[hbm4b:s17+s14] =	stream.linear.scatter @!p2 [tilespmem:s16], [sflag:$0x1], $0x80, $0x38;
	[tilespmem:$0x1080] =	vst v63  }
0xb7: {  	_ =	swait.ge @!p2 [sflag:s15], $0x80  }
0xb8: {  	s17 =	sld [smem:$0x7E1];
	_ =	sdelay $0x1  }
0xb9: {  	[sflag:s15] =	ssyncset.done @!p2 $0x0  }
0xba: {  	[sflag:s15] =	ssyncadd.s32 @!p2 $0xFFFFFF80;
	p0 =	seq.s32 s17, $0x1  }
0xbb: {  	s15 =	rddreg [dreg:$0x1];
	s14 =	simm.s32 @!p0 $0x0  }
0xbc: {  	[tilespmem:s14], [sflag:$0x1] =	stream.linear.gather @!p0 [hbm4b:s15+s14], $0xC00, $0x38;
	[tilespmem:$0x1080] =	vst v63  }
0xbd: {  	s15 =	simm.s32 @!p0 $0x1  }
0xbe: {  	_ =	swait.ge @!p0 [sflag:s15], $0xC00  }
0xbf: {  	[sflag:s15] =	ssyncset.done @!p0 $0x0  }
.Ltmp5:
0xc0: {  	s16 =	rddreg [dreg:$0x1b];
	[sflag:s15] =	ssyncadd.s32 @!p0 $0xFFFFF400;
	(pc) =	sbr.rel .LBB2_16-.Ltmp5, $4  }
0xc1: {  	[hbm4b:s16+s14] =	stream.linear.scatter @!p0 [tilespmem:s14], [sflag:$0x1], $0xC00, $0x38;
	[tilespmem:$0x1080] =	vst v63  }
0xc2: {  	_ =	swait.ge @!p0 [sflag:s15], $0xC00  }
0xc3: {  	[sflag:s15] =	ssyncset.done @!p0 $0x0  }
0xc4: {  	[sflag:s15] =	ssyncadd.s32 @!p0 $0xFFFFF400  }
.LBB2_9:
0xc5: {  	p4 =	sgt.s32 s3, $0x17  }
.Ltmp6:
0xc6: {  	_ = 	snop;
	(pc) =	sbr.rel @p4 .LBB2_13-.Ltmp6, $1  }
0xc7: {  	_ =	sdelay $0x3  }
0xc8: {  	p4 =	sgt.s32 s3, $0x13  }
.Ltmp7:
0xc9: {  	_ = 	snop;
	(pc) =	sbr.rel @p4 .LBB2_12-.Ltmp7, $1  }
0xca: {  	_ =	sdelay $0x3  }
0xcb: {  	p4 =	sgt.s32 s3, $0x11  }
0xcc: {  	p5 =	seq.s32 @p4 s3, $0x12  }
0xcd: {  	p6 =	por !p5, !p4  }
0xce: {  	s14 =	simm.s32 @!p6 $0x0;
	s15 =	simm.s32 @!p6 $0x1  }
0xcf: {  	[tilespmem:s14], [sflag:$0x1] =	stream.linear.gather @!p6 [hbm4b:s13+s14], $0xC00, $0x38;
	[tilespmem:$0x1080] =	vst v63  }
0xd0: {  	_ =	swait.ge @!p6 [sflag:s15], $0xC00  }
0xd1: {  	[sflag:s15] =	ssyncset.done @!p6 $0x0  }
0xd2: {  	[sflag:s15] =	ssyncadd.s32 @!p6 $0xFFFFF400  }
0xd3: {  	[hbm4b:s24+s14] =	stream.linear.scatter @!p6 [tilespmem:s14], [sflag:$0x1], $0xC00, $0x38;
	[tilespmem:$0x1080] =	vst v63  }
0xd4: {  	_ =	swait.ge @!p6 [sflag:s15], $0xC00  }
0xd5: {  	p0 =	por p5, !p4;
	[sflag:s15] =	ssyncset.done @!p6 $0x0  }
0xd6: {  	s14 =	simm.s32 @!p0 $0x0;
	[sflag:s15] =	ssyncadd.s32 @!p6 $0xFFFFF400;
	s15 =	simm.s32 @!p0 $0x1  }
0xd7: {  	[tilespmem:s14], [sflag:$0x1] =	stream.linear.gather @!p0 [hbm4b:s12+s14], $0xC00, $0x38;
	[tilespmem:$0x1080] =	vst v63  }
0xd8: {  	_ =	swait.ge @!p0 [sflag:s15], $0xC00  }
0xd9: {  	[sflag:s15] =	ssyncset.done @!p0 $0x0  }
0xda: {  	[sflag:s15] =	ssyncadd.s32 @!p0 $0xFFFFF400  }
0xdb: {  	[hbm4b:s23+s14] =	stream.linear.scatter @!p0 [tilespmem:s14], [sflag:$0x1], $0xC00, $0x38;
	[tilespmem:$0x1080] =	vst v63  }
0xdc: {  	p5 =	seq.s32 @!p4 s3, $0x10;
	_ =	swait.ge @!p0 [sflag:s15], $0xC00  }
0xdd: {  	p6 =	por !p5, p4;
	[sflag:s15] =	ssyncset.done @!p0 $0x0  }
0xde: {  	s14 =	simm.s32 @!p6 $0x0;
	[sflag:s15] =	ssyncadd.s32 @!p0 $0xFFFFF400;
	s15 =	rddreg [dreg:$0x9]  }
0xdf: {  	[tilespmem:s14], [sflag:$0x1] =	stream.linear.gather @!p6 [hbm4b:s15+s14], $0x300, $0x38;
	[tilespmem:$0x1080] =	vst v63  }
0xe0: {  	s15 =	simm.s32 @!p6 $0x1  }
0xe1: {  	_ =	swait.ge @!p6 [sflag:s15], $0x300  }
0xe2: {  	[sflag:s15] =	ssyncset.done @!p6 $0x0  }
0xe3: {  	s16 =	rddreg [dreg:$0xc];
	[sflag:s15] =	ssyncadd.s32 @!p6 $0xFFFFFD00  }
0xe4: {  	[hbm4b:s16+s14] =	stream.linear.scatter @!p6 [tilespmem:s14], [sflag:$0x1], $0x300, $0x38;
	[tilespmem:$0x1080] =	vst v63  }
0xe5: {  	_ =	swait.ge @!p6 [sflag:s15], $0x300  }
0xe6: {  	[sflag:s15] =	ssyncset.done @!p6 $0x0  }
0xe7: {  	[sflag:s15] =	ssyncadd.s32 @!p6 $0xFFFFFD00  }
0xe8: {  	s16 =	simm.s32 @!p6 $0x1000;
	s17 =	rddreg [dreg:$0x5]  }
0xe9: {  	[tilespmem:s16], [sflag:$0x1] =	stream.linear.gather @!p6 [hbm4b:s17+s14], $0x80, $0x38;
	[tilespmem:$0x1080] =	vst v63  }
0xea: {  	_ =	swait.ge @!p6 [sflag:s15], $0x80  }
0xeb: {  	[sflag:s15] =	ssyncset.done @!p6 $0x0  }
0xec: {  	[sflag:s15] =	ssyncadd.s32 @!p6 $0xFFFFFF80  }
0xed: {  	[hbm4b:s28+s14] =	stream.linear.scatter @!p6 [tilespmem:s16], [sflag:$0x1], $0x80, $0x38;
	[tilespmem:$0x1080] =	vst v63  }
0xee: {  	_ =	swait.ge @!p6 [sflag:s15], $0x80  }
0xef: {  	[sflag:s15] =	ssyncset.done @!p6 $0x0  }
0xf0: {  	p0 =	por p5, p4;
	[sflag:s15] =	ssyncadd.s32 @!p6 $0xFFFFFF80  }
0xf1: {  	s14 =	simm.s32 @!p0 $0x0;
	s15 =	rddreg [dreg:$0x3]  }
0xf2: {  	[tilespmem:s14], [sflag:$0x1] =	stream.linear.gather @!p0 [hbm4b:s15+s14], $0xC00, $0x38;
	[tilespmem:$0x1080] =	vst v63  }
0xf3: {  	s15 =	simm.s32 @!p0 $0x1  }
0xf4: {  	_ =	swait.ge @!p0 [sflag:s15], $0xC00  }
0xf5: {  	[sflag:s15] =	ssyncset.done @!p0 $0x0  }
.Ltmp8:
0xf6: {  	[sflag:s15] =	ssyncadd.s32 @!p0 $0xFFFFF400;
	(pc) =	sbr.rel .LBB2_16-.Ltmp8, $4  }
0xf7: {  	[hbm4b:s25+s14] =	stream.linear.scatter @!p0 [tilespmem:s14], [sflag:$0x1], $0xC00, $0x38;
	[tilespmem:$0x1080] =	vst v63  }
0xf8: {  	_ =	swait.ge @!p0 [sflag:s15], $0xC00  }
0xf9: {  	[sflag:s15] =	ssyncset.done @!p0 $0x0  }
0xfa: {  	[sflag:s15] =	ssyncadd.s32 @!p0 $0xFFFFF400  }
.LBB2_6:
0xfb: {  	s14 =	sld [smem:$0x7FD];
	_ =	sdelay $0x2  }
0xfc: {  	p0 =	seq.s32 s14, $0x1  }
.Ltmp9:
0xfd: {  	_ = 	snop;
	(pc) =	sbr.rel @p0 .LBB2_8-.Ltmp9, $1  }
0xfe: {  	_ =	sdelay $0x3  }
0xff: {  	s14 =	sld [smem:$0x7E6];
	_ =	sdelay $0x2  }
0x100: {  	p0 =	seq.s32 s14, $0x1  }
0x101: {  	s14 =	simm.s32 @!p0 $0x0;
	s15 =	simm.s32 @!p0 $0x1  }
0x102: {  	[tilespmem:s14], [sflag:$0x1] =	stream.linear.gather @!p0 [hbm4b:s5+s14], $0x1000, $0x38;
	[tilespmem:$0x1080] =	vst v63  }
0x103: {  	_ =	swait.ge @!p0 [sflag:s15], $0x1000  }
0x104: {  	[sflag:s15] =	ssyncset.done @!p0 $0x0  }
0x105: {  	s16 =	rddreg [dreg:$0x12];
	[sflag:s15] =	ssyncadd.s32 @!p0 $0xFFFFF000  }
0x106: {  	[hbm4b:s16+s14] =	stream.linear.scatter @!p0 [tilespmem:s14], [sflag:$0x1], $0x1000, $0x38;
	[tilespmem:$0x1080] =	vst v63  }
0x107: {  	_ =	swait.ge @!p0 [sflag:s15], $0x1000  }
0x108: {  	[sflag:s15] =	ssyncset.done @!p0 $0x0  }
0x109: {  	[sflag:s15] =	ssyncadd.s32 @!p0 $0xFFFFF000;
	s15 =	sld [smem:$0x7E7];
	_ =	sdelay $0x2  }
0x10a: {  	p0 =	seq.s32 s15, $0x1  }
0x10b: {  	s14 =	simm.s32 @!p0 $0x0;
	s15 =	simm.s32 @!p0 $0x1  }
0x10c: {  	[tilespmem:s14], [sflag:$0x1] =	stream.linear.gather @!p0 [hbm4b:s0+s14], $0x1000, $0x38;
	[tilespmem:$0x1080] =	vst v63  }
0x10d: {  	_ =	swait.ge @!p0 [sflag:s15], $0x1000  }
0x10e: {  	[sflag:s15] =	ssyncset.done @!p0 $0x0  }
0x10f: {  	s16 =	rddreg [dreg:$0x11];
	[sflag:s15] =	ssyncadd.s32 @!p0 $0xFFFFF000  }
0x110: {  	[hbm4b:s16+s14] =	stream.linear.scatter @!p0 [tilespmem:s14], [sflag:$0x1], $0x1000, $0x38;
	[tilespmem:$0x1080] =	vst v63  }
0x111: {  	_ =	swait.ge @!p0 [sflag:s15], $0x1000  }
0x112: {  	s16 =	sld [smem:$0x7E8];
	_ =	sdelay $0x1  }
0x113: {  	[sflag:s15] =	ssyncset.done @!p0 $0x0  }
0x114: {  	[sflag:s15] =	ssyncadd.s32 @!p0 $0xFFFFF000;
	p0 =	seq.s32 s16, $0x1  }
0x115: {  	s14 =	simm.s32 @!p0 $0x0;
	s15 =	simm.s32 @!p0 $0x1  }
0x116: {  	[tilespmem:s14], [sflag:$0x1] =	stream.linear.gather @!p0 [hbm4b:s8+s14], $0x1000, $0x38;
	[tilespmem:$0x1080] =	vst v63  }
0x117: {  	_ =	swait.ge @!p0 [sflag:s15], $0x1000  }
0x118: {  	[sflag:s15] =	ssyncset.done @!p0 $0x0  }
0x119: {  	s16 =	rddreg [dreg:$0x14];
	[sflag:s15] =	ssyncadd.s32 @!p0 $0xFFFFF000  }
0x11a: {  	[hbm4b:s16+s14] =	stream.linear.scatter @!p0 [tilespmem:s14], [sflag:$0x1], $0x1000, $0x38;
	[tilespmem:$0x1080] =	vst v63  }
0x11b: {  	_ =	swait.ge @!p0 [sflag:s15], $0x1000  }
0x11c: {  	s17 =	sld [smem:$0x7E9];
	_ =	sdelay $0x1  }
0x11d: {  	[sflag:s15] =	ssyncset.done @!p0 $0x0  }
0x11e: {  	[sflag:s15] =	ssyncadd.s32 @!p0 $0xFFFFF000;
	p0 =	seq.s32 s17, $0x1  }
0x11f: {  	s14 =	simm.s32 @!p0 $0x0;
	s15 =	simm.s32 @!p0 $0x1  }
0x120: {  	[tilespmem:s14], [sflag:$0x1] =	stream.linear.gather @!p0 [hbm4b:s6+s14], $0x1000, $0x38;
	[tilespmem:$0x1080] =	vst v63  }
0x121: {  	_ =	swait.ge @!p0 [sflag:s15], $0x1000  }
0x122: {  	[sflag:s15] =	ssyncset.done @!p0 $0x0  }
.Ltmp10:
0x123: {  	s16 =	rddreg [dreg:$0x13];
	[sflag:s15] =	ssyncadd.s32 @!p0 $0xFFFFF000;
	(pc) =	sbr.rel .LBB2_16-.Ltmp10, $4  }
0x124: {  	[hbm4b:s16+s14] =	stream.linear.scatter @!p0 [tilespmem:s14], [sflag:$0x1], $0x1000, $0x38;
	[tilespmem:$0x1080] =	vst v63  }
0x125: {  	_ =	swait.ge @!p0 [sflag:s15], $0x1000  }
0x126: {  	[sflag:s15] =	ssyncset.done @!p0 $0x0  }
0x127: {  	[sflag:s15] =	ssyncadd.s32 @!p0 $0xFFFFF000  }
.LBB2_13:
0x128: {  	p0 =	sgt.s32 s3, $0x1B  }
.Ltmp11:
0x129: {  	_ = 	snop;
	(pc) =	sbr.rel @p0 .LBB2_15-.Ltmp11, $1  }
0x12a: {  	_ =	sdelay $0x3  }
0x12b: {  	p4 =	sgt.s32 s3, $0x19  }
0x12c: {  	s15 =	sld [smem:$0x7F3];
	p0 =	seq.s32 @p4 s3, $0x1A  }
0x12d: {  	p5 =	por !p0, !p4  }
0x12e: {  	s14 =	simm.s32 @!p5 $0x0  }
0x12f: {  	[tilespmem:s14], [sflag:$0x1] =	stream.linear.gather @!p5 [hbm4b:s15+s14], $0x1000, $0x38;
	[tilespmem:$0x1080] =	vst v63  }
0x130: {  	s15 =	simm.s32 @!p5 $0x1  }
0x131: {  	_ =	swait.ge @!p5 [sflag:s15], $0x1000  }
0x132: {  	s16 =	sld [smem:$0x7F4]  }
0x133: {  	[sflag:s15] =	ssyncset.done @!p5 $0x0  }
0x134: {  	[sflag:s15] =	ssyncadd.s32 @!p5 $0xFFFFF000  }
0x135: {  	[hbm4b:s16+s14] =	stream.linear.scatter @!p5 [tilespmem:s14], [sflag:$0x1], $0x1000, $0x38;
	[tilespmem:$0x1080] =	vst v63  }
0x136: {  	_ =	swait.ge @!p5 [sflag:s15], $0x1000  }
0x137: {  	[sflag:s15] =	ssyncset.done @!p5 $0x0  }
0x138: {  	[sflag:s15] =	ssyncadd.s32 @!p5 $0xFFFFF000;
	s15 =	sld [smem:$0x7F1]  }
0x139: {  	p0 =	por p0, !p4  }
0x13a: {  	s14 =	simm.s32 @!p0 $0x0  }
0x13b: {  	[tilespmem:s14], [sflag:$0x1] =	stream.linear.gather @!p0 [hbm4b:s15+s14], $0x1000, $0x38;
	[tilespmem:$0x1080] =	vst v63  }
0x13c: {  	s15 =	simm.s32 @!p0 $0x1  }
0x13d: {  	_ =	swait.ge @!p0 [sflag:s15], $0x1000  }
0x13e: {  	s16 =	sld [smem:$0x7F2]  }
0x13f: {  	[sflag:s15] =	ssyncset.done @!p0 $0x0  }
0x140: {  	[sflag:s15] =	ssyncadd.s32 @!p0 $0xFFFFF000  }
0x141: {  	[hbm4b:s16+s14] =	stream.linear.scatter @!p0 [tilespmem:s14], [sflag:$0x1], $0x1000, $0x38;
	[tilespmem:$0x1080] =	vst v63  }
0x142: {  	_ =	swait.ge @!p0 [sflag:s15], $0x1000  }
0x143: {  	[sflag:s15] =	ssyncset.done @!p0 $0x0  }
0x144: {  	p5 =	seq.s32 @!p4 s3, $0x18;
	[sflag:s15] =	ssyncadd.s32 @!p0 $0xFFFFF000;
	s15 =	sld [smem:$0x7F7]  }
0x145: {  	p6 =	por !p5, p4  }
0x146: {  	s14 =	simm.s32 @!p6 $0x0  }
0x147: {  	[tilespmem:s14], [sflag:$0x1] =	stream.linear.gather @!p6 [hbm4b:s15+s14], $0x1000, $0x38;
	[tilespmem:$0x1080] =	vst v63  }
0x148: {  	s15 =	simm.s32 @!p6 $0x1  }
0x149: {  	_ =	swait.ge @!p6 [sflag:s15], $0x1000  }
0x14a: {  	s16 =	sld [smem:$0x7F8]  }
0x14b: {  	[sflag:s15] =	ssyncset.done @!p6 $0x0  }
0x14c: {  	[sflag:s15] =	ssyncadd.s32 @!p6 $0xFFFFF000  }
0x14d: {  	[hbm4b:s16+s14] =	stream.linear.scatter @!p6 [tilespmem:s14], [sflag:$0x1], $0x1000, $0x38;
	[tilespmem:$0x1080] =	vst v63  }
0x14e: {  	_ =	swait.ge @!p6 [sflag:s15], $0x1000  }
0x14f: {  	[sflag:s15] =	ssyncset.done @!p6 $0x0  }
0x150: {  	[sflag:s15] =	ssyncadd.s32 @!p6 $0xFFFFF000;
	s15 =	sld [smem:$0x7F5]  }
0x151: {  	p0 =	por p5, p4  }
0x152: {  	s14 =	simm.s32 @!p0 $0x0  }
0x153: {  	[tilespmem:s14], [sflag:$0x1] =	stream.linear.gather @!p0 [hbm4b:s15+s14], $0x1000, $0x38;
	[tilespmem:$0x1080] =	vst v63  }
0x154: {  	s15 =	simm.s32 @!p0 $0x1  }
0x155: {  	_ =	swait.ge @!p0 [sflag:s15], $0x1000  }
0x156: {  	s16 =	sld [smem:$0x7F6]  }
0x157: {  	[sflag:s15] =	ssyncset.done @!p0 $0x0  }
.Ltmp12:
0x158: {  	[sflag:s15] =	ssyncadd.s32 @!p0 $0xFFFFF000;
	(pc) =	sbr.rel .LBB2_16-.Ltmp12, $4  }
0x159: {  	[hbm4b:s16+s14] =	stream.linear.scatter @!p0 [tilespmem:s14], [sflag:$0x1], $0x1000, $0x38;
	[tilespmem:$0x1080] =	vst v63  }
0x15a: {  	_ =	swait.ge @!p0 [sflag:s15], $0x1000  }
0x15b: {  	[sflag:s15] =	ssyncset.done @!p0 $0x0  }
0x15c: {  	[sflag:s15] =	ssyncadd.s32 @!p0 $0xFFFFF000  }
.LBB2_5:
0x15d: {  	s14 =	sld [smem:$0x7E2];
	_ =	sdelay $0x2  }
0x15e: {  	p0 =	seq.s32 s14, $0x1  }
0x15f: {  	s14 =	simm.s32 @!p0 $0x0;
	s15 =	simm.s32 @!p0 $0x1  }
0x160: {  	[tilespmem:s14], [sflag:$0x1] =	stream.linear.gather @!p0 [hbm4b:s4+s14], $0x1000, $0x38;
	[tilespmem:$0x1080] =	vst v63  }
0x161: {  	_ =	swait.ge @!p0 [sflag:s15], $0x1000  }
0x162: {  	[sflag:s15] =	ssyncset.done @!p0 $0x0  }
0x163: {  	s16 =	rddreg [dreg:$0x16];
	[sflag:s15] =	ssyncadd.s32 @!p0 $0xFFFFF000  }
0x164: {  	[hbm4b:s16+s14] =	stream.linear.scatter @!p0 [tilespmem:s14], [sflag:$0x1], $0x1000, $0x38;
	[tilespmem:$0x1080] =	vst v63  }
0x165: {  	_ =	swait.ge @!p0 [sflag:s15], $0x1000  }
0x166: {  	[sflag:s15] =	ssyncset.done @!p0 $0x0  }
0x167: {  	[sflag:s15] =	ssyncadd.s32 @!p0 $0xFFFFF000;
	s15 =	sld [smem:$0x7E3];
	_ =	sdelay $0x2  }
0x168: {  	p0 =	seq.s32 s15, $0x1  }
0x169: {  	s14 =	simm.s32 @!p0 $0x0;
	s15 =	simm.s32 @!p0 $0x1  }
0x16a: {  	[tilespmem:s14], [sflag:$0x1] =	stream.linear.gather @!p0 [hbm4b:s1+s14], $0x1000, $0x38;
	[tilespmem:$0x1080] =	vst v63  }
0x16b: {  	_ =	swait.ge @!p0 [sflag:s15], $0x1000  }
0x16c: {  	[sflag:s15] =	ssyncset.done @!p0 $0x0  }
0x16d: {  	s16 =	rddreg [dreg:$0x15];
	[sflag:s15] =	ssyncadd.s32 @!p0 $0xFFFFF000  }
0x16e: {  	[hbm4b:s16+s14] =	stream.linear.scatter @!p0 [tilespmem:s14], [sflag:$0x1], $0x1000, $0x38;
	[tilespmem:$0x1080] =	vst v63  }
0x16f: {  	_ =	swait.ge @!p0 [sflag:s15], $0x1000  }
0x170: {  	s16 =	sld [smem:$0x7E4];
	_ =	sdelay $0x1  }
0x171: {  	[sflag:s15] =	ssyncset.done @!p0 $0x0  }
0x172: {  	[sflag:s15] =	ssyncadd.s32 @!p0 $0xFFFFF000;
	p0 =	seq.s32 s16, $0x1  }
0x173: {  	s14 =	simm.s32 @!p0 $0x0;
	s15 =	simm.s32 @!p0 $0x1  }
0x174: {  	[tilespmem:s14], [sflag:$0x1] =	stream.linear.gather @!p0 [hbm4b:s2+s14], $0x1000, $0x38;
	[tilespmem:$0x1080] =	vst v63  }
0x175: {  	_ =	swait.ge @!p0 [sflag:s15], $0x1000  }
0x176: {  	[sflag:s15] =	ssyncset.done @!p0 $0x0  }
0x177: {  	s16 =	rddreg [dreg:$0x18];
	[sflag:s15] =	ssyncadd.s32 @!p0 $0xFFFFF000  }
0x178: {  	[hbm4b:s16+s14] =	stream.linear.scatter @!p0 [tilespmem:s14], [sflag:$0x1], $0x1000, $0x38;
	[tilespmem:$0x1080] =	vst v63  }
0x179: {  	_ =	swait.ge @!p0 [sflag:s15], $0x1000  }
0x17a: {  	s17 =	sld [smem:$0x7E5];
	_ =	sdelay $0x1  }
0x17b: {  	[sflag:s15] =	ssyncset.done @!p0 $0x0  }
0x17c: {  	[sflag:s15] =	ssyncadd.s32 @!p0 $0xFFFFF000;
	p0 =	seq.s32 s17, $0x1  }
0x17d: {  	s14 =	simm.s32 @!p0 $0x0;
	s15 =	simm.s32 @!p0 $0x1  }
0x17e: {  	[tilespmem:s14], [sflag:$0x1] =	stream.linear.gather @!p0 [hbm4b:s9+s14], $0x1000, $0x38;
	[tilespmem:$0x1080] =	vst v63  }
0x17f: {  	_ =	swait.ge @!p0 [sflag:s15], $0x1000  }
0x180: {  	[sflag:s15] =	ssyncset.done @!p0 $0x0  }
.Ltmp13:
0x181: {  	s16 =	rddreg [dreg:$0x17];
	[sflag:s15] =	ssyncadd.s32 @!p0 $0xFFFFF000;
	(pc) =	sbr.rel .LBB2_16-.Ltmp13, $4  }
0x182: {  	[hbm4b:s16+s14] =	stream.linear.scatter @!p0 [tilespmem:s14], [sflag:$0x1], $0x1000, $0x38;
	[tilespmem:$0x1080] =	vst v63  }
0x183: {  	_ =	swait.ge @!p0 [sflag:s15], $0x1000  }
0x184: {  	[sflag:s15] =	ssyncset.done @!p0 $0x0  }
0x185: {  	[sflag:s15] =	ssyncadd.s32 @!p0 $0xFFFFF000  }
.LBB2_12:
0x186: {  	p4 =	sgt.s32 s3, $0x15  }
0x187: {  	p0 =	seq.s32 @p4 s3, $0x16  }
0x188: {  	p5 =	por !p0, !p4  }
0x189: {  	s14 =	simm.s32 @!p5 $0x0;
	s15 =	simm.s32 @!p5 $0x1  }
0x18a: {  	[tilespmem:s14], [sflag:$0x1] =	stream.linear.gather @!p5 [hbm4b:s18+s14], $0x1000, $0x38;
	[tilespmem:$0x1080] =	vst v63  }
0x18b: {  	_ =	swait.ge @!p5 [sflag:s15], $0x1000  }
0x18c: {  	[sflag:s15] =	ssyncset.done @!p5 $0x0  }
0x18d: {  	[sflag:s15] =	ssyncadd.s32 @!p5 $0xFFFFF000  }
0x18e: {  	[hbm4b:s19+s14] =	stream.linear.scatter @!p5 [tilespmem:s14], [sflag:$0x1], $0x1000, $0x38;
	[tilespmem:$0x1080] =	vst v63  }
0x18f: {  	_ =	swait.ge @!p5 [sflag:s15], $0x1000  }
0x190: {  	[sflag:s15] =	ssyncset.done @!p5 $0x0  }
0x191: {  	[sflag:s15] =	ssyncadd.s32 @!p5 $0xFFFFF000;
	s15 =	sld [smem:$0x7F9]  }
0x192: {  	p0 =	por p0, !p4  }
0x193: {  	s14 =	simm.s32 @!p0 $0x0  }
0x194: {  	[tilespmem:s14], [sflag:$0x1] =	stream.linear.gather @!p0 [hbm4b:s15+s14], $0x1000, $0x38;
	[tilespmem:$0x1080] =	vst v63  }
0x195: {  	s15 =	simm.s32 @!p0 $0x1  }
0x196: {  	_ =	swait.ge @!p0 [sflag:s15], $0x1000  }
0x197: {  	s16 =	sld [smem:$0x7FA]  }
0x198: {  	[sflag:s15] =	ssyncset.done @!p0 $0x0  }
0x199: {  	[sflag:s15] =	ssyncadd.s32 @!p0 $0xFFFFF000  }
0x19a: {  	[hbm4b:s16+s14] =	stream.linear.scatter @!p0 [tilespmem:s14], [sflag:$0x1], $0x1000, $0x38;
	[tilespmem:$0x1080] =	vst v63  }
0x19b: {  	p5 =	seq.s32 @!p4 s3, $0x14;
	_ =	swait.ge @!p0 [sflag:s15], $0x1000  }
0x19c: {  	p6 =	por !p5, p4;
	[sflag:s15] =	ssyncset.done @!p0 $0x0  }
0x19d: {  	s14 =	simm.s32 @!p6 $0x0;
	[sflag:s15] =	ssyncadd.s32 @!p0 $0xFFFFF000;
	s15 =	rddreg [dreg:$0xa]  }
0x19e: {  	[tilespmem:s14], [sflag:$0x1] =	stream.linear.gather @!p6 [hbm4b:s15+s14], $0x1000, $0x38;
	[tilespmem:$0x1080] =	vst v63  }
0x19f: {  	s15 =	simm.s32 @!p6 $0x1  }
0x1a0: {  	_ =	swait.ge @!p6 [sflag:s15], $0x1000  }
0x1a1: {  	[sflag:s15] =	ssyncset.done @!p6 $0x0  }
0x1a2: {  	[sflag:s15] =	ssyncadd.s32 @!p6 $0xFFFFF000  }
0x1a3: {  	[hbm4b:s22+s14] =	stream.linear.scatter @!p6 [tilespmem:s14], [sflag:$0x1], $0x1000, $0x38;
	[tilespmem:$0x1080] =	vst v63  }
0x1a4: {  	_ =	swait.ge @!p6 [sflag:s15], $0x1000  }
0x1a5: {  	p0 =	por p5, p4;
	[sflag:s15] =	ssyncset.done @!p6 $0x0  }
0x1a6: {  	s14 =	simm.s32 @!p0 $0x0;
	[sflag:s15] =	ssyncadd.s32 @!p6 $0xFFFFF000;
	s15 =	simm.s32 @!p0 $0x1  }
0x1a7: {  	[tilespmem:s14], [sflag:$0x1] =	stream.linear.gather @!p0 [hbm4b:s20+s14], $0x1000, $0x38;
	[tilespmem:$0x1080] =	vst v63  }
0x1a8: {  	_ =	swait.ge @!p0 [sflag:s15], $0x1000  }
0x1a9: {  	[sflag:s15] =	ssyncset.done @!p0 $0x0  }
.Ltmp14:
0x1aa: {  	[sflag:s15] =	ssyncadd.s32 @!p0 $0xFFFFF000;
	(pc) =	sbr.rel .LBB2_16-.Ltmp14, $4  }
0x1ab: {  	[hbm4b:s21+s14] =	stream.linear.scatter @!p0 [tilespmem:s14], [sflag:$0x1], $0x1000, $0x38;
	[tilespmem:$0x1080] =	vst v63  }
0x1ac: {  	_ =	swait.ge @!p0 [sflag:s15], $0x1000  }
0x1ad: {  	[sflag:s15] =	ssyncset.done @!p0 $0x0  }
0x1ae: {  	[sflag:s15] =	ssyncadd.s32 @!p0 $0xFFFFF000  }
.LBB2_8:
0x1af: {  	s14 =	sld [smem:$0x7EA];
	_ =	sdelay $0x2  }
0x1b0: {  	p0 =	seq.s32 s14, $0x1  }
0x1b1: {  	s14 =	simm.s32 @!p0 $0x0;
	s15 =	simm.s32 @!p0 $0x1  }
0x1b2: {  	[tilespmem:s14], [sflag:$0x1] =	stream.linear.gather @!p0 [hbm4b:s30+s14], $0x1000, $0x38;
	[tilespmem:$0x1080] =	vst v63  }
0x1b3: {  	_ =	swait.ge @!p0 [sflag:s15], $0x1000  }
0x1b4: {  	[sflag:s15] =	ssyncset.done @!p0 $0x0  }
0x1b5: {  	s16 =	rddreg [dreg:$0xe];
	[sflag:s15] =	ssyncadd.s32 @!p0 $0xFFFFF000  }
0x1b6: {  	[hbm4b:s16+s14] =	stream.linear.scatter @!p0 [tilespmem:s14], [sflag:$0x1], $0x1000, $0x38;
	[tilespmem:$0x1080] =	vst v63  }
0x1b7: {  	_ =	swait.ge @!p0 [sflag:s15], $0x1000  }
0x1b8: {  	s16 =	sld [smem:$0x7EB];
	_ =	sdelay $0x1  }
0x1b9: {  	[sflag:s15] =	ssyncset.done @!p0 $0x0  }
0x1ba: {  	[sflag:s15] =	ssyncadd.s32 @!p0 $0xFFFFF000;
	p0 =	seq.s32 s16, $0x1  }
0x1bb: {  	s14 =	simm.s32 @!p0 $0x0;
	s15 =	simm.s32 @!p0 $0x1  }
0x1bc: {  	[tilespmem:s14], [sflag:$0x1] =	stream.linear.gather @!p0 [hbm4b:s29+s14], $0x1000, $0x38;
	[tilespmem:$0x1080] =	vst v63  }
0x1bd: {  	_ =	swait.ge @!p0 [sflag:s15], $0x1000  }
0x1be: {  	[sflag:s15] =	ssyncset.done @!p0 $0x0  }
0x1bf: {  	s16 =	rddreg [dreg:$0xd];
	[sflag:s15] =	ssyncadd.s32 @!p0 $0xFFFFF000  }
0x1c0: {  	[hbm4b:s16+s14] =	stream.linear.scatter @!p0 [tilespmem:s14], [sflag:$0x1], $0x1000, $0x38;
	[tilespmem:$0x1080] =	vst v63  }
0x1c1: {  	_ =	swait.ge @!p0 [sflag:s15], $0x1000  }
0x1c2: {  	s17 =	sld [smem:$0x7EC];
	_ =	sdelay $0x1  }
0x1c3: {  	[sflag:s15] =	ssyncset.done @!p0 $0x0  }
0x1c4: {  	[sflag:s15] =	ssyncadd.s32 @!p0 $0xFFFFF000;
	p0 =	seq.s32 s17, $0x1  }
0x1c5: {  	s14 =	simm.s32 @!p0 $0x0;
	s15 =	simm.s32 @!p0 $0x1  }
0x1c6: {  	[tilespmem:s14], [sflag:$0x1] =	stream.linear.gather @!p0 [hbm4b:s7+s14], $0x1000, $0x38;
	[tilespmem:$0x1080] =	vst v63  }
0x1c7: {  	_ =	swait.ge @!p0 [sflag:s15], $0x1000  }
0x1c8: {  	[sflag:s15] =	ssyncset.done @!p0 $0x0  }
0x1c9: {  	s16 =	rddreg [dreg:$0x10];
	[sflag:s15] =	ssyncadd.s32 @!p0 $0xFFFFF000  }
0x1ca: {  	[hbm4b:s16+s14] =	stream.linear.scatter @!p0 [tilespmem:s14], [sflag:$0x1], $0x1000, $0x38;
	[tilespmem:$0x1080] =	vst v63  }
0x1cb: {  	_ =	swait.ge @!p0 [sflag:s15], $0x1000  }
0x1cc: {  	[sflag:s15] =	ssyncset.done @!p0 $0x0  }
0x1cd: {  	s14 =	simm.s32 @!p3 $0x0;
	[sflag:s15] =	ssyncadd.s32 @!p0 $0xFFFFF000;
	s15 =	simm.s32 @!p3 $0x1  }
0x1ce: {  	[tilespmem:s14], [sflag:$0x1] =	stream.linear.gather @!p3 [hbm4b:s31+s14], $0x1000, $0x38;
	[tilespmem:$0x1080] =	vst v63  }
0x1cf: {  	_ =	swait.ge @!p3 [sflag:s15], $0x1000  }
0x1d0: {  	[sflag:s15] =	ssyncset.done @!p3 $0x0  }
.Ltmp15:
0x1d1: {  	s16 =	rddreg [dreg:$0xf];
	[sflag:s15] =	ssyncadd.s32 @!p3 $0xFFFFF000;
	(pc) =	sbr.rel .LBB2_16-.Ltmp15, $4  }
0x1d2: {  	[hbm4b:s16+s14] =	stream.linear.scatter @!p3 [tilespmem:s14], [sflag:$0x1], $0x1000, $0x38;
	[tilespmem:$0x1080] =	vst v63  }
0x1d3: {  	_ =	swait.ge @!p3 [sflag:s15], $0x1000  }
0x1d4: {  	[sflag:s15] =	ssyncset.done @!p3 $0x0  }
0x1d5: {  	[sflag:s15] =	ssyncadd.s32 @!p3 $0xFFFFF000  }
.LBB2_17:
0x1d6: {  	_ =	sfence.sel $0x180000  }
0x1d7: {  	[bflag:$0x0] =	sbarrier.arrive $0xFFFF  }
0x1d8: {  	_ =	strace $0x90000047  }
0x1d9: {  	s0 =	stileid.u32;
	[bflag:$0x2] =	sbarrier.arrive $0xFFFF  }
0x1da: {  	p0 =	sne.s32 s0, $0x0;
	s0 =	rddreg [dreg:$0x7]  }
0x1db: {  	s0 =	sadd.s32 @!p0 $0x100000, s0  }
0x1dc: {  	[sflag:s0] =	ssyncadd.tile.s32 @!p0 $0x1;
	_ =	shalt  }
.Lfunc_end2:
_tile_overlayer_lowered:
.L_overlay_start_2:
0x1dd: {  	(tag) =	ssettag $0x2  }
0x1de: {  	s0 =	rddreg [dreg:$0x0];
	s2 =	stileid.u32  }
0x1df: {  	s1 =	rddreg [dreg:$0x1];
	p0 =	sne.s32 s2, $0x0  }
0x1e0: {  	s3 =	rddreg [dreg:$0x2];
	[bflag:$0x3] =	sbarrier.arrive $0xFFFF;
	s2 =	simm.s32 @!p0 $0x1C01  }
0x1e1: {  	[timem:s3], [sflag:s2] =	dma.local @!p0 [hbm:s0], s1  }
0x1e2: {  	s0 =	simm.s32 @!p0 $0x1  }
0x1e3: {  	_ =	swait.ge @!p0 [sflag:s0], s1  }
0x1e4: {  	s1 =	ssub.s32 @!p0 $0x0, s1;
	[sflag:s0] =	ssyncset.done @!p0 $0x0  }
0x1e5: {  	[sflag:s0] =	ssyncadd.s32 @!p0 s1  }
0x1e6: {  	[bflag:$0x3] =	sbarrier.arrive $0xFFFF  }
0x1e7: {  	_ =	shalt  }

</sc_bundles>
